<compile_context>
chip_gen: v7x
topology: tpu7x:2x2x1
jax: 0.10.2.dev20260603
libtpu: 0.0.44.dev20260713+nightly
codegen_flags: <defaults>
</compile_context>

<pallas_src>
import functools

import jax
import jax.numpy as jnp
from jax import lax
from jax.experimental import pallas as pl
from jax.experimental.pallas import tpu as pltpu
from jax.experimental.pallas import tpu_sc as plsc

B = 16384
K = 16
TW = 128

_INFO = plsc.get_sparse_core_info()
_NC, _NS, _L = _INFO.num_cores, _INFO.num_subcores, _INFO.num_lanes
_NW = _NC * _NS
_BPW = B // _NW
_NG = _BPW // _L


def _sc_body(users_hbm, items_hbm, gut_hbm, git_hbm,
             xui_out, guo, gio,
             uidx_v, iidx_v, ubuf_v, ibuf_v,
             ustage_v, istage_v, xui_v, gsem, osem):
    wid = lax.axis_index("s") * _NC + lax.axis_index("c")
    base = wid * _BPW

    pltpu.sync_copy(users_hbm.at[pl.ds(base, _BPW)], uidx_v)
    pltpu.sync_copy(items_hbm.at[pl.ds(base, _BPW)], iidx_v)

    lanes = lax.iota(jnp.int32, _L)

    def group(t, carry):
        sl = pl.ds(t * _L, _L)
        uids = uidx_v[sl]
        iids = iidx_v[sl]
        cps = []
        for slot in range(_L):
            utc = pl.multiple_of((uids[slot] >> 7) * TW, TW)
            itc = pl.multiple_of((iids[slot] >> 7) * TW, TW)
            cps.append(pltpu.async_copy(
                gut_hbm.at[:, pl.ds(utc, TW)], ubuf_v.at[slot], gsem))
            cps.append(pltpu.async_copy(
                git_hbm.at[:, pl.ds(itc, TW)], ibuf_v.at[slot], gsem))
        for cp in cps:
            cp.wait()

        ul = uids & (TW - 1)
        il = iids & (TW - 1)
        acc = None
        for k in range(K):
            kf = jnp.full((_L,), k, jnp.int32)
            uvals = plsc.load_gather(ubuf_v, [lanes, kf, ul])
            ivals = plsc.load_gather(ibuf_v, [lanes, kf, il])
            ustage_v[k, sl] = uvals
            istage_v[k, sl] = ivals
            p = uvals * ivals
            acc = p if acc is None else acc + p
        xui_v[sl] = acc
        return carry

    lax.fori_loop(0, _NG, group, 0)

    obase = pl.multiple_of(base, 128)
    outs = [
        pltpu.async_copy(ustage_v, guo.at[:, pl.ds(obase, _BPW)], osem),
        pltpu.async_copy(istage_v, gio.at[:, pl.ds(obase, _BPW)], osem),
    ]
    pltpu.sync_copy(xui_v, xui_out.at[pl.ds(base, _BPW)])
    for cp in outs:
        cp.wait()


_mf_kernel = functools.partial(
    pl.kernel,
    mesh=plsc.VectorSubcoreMesh(core_axis_name="c", subcore_axis_name="s"),
    out_type=(
        jax.ShapeDtypeStruct((B,), jnp.float32),
        jax.ShapeDtypeStruct((K, B), jnp.float32),
        jax.ShapeDtypeStruct((K, B), jnp.float32),
    ),
    scratch_types=[
        pltpu.VMEM((_BPW,), jnp.int32),
        pltpu.VMEM((_BPW,), jnp.int32),
        pltpu.VMEM((_L, K, TW), jnp.float32),
        pltpu.VMEM((_L, K, TW), jnp.float32),
        pltpu.VMEM((K, _BPW), jnp.float32),
        pltpu.VMEM((K, _BPW), jnp.float32),
        pltpu.VMEM((_BPW,), jnp.float32),
        pltpu.SemaphoreType.DMA,
        pltpu.SemaphoreType.DMA,
    ],
    compiler_params=pltpu.CompilerParams(needs_layout_passes=False),
)(_sc_body)


def kernel(users, items, Gu, Gi):
    xui, guo, gio = _mf_kernel(
        users.astype(jnp.int32), items.astype(jnp.int32), Gu.T, Gi.T)
    return (xui, guo.T, gio.T)

# --- scband reference (transcript-rebuilt; emitter-appended) ---
"""Pipeline reference for scband-rslogic2-model-26714696581662 (READ-ONLY COPY).

The authoritative reference and input builder live on the scoring server;
editing this copy changes nothing except your own understanding.
"""

import jax, jax.numpy as jnp
import numpy as np

NUM_USERS = 1000000
NUM_ITEMS = 1000000
EMBED_K = 16
BATCH = 16384

def setup_inputs(seed: int = 0) -> dict:
    key = jax.random.key(seed)
    k1, k2, k3, k4 = jax.random.split(key, 4)
    users = jax.random.randint(k1, (BATCH,), 0, NUM_USERS, dtype=jnp.int64) if jax.config.jax_enable_x64 else jax.random.randint(k1, (BATCH,), 0, NUM_USERS, dtype=jnp.int32)
    items = jax.random.randint(k2, (BATCH,), 0, NUM_ITEMS, dtype=jnp.int64) if jax.config.jax_enable_x64 else jax.random.randint(k2, (BATCH,), 0, NUM_ITEMS, dtype=jnp.int32)
    # Xavier-uniform init per torch.nn.init.xavier_uniform_ on [num_embeddings, embed_k]
    bound_u = float(np.sqrt(6.0 / (NUM_USERS + EMBED_K)))
    bound_i = float(np.sqrt(6.0 / (NUM_ITEMS + EMBED_K)))
    Gu = jax.random.uniform(k3, (NUM_USERS, EMBED_K), minval=-bound_u, maxval=bound_u, dtype=jnp.float32)
    Gi = jax.random.uniform(k4, (NUM_ITEMS, EMBED_K), minval=-bound_i, maxval=bound_i, dtype=jnp.float32)
    return {"users": users, "items": items, "Gu": Gu, "Gi": Gi}

def reference(users, items, Gu, Gi):
    # RSLOGIC2Model.forward(inputs=(users, items)):
    #   gamma_u = Gu.weight[users]; gamma_i = Gi.weight[items]
    #   xui = sum(gamma_u * gamma_i, dim=1)
    gamma_u = jnp.take(Gu, users, axis=0)
    gamma_i = jnp.take(Gi, items, axis=0)
    xui = jnp.sum(gamma_u * gamma_i, axis=1)
    return (xui, gamma_u, gamma_i)

if __name__ == "__main__":
    import jax
    _d = setup_inputs()
    print(jax.jit(kernel)(*tuple(_d.values())))

</pallas_src>

<mosaic_0001>
#map = affine_map<(d0, d1) -> (0)>
#map1 = affine_map<(d0, d1) -> (0, 0)>
module attributes {stable_mosaic.version = 14 : i64} {
  func.func @_sc_body(%arg0: i32, %arg1: i32, %arg2: memref<16384xi32, #tpu.memory_space<hbm>>, %arg3: memref<16384xi32, #tpu.memory_space<hbm>>, %arg4: memref<16x1000000xf32, #tpu.memory_space<hbm>>, %arg5: memref<16x1000000xf32, #tpu.memory_space<hbm>>, %arg6: memref<16384xf32, #tpu.memory_space<hbm>>, %arg7: memref<16x16384xf32, #tpu.memory_space<hbm>>, %arg8: memref<16x16384xf32, #tpu.memory_space<hbm>>, %arg9: memref<512xi32, #tpu.memory_space<vmem>>, %arg10: memref<512xi32, #tpu.memory_space<vmem>>, %arg11: memref<16x16x128xf32, #tpu.memory_space<vmem>>, %arg12: memref<16x16x128xf32, #tpu.memory_space<vmem>>, %arg13: memref<16x512xf32, #tpu.memory_space<vmem>>, %arg14: memref<16x512xf32, #tpu.memory_space<vmem>>, %arg15: memref<512xf32, #tpu.memory_space<vmem>>, %arg16: memref<!tpu.dma_semaphore, #tpu.memory_space<semaphore_mem>>, %arg17: memref<!tpu.dma_semaphore, #tpu.memory_space<semaphore_mem>>) attributes {dimension_semantics = [#tpu.dimension_semantics<core_parallel>, #tpu.dimension_semantics<subcore_parallel>], iteration_bounds = array<i64: 2, 16>, scalar_prefetch = 0 : i64, scratch_operands = 9 : i64, tpu.core_type = #tpu.core_type<sc_vector_subcore>, window_params = [{transform_indices = #map}, {transform_indices = #map}, {transform_indices = #map1}, {transform_indices = #map1}, {transform_indices = #map}, {transform_indices = #map1}, {transform_indices = #map1}]} {
    %mul3A = arith.constant 2 : i32
    %mul3A_0 = arith.muli %arg1, %mul3A : i32
    %add3A = arith.addi %mul3A_0, %arg0 : i32
    %mul3A_1 = arith.constant 512 : i32
    %mul3A_2 = arith.muli %add3A, %mul3A_1 : i32
    "tpu.region"() ({
      %run_scoped3A = tpu.sem_alloc : memref<!tpu.dma_semaphore, #tpu.memory_space<semaphore_mem>>
      %dma_start3A_22 = tpu.memref_slice %arg2[%mul3A_2] : memref<16384xi32, #tpu.memory_space<hbm>> -> memref<512xi32, #tpu.memory_space<hbm>>
      %dma_start3A_23 = tpu.memref_slice %arg2[%mul3A_2] : memref<16384xi32, #tpu.memory_space<hbm>> -> memref<512xi32, #tpu.memory_space<hbm>>
      tpu.enqueue_dma source(%dma_start3A_23 : memref<512xi32, #tpu.memory_space<hbm>>) target(%arg9 : memref<512xi32, #tpu.memory_space<vmem>>) target_semaphore(%run_scoped3A : memref<!tpu.dma_semaphore, #tpu.memory_space<semaphore_mem>>)
      %dma_wait3A_24 = tpu.memref_slice %arg2[%mul3A_2] : memref<16384xi32, #tpu.memory_space<hbm>> -> memref<512xi32, #tpu.memory_space<hbm>>
      %dma_wait3A_25 = tpu.memref_slice %arg2[%mul3A_2] : memref<16384xi32, #tpu.memory_space<hbm>> -> memref<512xi32, #tpu.memory_space<hbm>>
      tpu.wait_dma2 semaphore(%run_scoped3A : memref<!tpu.dma_semaphore, #tpu.memory_space<semaphore_mem>>) src(%dma_wait3A_25 : memref<512xi32, #tpu.memory_space<hbm>>) dst(%arg9 : memref<512xi32, #tpu.memory_space<vmem>>)
      tpu.yield
    }) : () -> ()
    "tpu.region"() ({
      %run_scoped3A = tpu.sem_alloc : memref<!tpu.dma_semaphore, #tpu.memory_space<semaphore_mem>>
      %dma_start3A_22 = tpu.memref_slice %arg3[%mul3A_2] : memref<16384xi32, #tpu.memory_space<hbm>> -> memref<512xi32, #tpu.memory_space<hbm>>
      %dma_start3A_23 = tpu.memref_slice %arg3[%mul3A_2] : memref<16384xi32, #tpu.memory_space<hbm>> -> memref<512xi32, #tpu.memory_space<hbm>>
      tpu.enqueue_dma source(%dma_start3A_23 : memref<512xi32, #tpu.memory_space<hbm>>) target(%arg10 : memref<512xi32, #tpu.memory_space<vmem>>) target_semaphore(%run_scoped3A : memref<!tpu.dma_semaphore, #tpu.memory_space<semaphore_mem>>)
      %dma_wait3A_24 = tpu.memref_slice %arg3[%mul3A_2] : memref<16384xi32, #tpu.memory_space<hbm>> -> memref<512xi32, #tpu.memory_space<hbm>>
      %dma_wait3A_25 = tpu.memref_slice %arg3[%mul3A_2] : memref<16384xi32, #tpu.memory_space<hbm>> -> memref<512xi32, #tpu.memory_space<hbm>>
      tpu.wait_dma2 semaphore(%run_scoped3A : memref<!tpu.dma_semaphore, #tpu.memory_space<semaphore_mem>>) src(%dma_wait3A_25 : memref<512xi32, #tpu.memory_space<hbm>>) dst(%arg10 : memref<512xi32, #tpu.memory_space<vmem>>)
      tpu.yield
    }) : () -> ()
    %iota3A = tpu.iota {dimensions = array<i32: 0>} : vector<16xi32>
    %scan3A = arith.constant 0 : i32
    %scan3A_3 = arith.constant 0 : i32
    %scan3A_4 = arith.constant 32 : i32
    %scan3A_5 = arith.addi %scan3A_3, %scan3A_4 : i32
    %scan3A_6 = arith.constant 1 : i32
    scf.for %scan3A_22 = %scan3A_3 to %scan3A_5 step %scan3A_6  : i32 {
      %mul3A_23 = arith.constant 16 : i32
      %mul3A_24 = arith.muli %scan3A_22, %mul3A_23 : i32
      %get3A = arith.index_cast %mul3A_24 : i32 to index
      %get3A_25 = tpu.vector_load %arg9[%get3A] {strides = array<i32>} : memref<512xi32, #tpu.memory_space<vmem>>, vector<16xi32>,
      %get3A_26 = arith.index_cast %mul3A_24 : i32 to index
      %get3A_27 = tpu.vector_load %arg10[%get3A_26] {strides = array<i32>} : memref<512xi32, #tpu.memory_space<vmem>>, vector<16xi32>,
      %slice3A = vector.extract_strided_slice %get3A_25 {offsets = [0], sizes = [1], strides = [1]} : vector<16xi32> to vector<1xi32>
      %squeeze3A = vector.extract %slice3A[0] : i32 from vector<1xi32>
      %shift_right_arithmetic3A = arith.constant 7 : i32
      %shift_right_arithmetic3A_28 = arith.shrsi %squeeze3A, %shift_right_arithmetic3A : i32
      %mul3A_29 = arith.constant 128 : i32
      %mul3A_30 = arith.muli %shift_right_arithmetic3A_28, %mul3A_29 : i32
      %multiple_of3A_31 = tpu.assume_multiple %mul3A_30, 128 : i32
      %slice3A_32 = vector.extract_strided_slice %get3A_27 {offsets = [0], sizes = [1], strides = [1]} : vector<16xi32> to vector<1xi32>
      %squeeze3A_33 = vector.extract %slice3A_32[0] : i32 from vector<1xi32>
      %shift_right_arithmetic3A_34 = arith.constant 7 : i32
      %shift_right_arithmetic3A_35 = arith.shrsi %squeeze3A_33, %shift_right_arithmetic3A_34 : i32
      %mul3A_36 = arith.constant 128 : i32
      %mul3A_37 = arith.muli %shift_right_arithmetic3A_35, %mul3A_36 : i32
      %multiple_of3A_38 = tpu.assume_multiple %mul3A_37, 128 : i32
      %dma_start3A_39 = arith.constant 0 : i32
      %dma_start3A_40 = arith.constant 0 : i32
      %dma_start3A_41 = arith.constant 0 : i32
      %dma_start3A_42 = tpu.memref_slice %arg11[%dma_start3A_39, %dma_start3A_40, %dma_start3A_41] : memref<16x16x128xf32, #tpu.memory_space<vmem>> -> memref<1x16x128xf32, #tpu.memory_space<vmem>>
      %dma_start3A_43 = tpu.memref_squeeze %dma_start3A_42 : memref<1x16x128xf32, #tpu.memory_space<vmem>> -> memref<16x128xf32, #tpu.memory_space<vmem>>
      %dma_start3A_44 = arith.constant 0 : i32
      %dma_start3A_45 = tpu.memref_slice %arg4[%dma_start3A_44, %multiple_of3A_31] : memref<16x1000000xf32, #tpu.memory_space<hbm>> -> memref<16x128xf32, #tpu.memory_space<hbm>>
      %dma_start3A_46 = arith.constant 0 : i32
      %dma_start3A_47 = arith.constant 0 : i32
      %dma_start3A_48 = tpu.memref_slice %arg11[%dma_start3A_39, %dma_start3A_46, %dma_start3A_47] : memref<16x16x128xf32, #tpu.memory_space<vmem>> -> memref<1x16x128xf32, #tpu.memory_space<vmem>>
      %dma_start3A_49 = tpu.memref_squeeze %dma_start3A_48 : memref<1x16x128xf32, #tpu.memory_space<vmem>> -> memref<16x128xf32, #tpu.memory_space<vmem>>
      %dma_start3A_50 = arith.constant 0 : i32
      %dma_start3A_51 = tpu.memref_slice %arg4[%dma_start3A_50, %multiple_of3A_31] : memref<16x1000000xf32, #tpu.memory_space<hbm>> -> memref<16x128xf32, #tpu.memory_space<hbm>>
      tpu.enqueue_dma source(%dma_start3A_51 : memref<16x128xf32, #tpu.memory_space<hbm>>) target(%dma_start3A_49 : memref<16x128xf32, #tpu.memory_space<vmem>>) target_semaphore(%arg16 : memref<!tpu.dma_semaphore, #tpu.memory_space<semaphore_mem>>)
      %dma_start3A_52 = arith.constant 0 : i32
      %dma_start3A_53 = arith.constant 0 : i32
      %dma_start3A_54 = arith.constant 0 : i32
      %dma_start3A_55 = tpu.memref_slice %arg12[%dma_start3A_52, %dma_start3A_53, %dma_start3A_54] : memref<16x16x128xf32, #tpu.memory_space<vmem>> -> memref<1x16x128xf32, #tpu.memory_space<vmem>>
      %dma_start3A_56 = tpu.memref_squeeze %dma_start3A_55 : memref<1x16x128xf32, #tpu.memory_space<vmem>> -> memref<16x128xf32, #tpu.memory_space<vmem>>
      %dma_start3A_57 = arith.constant 0 : i32
      %dma_start3A_58 = tpu.memref_slice %arg5[%dma_start3A_57, %multiple_of3A_38] : memref<16x1000000xf32, #tpu.memory_space<hbm>> -> memref<16x128xf32, #tpu.memory_space<hbm>>
      %dma_start3A_59 = arith.constant 0 : i32
      %dma_start3A_60 = arith.constant 0 : i32
      %dma_start3A_61 = tpu.memref_slice %arg12[%dma_start3A_52, %dma_start3A_59, %dma_start3A_60] : memref<16x16x128xf32, #tpu.memory_space<vmem>> -> memref<1x16x128xf32, #tpu.memory_space<vmem>>
      %dma_start3A_62 = tpu.memref_squeeze %dma_start3A_61 : memref<1x16x128xf32, #tpu.memory_space<vmem>> -> memref<16x128xf32, #tpu.memory_space<vmem>>
      %dma_start3A_63 = arith.constant 0 : i32
      %dma_start3A_64 = tpu.memref_slice %arg5[%dma_start3A_63, %multiple_of3A_38] : memref<16x1000000xf32, #tpu.memory_space<hbm>> -> memref<16x128xf32, #tpu.memory_space<hbm>>
      tpu.enqueue_dma source(%dma_start3A_64 : memref<16x128xf32, #tpu.memory_space<hbm>>) target(%dma_start3A_62 : memref<16x128xf32, #tpu.memory_space<vmem>>) target_semaphore(%arg16 : memref<!tpu.dma_semaphore, #tpu.memory_space<semaphore_mem>>)
      %slice3A_65 = vector.extract_strided_slice %get3A_25 {offsets = [1], sizes = [1], strides = [1]} : vector<16xi32> to vector<1xi32>
      %squeeze3A_66 = vector.extract %slice3A_65[0] : i32 from vector<1xi32>
      %shift_right_arithmetic3A_67 = arith.constant 7 : i32
      %shift_right_arithmetic3A_68 = arith.shrsi %squeeze3A_66, %shift_right_arithmetic3A_67 : i32
      %mul3A_69 = arith.constant 128 : i32
      %mul3A_70 = arith.muli %shift_right_arithmetic3A_68, %mul3A_69 : i32
      %multiple_of3A_71 = tpu.assume_multiple %mul3A_70, 128 : i32
      %slice3A_72 = vector.extract_strided_slice %get3A_27 {offsets = [1], sizes = [1], strides = [1]} : vector<16xi32> to vector<1xi32>
      %squeeze3A_73 = vector.extract %slice3A_72[0] : i32 from vector<1xi32>
      %shift_right_arithmetic3A_74 = arith.constant 7 : i32
      %shift_right_arithmetic3A_75 = arith.shrsi %squeeze3A_73, %shift_right_arithmetic3A_74 : i32
      %mul3A_76 = arith.constant 128 : i32
      %mul3A_77 = arith.muli %shift_right_arithmetic3A_75, %mul3A_76 : i32
      %multiple_of3A_78 = tpu.assume_multiple %mul3A_77, 128 : i32
      %dma_start3A_79 = arith.constant 1 : i32
      %dma_start3A_80 = arith.constant 0 : i32
      %dma_start3A_81 = arith.constant 0 : i32
      %dma_start3A_82 = tpu.memref_slice %arg11[%dma_start3A_79, %dma_start3A_80, %dma_start3A_81] : memref<16x16x128xf32, #tpu.memory_space<vmem>> -> memref<1x16x128xf32, #tpu.memory_space<vmem>>
      %dma_start3A_83 = tpu.memref_squeeze %dma_start3A_82 : memref<1x16x128xf32, #tpu.memory_space<vmem>> -> memref<16x128xf32, #tpu.memory_space<vmem>>
      %dma_start3A_84 = arith.constant 0 : i32
      %dma_start3A_85 = tpu.memref_slice %arg4[%dma_start3A_84, %multiple_of3A_71] : memref<16x1000000xf32, #tpu.memory_space<hbm>> -> memref<16x128xf32, #tpu.memory_space<hbm>>
      %dma_start3A_86 = arith.constant 0 : i32
      %dma_start3A_87 = arith.constant 0 : i32
      %dma_start3A_88 = tpu.memref_slice %arg11[%dma_start3A_79, %dma_start3A_86, %dma_start3A_87] : memref<16x16x128xf32, #tpu.memory_space<vmem>> -> memref<1x16x128xf32, #tpu.memory_space<vmem>>
      %dma_start3A_89 = tpu.memref_squeeze %dma_start3A_88 : memref<1x16x128xf32, #tpu.memory_space<vmem>> -> memref<16x128xf32, #tpu.memory_space<vmem>>
      %dma_start3A_90 = arith.constant 0 : i32
      %dma_start3A_91 = tpu.memref_slice %arg4[%dma_start3A_90, %multiple_of3A_71] : memref<16x1000000xf32, #tpu.memory_space<hbm>> -> memref<16x128xf32, #tpu.memory_space<hbm>>
      tpu.enqueue_dma source(%dma_start3A_91 : memref<16x128xf32, #tpu.memory_space<hbm>>) target(%dma_start3A_89 : memref<16x128xf32, #tpu.memory_space<vmem>>) target_semaphore(%arg16 : memref<!tpu.dma_semaphore, #tpu.memory_space<semaphore_mem>>)
      %dma_start3A_92 = arith.constant 1 : i32
      %dma_start3A_93 = arith.constant 0 : i32
      %dma_start3A_94 = arith.constant 0 : i32
      %dma_start3A_95 = tpu.memref_slice %arg12[%dma_start3A_92, %dma_start3A_93, %dma_start3A_94] : memref<16x16x128xf32, #tpu.memory_space<vmem>> -> memref<1x16x128xf32, #tpu.memory_space<vmem>>
      %dma_start3A_96 = tpu.memref_squeeze %dma_start3A_95 : memref<1x16x128xf32, #tpu.memory_space<vmem>> -> memref<16x128xf32, #tpu.memory_space<vmem>>
      %dma_start3A_97 = arith.constant 0 : i32
      %dma_start3A_98 = tpu.memref_slice %arg5[%dma_start3A_97, %multiple_of3A_78] : memref<16x1000000xf32, #tpu.memory_space<hbm>> -> memref<16x128xf32, #tpu.memory_space<hbm>>
      %dma_start3A_99 = arith.constant 0 : i32
      %dma_start3A_100 = arith.constant 0 : i32
      %dma_start3A_101 = tpu.memref_slice %arg12[%dma_start3A_92, %dma_start3A_99, %dma_start3A_100] : memref<16x16x128xf32, #tpu.memory_space<vmem>> -> memref<1x16x128xf32, #tpu.memory_space<vmem>>
      %dma_start3A_102 = tpu.memref_squeeze %dma_start3A_101 : memref<1x16x128xf32, #tpu.memory_space<vmem>> -> memref<16x128xf32, #tpu.memory_space<vmem>>
      %dma_start3A_103 = arith.constant 0 : i32
      %dma_start3A_104 = tpu.memref_slice %arg5[%dma_start3A_103, %multiple_of3A_78] : memref<16x1000000xf32, #tpu.memory_space<hbm>> -> memref<16x128xf32, #tpu.memory_space<hbm>>
      tpu.enqueue_dma source(%dma_start3A_104 : memref<16x128xf32, #tpu.memory_space<hbm>>) target(%dma_start3A_102 : memref<16x128xf32, #tpu.memory_space<vmem>>) target_semaphore(%arg16 : memref<!tpu.dma_semaphore, #tpu.memory_space<semaphore_mem>>)
      %slice3A_105 = vector.extract_strided_slice %get3A_25 {offsets = [2], sizes = [1], strides = [1]} : vector<16xi32> to vector<1xi32>
      %squeeze3A_106 = vector.extract %slice3A_105[0] : i32 from vector<1xi32>
      %shift_right_arithmetic3A_107 = arith.constant 7 : i32
      %shift_right_arithmetic3A_108 = arith.shrsi %squeeze3A_106, %shift_right_arithmetic3A_107 : i32
      %mul3A_109 = arith.constant 128 : i32
      %mul3A_110 = arith.muli %shift_right_arithmetic3A_108, %mul3A_109 : i32
      %multiple_of3A_111 = tpu.assume_multiple %mul3A_110, 128 : i32
      %slice3A_112 = vector.extract_strided_slice %get3A_27 {offsets = [2], sizes = [1], strides = [1]} : vector<16xi32> to vector<1xi32>
      %squeeze3A_113 = vector.extract %slice3A_112[0] : i32 from vector<1xi32>
      %shift_right_arithmetic3A_114 = arith.constant 7 : i32
      %shift_right_arithmetic3A_115 = arith.shrsi %squeeze3A_113, %shift_right_arithmetic3A_114 : i32
      %mul3A_116 = arith.constant 128 : i32
      %mul3A_117 = arith.muli %shift_right_arithmetic3A_115, %mul3A_116 : i32
      %multiple_of3A_118 = tpu.assume_multiple %mul3A_117, 128 : i32
      %dma_start3A_119 = arith.constant 2 : i32
      %dma_start3A_120 = arith.constant 0 : i32
      %dma_start3A_121 = arith.constant 0 : i32
      %dma_start3A_122 = tpu.memref_slice %arg11[%dma_start3A_119, %dma_start3A_120, %dma_start3A_121] : memref<16x16x128xf32, #tpu.memory_space<vmem>> -> memref<1x16x128xf32, #tpu.memory_space<vmem>>
      %dma_start3A_123 = tpu.memref_squeeze %dma_start3A_122 : memref<1x16x128xf32, #tpu.memory_space<vmem>> -> memref<16x128xf32, #tpu.memory_space<vmem>>
      %dma_start3A_124 = arith.constant 0 : i32
      %dma_start3A_125 = tpu.memref_slice %arg4[%dma_start3A_124, %multiple_of3A_111] : memref<16x1000000xf32, #tpu.memory_space<hbm>> -> memref<16x128xf32, #tpu.memory_space<hbm>>
      %dma_start3A_126 = arith.constant 0 : i32
      %dma_start3A_127 = arith.constant 0 : i32
      %dma_start3A_128 = tpu.memref_slice %arg11[%dma_start3A_119, %dma_start3A_126, %dma_start3A_127] : memref<16x16x128xf32, #tpu.memory_space<vmem>> -> memref<1x16x128xf32, #tpu.memory_space<vmem>>
      %dma_start3A_129 = tpu.memref_squeeze %dma_start3A_128 : memref<1x16x128xf32, #tpu.memory_space<vmem>> -> memref<16x128xf32, #tpu.memory_space<vmem>>
      %dma_start3A_130 = arith.constant 0 : i32
      %dma_start3A_131 = tpu.memref_slice %arg4[%dma_start3A_130, %multiple_of3A_111] : memref<16x1000000xf32, #tpu.memory_space<hbm>> -> memref<16x128xf32, #tpu.memory_space<hbm>>
      tpu.enqueue_dma source(%dma_start3A_131 : memref<16x128xf32, #tpu.memory_space<hbm>>) target(%dma_start3A_129 : memref<16x128xf32, #tpu.memory_space<vmem>>) target_semaphore(%arg16 : memref<!tpu.dma_semaphore, #tpu.memory_space<semaphore_mem>>)
      %dma_start3A_132 = arith.constant 2 : i32
      %dma_start3A_133 = arith.constant 0 : i32
      %dma_start3A_134 = arith.constant 0 : i32
      %dma_start3A_135 = tpu.memref_slice %arg12[%dma_start3A_132, %dma_start3A_133, %dma_start3A_134] : memref<16x16x128xf32, #tpu.memory_space<vmem>> -> memref<1x16x128xf32, #tpu.memory_space<vmem>>
      %dma_start3A_136 = tpu.memref_squeeze %dma_start3A_135 : memref<1x16x128xf32, #tpu.memory_space<vmem>> -> memref<16x128xf32, #tpu.memory_space<vmem>>
      %dma_start3A_137 = arith.constant 0 : i32
      %dma_start3A_138 = tpu.memref_slice %arg5[%dma_start3A_137, %multiple_of3A_118] : memref<16x1000000xf32, #tpu.memory_space<hbm>> -> memref<16x128xf32, #tpu.memory_space<hbm>>
      %dma_start3A_139 = arith.constant 0 : i32
      %dma_start3A_140 = arith.constant 0 : i32
      %dma_start3A_141 = tpu.memref_slice %arg12[%dma_start3A_132, %dma_start3A_139, %dma_start3A_140] : memref<16x16x128xf32, #tpu.memory_space<vmem>> -> memref<1x16x128xf32, #tpu.memory_space<vmem>>
      %dma_start3A_142 = tpu.memref_squeeze %dma_start3A_141 : memref<1x16x128xf32, #tpu.memory_space<vmem>> -> memref<16x128xf32, #tpu.memory_space<vmem>>
      %dma_start3A_143 = arith.constant 0 : i32
      %dma_start3A_144 = tpu.memref_slice %arg5[%dma_start3A_143, %multiple_of3A_118] : memref<16x1000000xf32, #tpu.memory_space<hbm>> -> memref<16x128xf32, #tpu.memory_space<hbm>>
      tpu.enqueue_dma source(%dma_start3A_144 : memref<16x128xf32, #tpu.memory_space<hbm>>) target(%dma_start3A_142 : memref<16x128xf32, #tpu.memory_space<vmem>>) target_semaphore(%arg16 : memref<!tpu.dma_semaphore, #tpu.memory_space<semaphore_mem>>)
      %slice3A_145 = vector.extract_strided_slice %get3A_25 {offsets = [3], sizes = [1], strides = [1]} : vector<16xi32> to vector<1xi32>
      %squeeze3A_146 = vector.extract %slice3A_145[0] : i32 from vector<1xi32>
      %shift_right_arithmetic3A_147 = arith.constant 7 : i32
      %shift_right_arithmetic3A_148 = arith.shrsi %squeeze3A_146, %shift_right_arithmetic3A_147 : i32
      %mul3A_149 = arith.constant 128 : i32
      %mul3A_150 = arith.muli %shift_right_arithmetic3A_148, %mul3A_149 : i32
      %multiple_of3A_151 = tpu.assume_multiple %mul3A_150, 128 : i32
      %slice3A_152 = vector.extract_strided_slice %get3A_27 {offsets = [3], sizes = [1], strides = [1]} : vector<16xi32> to vector<1xi32>
      %squeeze3A_153 = vector.extract %slice3A_152[0] : i32 from vector<1xi32>
      %shift_right_arithmetic3A_154 = arith.constant 7 : i32
      %shift_right_arithmetic3A_155 = arith.shrsi %squeeze3A_153, %shift_right_arithmetic3A_154 : i32
      %mul3A_156 = arith.constant 128 : i32
      %mul3A_157 = arith.muli %shift_right_arithmetic3A_155, %mul3A_156 : i32
      %multiple_of3A_158 = tpu.assume_multiple %mul3A_157, 128 : i32
      %dma_start3A_159 = arith.constant 3 : i32
      %dma_start3A_160 = arith.constant 0 : i32
      %dma_start3A_161 = arith.constant 0 : i32
      %dma_start3A_162 = tpu.memref_slice %arg11[%dma_start3A_159, %dma_start3A_160, %dma_start3A_161] : memref<16x16x128xf32, #tpu.memory_space<vmem>> -> memref<1x16x128xf32, #tpu.memory_space<vmem>>
      %dma_start3A_163 = tpu.memref_squeeze %dma_start3A_162 : memref<1x16x128xf32, #tpu.memory_space<vmem>> -> memref<16x128xf32, #tpu.memory_space<vmem>>
      %dma_start3A_164 = arith.constant 0 : i32
      %dma_start3A_165 = tpu.memref_slice %arg4[%dma_start3A_164, %multiple_of3A_151] : memref<16x1000000xf32, #tpu.memory_space<hbm>> -> memref<16x128xf32, #tpu.memory_space<hbm>>
      %dma_start3A_166 = arith.constant 0 : i32
      %dma_start3A_167 = arith.constant 0 : i32
      %dma_start3A_168 = tpu.memref_slice %arg11[%dma_start3A_159, %dma_start3A_166, %dma_start3A_167] : memref<16x16x128xf32, #tpu.memory_space<vmem>> -> memref<1x16x128xf32, #tpu.memory_space<vmem>>
      %dma_start3A_169 = tpu.memref_squeeze %dma_start3A_168 : memref<1x16x128xf32, #tpu.memory_space<vmem>> -> memref<16x128xf32, #tpu.memory_space<vmem>>
      %dma_start3A_170 = arith.constant 0 : i32
      %dma_start3A_171 = tpu.memref_slice %arg4[%dma_start3A_170, %multiple_of3A_151] : memref<16x1000000xf32, #tpu.memory_space<hbm>> -> memref<16x128xf32, #tpu.memory_space<hbm>>
      tpu.enqueue_dma source(%dma_start3A_171 : memref<16x128xf32, #tpu.memory_space<hbm>>) target(%dma_start3A_169 : memref<16x128xf32, #tpu.memory_space<vmem>>) target_semaphore(%arg16 : memref<!tpu.dma_semaphore, #tpu.memory_space<semaphore_mem>>)
      %dma_start3A_172 = arith.constant 3 : i32
      %dma_start3A_173 = arith.constant 0 : i32
      %dma_start3A_174 = arith.constant 0 : i32
      %dma_start3A_175 = tpu.memref_slice %arg12[%dma_start3A_172, %dma_start3A_173, %dma_start3A_174] : memref<16x16x128xf32, #tpu.memory_space<vmem>> -> memref<1x16x128xf32, #tpu.memory_space<vmem>>
      %dma_start3A_176 = tpu.memref_squeeze %dma_start3A_175 : memref<1x16x128xf32, #tpu.memory_space<vmem>> -> memref<16x128xf32, #tpu.memory_space<vmem>>
      %dma_start3A_177 = arith.constant 0 : i32
      %dma_start3A_178 = tpu.memref_slice %arg5[%dma_start3A_177, %multiple_of3A_158] : memref<16x1000000xf32, #tpu.memory_space<hbm>> -> memref<16x128xf32, #tpu.memory_space<hbm>>
      %dma_start3A_179 = arith.constant 0 : i32
      %dma_start3A_180 = arith.constant 0 : i32
      %dma_start3A_181 = tpu.memref_slice %arg12[%dma_start3A_172, %dma_start3A_179, %dma_start3A_180] : memref<16x16x128xf32, #tpu.memory_space<vmem>> -> memref<1x16x128xf32, #tpu.memory_space<vmem>>
      %dma_start3A_182 = tpu.memref_squeeze %dma_start3A_181 : memref<1x16x128xf32, #tpu.memory_space<vmem>> -> memref<16x128xf32, #tpu.memory_space<vmem>>
      %dma_start3A_183 = arith.constant 0 : i32
      %dma_start3A_184 = tpu.memref_slice %arg5[%dma_start3A_183, %multiple_of3A_158] : memref<16x1000000xf32, #tpu.memory_space<hbm>> -> memref<16x128xf32, #tpu.memory_space<hbm>>
      tpu.enqueue_dma source(%dma_start3A_184 : memref<16x128xf32, #tpu.memory_space<hbm>>) target(%dma_start3A_182 : memref<16x128xf32, #tpu.memory_space<vmem>>) target_semaphore(%arg16 : memref<!tpu.dma_semaphore, #tpu.memory_space<semaphore_mem>>)
      %slice3A_185 = vector.extract_strided_slice %get3A_25 {offsets = [4], sizes = [1], strides = [1]} : vector<16xi32> to vector<1xi32>
      %squeeze3A_186 = vector.extract %slice3A_185[0] : i32 from vector<1xi32>
      %shift_right_arithmetic3A_187 = arith.constant 7 : i32
      %shift_right_arithmetic3A_188 = arith.shrsi %squeeze3A_186, %shift_right_arithmetic3A_187 : i32
      %mul3A_189 = arith.constant 128 : i32
      %mul3A_190 = arith.muli %shift_right_arithmetic3A_188, %mul3A_189 : i32
      %multiple_of3A_191 = tpu.assume_multiple %mul3A_190, 128 : i32
      %slice3A_192 = vector.extract_strided_slice %get3A_27 {offsets = [4], sizes = [1], strides = [1]} : vector<16xi32> to vector<1xi32>
      %squeeze3A_193 = vector.extract %slice3A_192[0] : i32 from vector<1xi32>
      %shift_right_arithmetic3A_194 = arith.constant 7 : i32
      %shift_right_arithmetic3A_195 = arith.shrsi %squeeze3A_193, %shift_right_arithmetic3A_194 : i32
      %mul3A_196 = arith.constant 128 : i32
      %mul3A_197 = arith.muli %shift_right_arithmetic3A_195, %mul3A_196 : i32
      %multiple_of3A_198 = tpu.assume_multiple %mul3A_197, 128 : i32
      %dma_start3A_199 = arith.constant 4 : i32
      %dma_start3A_200 = arith.constant 0 : i32
      %dma_start3A_201 = arith.constant 0 : i32
      %dma_start3A_202 = tpu.memref_slice %arg11[%dma_start3A_199, %dma_start3A_200, %dma_start3A_201] : memref<16x16x128xf32, #tpu.memory_space<vmem>> -> memref<1x16x128xf32, #tpu.memory_space<vmem>>
      %dma_start3A_203 = tpu.memref_squeeze %dma_start3A_202 : memref<1x16x128xf32, #tpu.memory_space<vmem>> -> memref<16x128xf32, #tpu.memory_space<vmem>>
      %dma_start3A_204 = arith.constant 0 : i32
      %dma_start3A_205 = tpu.memref_slice %arg4[%dma_start3A_204, %multiple_of3A_191] : memref<16x1000000xf32, #tpu.memory_space<hbm>> -> memref<16x128xf32, #tpu.memory_space<hbm>>
      %dma_start3A_206 = arith.constant 0 : i32
      %dma_start3A_207 = arith.constant 0 : i32
      %dma_start3A_208 = tpu.memref_slice %arg11[%dma_start3A_199, %dma_start3A_206, %dma_start3A_207] : memref<16x16x128xf32, #tpu.memory_space<vmem>> -> memref<1x16x128xf32, #tpu.memory_space<vmem>>
      %dma_start3A_209 = tpu.memref_squeeze %dma_start3A_208 : memref<1x16x128xf32, #tpu.memory_space<vmem>> -> memref<16x128xf32, #tpu.memory_space<vmem>>
      %dma_start3A_210 = arith.constant 0 : i32
      %dma_start3A_211 = tpu.memref_slice %arg4[%dma_start3A_210, %multiple_of3A_191] : memref<16x1000000xf32, #tpu.memory_space<hbm>> -> memref<16x128xf32, #tpu.memory_space<hbm>>
      tpu.enqueue_dma source(%dma_start3A_211 : memref<16x128xf32, #tpu.memory_space<hbm>>) target(%dma_start3A_209 : memref<16x128xf32, #tpu.memory_space<vmem>>) target_semaphore(%arg16 : memref<!tpu.dma_semaphore, #tpu.memory_space<semaphore_mem>>)
      %dma_start3A_212 = arith.constant 4 : i32
      %dma_start3A_213 = arith.constant 0 : i32
      %dma_start3A_214 = arith.constant 0 : i32
      %dma_start3A_215 = tpu.memref_slice %arg12[%dma_start3A_212, %dma_start3A_213, %dma_start3A_214] : memref<16x16x128xf32, #tpu.memory_space<vmem>> -> memref<1x16x128xf32, #tpu.memory_space<vmem>>
      %dma_start3A_216 = tpu.memref_squeeze %dma_start3A_215 : memref<1x16x128xf32, #tpu.memory_space<vmem>> -> memref<16x128xf32, #tpu.memory_space<vmem>>
      %dma_start3A_217 = arith.constant 0 : i32
      %dma_start3A_218 = tpu.memref_slice %arg5[%dma_start3A_217, %multiple_of3A_198] : memref<16x1000000xf32, #tpu.memory_space<hbm>> -> memref<16x128xf32, #tpu.memory_space<hbm>>
      %dma_start3A_219 = arith.constant 0 : i32
      %dma_start3A_220 = arith.constant 0 : i32
      %dma_start3A_221 = tpu.memref_slice %arg12[%dma_start3A_212, %dma_start3A_219, %dma_start3A_220] : memref<16x16x128xf32, #tpu.memory_space<vmem>> -> memref<1x16x128xf32, #tpu.memory_space<vmem>>
      %dma_start3A_222 = tpu.memref_squeeze %dma_start3A_221 : memref<1x16x128xf32, #tpu.memory_space<vmem>> -> memref<16x128xf32, #tpu.memory_space<vmem>>
      %dma_start3A_223 = arith.constant 0 : i32
      %dma_start3A_224 = tpu.memref_slice %arg5[%dma_start3A_223, %multiple_of3A_198] : memref<16x1000000xf32, #tpu.memory_space<hbm>> -> memref<16x128xf32, #tpu.memory_space<hbm>>
      tpu.enqueue_dma source(%dma_start3A_224 : memref<16x128xf32, #tpu.memory_space<hbm>>) target(%dma_start3A_222 : memref<16x128xf32, #tpu.memory_space<vmem>>) target_semaphore(%arg16 : memref<!tpu.dma_semaphore, #tpu.memory_space<semaphore_mem>>)
      %slice3A_225 = vector.extract_strided_slice %get3A_25 {offsets = [5], sizes = [1], strides = [1]} : vector<16xi32> to vector<1xi32>
      %squeeze3A_226 = vector.extract %slice3A_225[0] : i32 from vector<1xi32>
      %shift_right_arithmetic3A_227 = arith.constant 7 : i32
      %shift_right_arithmetic3A_228 = arith.shrsi %squeeze3A_226, %shift_right_arithmetic3A_227 : i32
      %mul3A_229 = arith.constant 128 : i32
      %mul3A_230 = arith.muli %shift_right_arithmetic3A_228, %mul3A_229 : i32
      %multiple_of3A_231 = tpu.assume_multiple %mul3A_230, 128 : i32
      %slice3A_232 = vector.extract_strided_slice %get3A_27 {offsets = [5], sizes = [1], strides = [1]} : vector<16xi32> to vector<1xi32>
      %squeeze3A_233 = vector.extract %slice3A_232[0] : i32 from vector<1xi32>
      %shift_right_arithmetic3A_234 = arith.constant 7 : i32
      %shift_right_arithmetic3A_235 = arith.shrsi %squeeze3A_233, %shift_right_arithmetic3A_234 : i32
      %mul3A_236 = arith.constant 128 : i32
      %mul3A_237 = arith.muli %shift_right_arithmetic3A_235, %mul3A_236 : i32
      %multiple_of3A_238 = tpu.assume_multiple %mul3A_237, 128 : i32
      %dma_start3A_239 = arith.constant 5 : i32
      %dma_start3A_240 = arith.constant 0 : i32
      %dma_start3A_241 = arith.constant 0 : i32
      %dma_start3A_242 = tpu.memref_slice %arg11[%dma_start3A_239, %dma_start3A_240, %dma_start3A_241] : memref<16x16x128xf32, #tpu.memory_space<vmem>> -> memref<1x16x128xf32, #tpu.memory_space<vmem>>
      %dma_start3A_243 = tpu.memref_squeeze %dma_start3A_242 : memref<1x16x128xf32, #tpu.memory_space<vmem>> -> memref<16x128xf32, #tpu.memory_space<vmem>>
      %dma_start3A_244 = arith.constant 0 : i32
      %dma_start3A_245 = tpu.memref_slice %arg4[%dma_start3A_244, %multiple_of3A_231] : memref<16x1000000xf32, #tpu.memory_space<hbm>> -> memref<16x128xf32, #tpu.memory_space<hbm>>
      %dma_start3A_246 = arith.constant 0 : i32
      %dma_start3A_247 = arith.constant 0 : i32
      %dma_start3A_248 = tpu.memref_slice %arg11[%dma_start3A_239, %dma_start3A_246, %dma_start3A_247] : memref<16x16x128xf32, #tpu.memory_space<vmem>> -> memref<1x16x128xf32, #tpu.memory_space<vmem>>
      %dma_start3A_249 = tpu.memref_squeeze %dma_start3A_248 : memref<1x16x128xf32, #tpu.memory_space<vmem>> -> memref<16x128xf32, #tpu.memory_space<vmem>>
      %dma_start3A_250 = arith.constant 0 : i32
      %dma_start3A_251 = tpu.memref_slice %arg4[%dma_start3A_250, %multiple_of3A_231] : memref<16x1000000xf32, #tpu.memory_space<hbm>> -> memref<16x128xf32, #tpu.memory_space<hbm>>
      tpu.enqueue_dma source(%dma_start3A_251 : memref<16x128xf32, #tpu.memory_space<hbm>>) target(%dma_start3A_249 : memref<16x128xf32, #tpu.memory_space<vmem>>) target_semaphore(%arg16 : memref<!tpu.dma_semaphore, #tpu.memory_space<semaphore_mem>>)
      %dma_start3A_252 = arith.constant 5 : i32
      %dma_start3A_253 = arith.constant 0 : i32
      %dma_start3A_254 = arith.constant 0 : i32
      %dma_start3A_255 = tpu.memref_slice %arg12[%dma_start3A_252, %dma_start3A_253, %dma_start3A_254] : memref<16x16x128xf32, #tpu.memory_space<vmem>> -> memref<1x16x128xf32, #tpu.memory_space<vmem>>
      %dma_start3A_256 = tpu.memref_squeeze %dma_start3A_255 : memref<1x16x128xf32, #tpu.memory_space<vmem>> -> memref<16x128xf32, #tpu.memory_space<vmem>>
      %dma_start3A_257 = arith.constant 0 : i32
      %dma_start3A_258 = tpu.memref_slice %arg5[%dma_start3A_257, %multiple_of3A_238] : memref<16x1000000xf32, #tpu.memory_space<hbm>> -> memref<16x128xf32, #tpu.memory_space<hbm>>
      %dma_start3A_259 = arith.constant 0 : i32
      %dma_start3A_260 = arith.constant 0 : i32
      %dma_start3A_261 = tpu.memref_slice %arg12[%dma_start3A_252, %dma_start3A_259, %dma_start3A_260] : memref<16x16x128xf32, #tpu.memory_space<vmem>> -> memref<1x16x128xf32, #tpu.memory_space<vmem>>
      %dma_start3A_262 = tpu.memref_squeeze %dma_start3A_261 : memref<1x16x128xf32, #tpu.memory_space<vmem>> -> memref<16x128xf32, #tpu.memory_space<vmem>>
      %dma_start3A_263 = arith.constant 0 : i32
      %dma_start3A_264 = tpu.memref_slice %arg5[%dma_start3A_263, %multiple_of3A_238] : memref<16x1000000xf32, #tpu.memory_space<hbm>> -> memref<16x128xf32, #tpu.memory_space<hbm>>
      tpu.enqueue_dma source(%dma_start3A_264 : memref<16x128xf32, #tpu.memory_space<hbm>>) target(%dma_start3A_262 : memref<16x128xf32, #tpu.memory_space<vmem>>) target_semaphore(%arg16 : memref<!tpu.dma_semaphore, #tpu.memory_space<semaphore_mem>>)
      %slice3A_265 = vector.extract_strided_slice %get3A_25 {offsets = [6], sizes = [1], strides = [1]} : vector<16xi32> to vector<1xi32>
      %squeeze3A_266 = vector.extract %slice3A_265[0] : i32 from vector<1xi32>
      %shift_right_arithmetic3A_267 = arith.constant 7 : i32
      %shift_right_arithmetic3A_268 = arith.shrsi %squeeze3A_266, %shift_right_arithmetic3A_267 : i32
      %mul3A_269 = arith.constant 128 : i32
      %mul3A_270 = arith.muli %shift_right_arithmetic3A_268, %mul3A_269 : i32
      %multiple_of3A_271 = tpu.assume_multiple %mul3A_270, 128 : i32
      %slice3A_272 = vector.extract_strided_slice %get3A_27 {offsets = [6], sizes = [1], strides = [1]} : vector<16xi32> to vector<1xi32>
      %squeeze3A_273 = vector.extract %slice3A_272[0] : i32 from vector<1xi32>
      %shift_right_arithmetic3A_274 = arith.constant 7 : i32
      %shift_right_arithmetic3A_275 = arith.shrsi %squeeze3A_273, %shift_right_arithmetic3A_274 : i32
      %mul3A_276 = arith.constant 128 : i32
      %mul3A_277 = arith.muli %shift_right_arithmetic3A_275, %mul3A_276 : i32
      %multiple_of3A_278 = tpu.assume_multiple %mul3A_277, 128 : i32
      %dma_start3A_279 = arith.constant 6 : i32
      %dma_start3A_280 = arith.constant 0 : i32
      %dma_start3A_281 = arith.constant 0 : i32
      %dma_start3A_282 = tpu.memref_slice %arg11[%dma_start3A_279, %dma_start3A_280, %dma_start3A_281] : memref<16x16x128xf32, #tpu.memory_space<vmem>> -> memref<1x16x128xf32, #tpu.memory_space<vmem>>
      %dma_start3A_283 = tpu.memref_squeeze %dma_start3A_282 : memref<1x16x128xf32, #tpu.memory_space<vmem>> -> memref<16x128xf32, #tpu.memory_space<vmem>>
      %dma_start3A_284 = arith.constant 0 : i32
      %dma_start3A_285 = tpu.memref_slice %arg4[%dma_start3A_284, %multiple_of3A_271] : memref<16x1000000xf32, #tpu.memory_space<hbm>> -> memref<16x128xf32, #tpu.memory_space<hbm>>
      %dma_start3A_286 = arith.constant 0 : i32
      %dma_start3A_287 = arith.constant 0 : i32
      %dma_start3A_288 = tpu.memref_slice %arg11[%dma_start3A_279, %dma_start3A_286, %dma_start3A_287] : memref<16x16x128xf32, #tpu.memory_space<vmem>> -> memref<1x16x128xf32, #tpu.memory_space<vmem>>
      %dma_start3A_289 = tpu.memref_squeeze %dma_start3A_288 : memref<1x16x128xf32, #tpu.memory_space<vmem>> -> memref<16x128xf32, #tpu.memory_space<vmem>>
      %dma_start3A_290 = arith.constant 0 : i32
      %dma_start3A_291 = tpu.memref_slice %arg4[%dma_start3A_290, %multiple_of3A_271] : memref<16x1000000xf32, #tpu.memory_space<hbm>> -> memref<16x128xf32, #tpu.memory_space<hbm>>
      tpu.enqueue_dma source(%dma_start3A_291 : memref<16x128xf32, #tpu.memory_space<hbm>>) target(%dma_start3A_289 : memref<16x128xf32, #tpu.memory_space<vmem>>) target_semaphore(%arg16 : memref<!tpu.dma_semaphore, #tpu.memory_space<semaphore_mem>>)
      %dma_start3A_292 = arith.constant 6 : i32
      %dma_start3A_293 = arith.constant 0 : i32
      %dma_start3A_294 = arith.constant 0 : i32
      %dma_start3A_295 = tpu.memref_slice %arg12[%dma_start3A_292, %dma_start3A_293, %dma_start3A_294] : memref<16x16x128xf32, #tpu.memory_space<vmem>> -> memref<1x16x128xf32, #tpu.memory_space<vmem>>
      %dma_start3A_296 = tpu.memref_squeeze %dma_start3A_295 : memref<1x16x128xf32, #tpu.memory_space<vmem>> -> memref<16x128xf32, #tpu.memory_space<vmem>>
      %dma_start3A_297 = arith.constant 0 : i32
      %dma_start3A_298 = tpu.memref_slice %arg5[%dma_start3A_297, %multiple_of3A_278] : memref<16x1000000xf32, #tpu.memory_space<hbm>> -> memref<16x128xf32, #tpu.memory_space<hbm>>
      %dma_start3A_299 = arith.constant 0 : i32
      %dma_start3A_300 = arith.constant 0 : i32
      %dma_start3A_301 = tpu.memref_slice %arg12[%dma_start3A_292, %dma_start3A_299, %dma_start3A_300] : memref<16x16x128xf32, #tpu.memory_space<vmem>> -> memref<1x16x128xf32, #tpu.memory_space<vmem>>
      %dma_start3A_302 = tpu.memref_squeeze %dma_start3A_301 : memref<1x16x128xf32, #tpu.memory_space<vmem>> -> memref<16x128xf32, #tpu.memory_space<vmem>>
      %dma_start3A_303 = arith.constant 0 : i32
      %dma_start3A_304 = tpu.memref_slice %arg5[%dma_start3A_303, %multiple_of3A_278] : memref<16x1000000xf32, #tpu.memory_space<hbm>> -> memref<16x128xf32, #tpu.memory_space<hbm>>
      tpu.enqueue_dma source(%dma_start3A_304 : memref<16x128xf32, #tpu.memory_space<hbm>>) target(%dma_start3A_302 : memref<16x128xf32, #tpu.memory_space<vmem>>) target_semaphore(%arg16 : memref<!tpu.dma_semaphore, #tpu.memory_space<semaphore_mem>>)
      %slice3A_305 = vector.extract_strided_slice %get3A_25 {offsets = [7], sizes = [1], strides = [1]} : vector<16xi32> to vector<1xi32>
      %squeeze3A_306 = vector.extract %slice3A_305[0] : i32 from vector<1xi32>
      %shift_right_arithmetic3A_307 = arith.constant 7 : i32
      %shift_right_arithmetic3A_308 = arith.shrsi %squeeze3A_306, %shift_right_arithmetic3A_307 : i32
      %mul3A_309 = arith.constant 128 : i32
      %mul3A_310 = arith.muli %shift_right_arithmetic3A_308, %mul3A_309 : i32
      %multiple_of3A_311 = tpu.assume_multiple %mul3A_310, 128 : i32
      %slice3A_312 = vector.extract_strided_slice %get3A_27 {offsets = [7], sizes = [1], strides = [1]} : vector<16xi32> to vector<1xi32>
      %squeeze3A_313 = vector.extract %slice3A_312[0] : i32 from vector<1xi32>
      %shift_right_arithmetic3A_314 = arith.constant 7 : i32
      %shift_right_arithmetic3A_315 = arith.shrsi %squeeze3A_313, %shift_right_arithmetic3A_314 : i32
      %mul3A_316 = arith.constant 128 : i32
      %mul3A_317 = arith.muli %shift_right_arithmetic3A_315, %mul3A_316 : i32
      %multiple_of3A_318 = tpu.assume_multiple %mul3A_317, 128 : i32
      %dma_start3A_319 = arith.constant 7 : i32
      %dma_start3A_320 = arith.constant 0 : i32
      %dma_start3A_321 = arith.constant 0 : i32
      %dma_start3A_322 = tpu.memref_slice %arg11[%dma_start3A_319, %dma_start3A_320, %dma_start3A_321] : memref<16x16x128xf32, #tpu.memory_space<vmem>> -> memref<1x16x128xf32, #tpu.memory_space<vmem>>
      %dma_start3A_323 = tpu.memref_squeeze %dma_start3A_322 : memref<1x16x128xf32, #tpu.memory_space<vmem>> -> memref<16x128xf32, #tpu.memory_space<vmem>>
      %dma_start3A_324 = arith.constant 0 : i32
      %dma_start3A_325 = tpu.memref_slice %arg4[%dma_start3A_324, %multiple_of3A_311] : memref<16x1000000xf32, #tpu.memory_space<hbm>> -> memref<16x128xf32, #tpu.memory_space<hbm>>
      %dma_start3A_326 = arith.constant 0 : i32
      %dma_start3A_327 = arith.constant 0 : i32
      %dma_start3A_328 = tpu.memref_slice %arg11[%dma_start3A_319, %dma_start3A_326, %dma_start3A_327] : memref<16x16x128xf32, #tpu.memory_space<vmem>> -> memref<1x16x128xf32, #tpu.memory_space<vmem>>
      %dma_start3A_329 = tpu.memref_squeeze %dma_start3A_328 : memref<1x16x128xf32, #tpu.memory_space<vmem>> -> memref<16x128xf32, #tpu.memory_space<vmem>>
      %dma_start3A_330 = arith.constant 0 : i32
      %dma_start3A_331 = tpu.memref_slice %arg4[%dma_start3A_330, %multiple_of3A_311] : memref<16x1000000xf32, #tpu.memory_space<hbm>> -> memref<16x128xf32, #tpu.memory_space<hbm>>
      tpu.enqueue_dma source(%dma_start3A_331 : memref<16x128xf32, #tpu.memory_space<hbm>>) target(%dma_start3A_329 : memref<16x128xf32, #tpu.memory_space<vmem>>) target_semaphore(%arg16 : memref<!tpu.dma_semaphore, #tpu.memory_space<semaphore_mem>>)
      %dma_start3A_332 = arith.constant 7 : i32
      %dma_start3A_333 = arith.constant 0 : i32
      %dma_start3A_334 = arith.constant 0 : i32
      %dma_start3A_335 = tpu.memref_slice %arg12[%dma_start3A_332, %dma_start3A_333, %dma_start3A_334] : memref<16x16x128xf32, #tpu.memory_space<vmem>> -> memref<1x16x128xf32, #tpu.memory_space<vmem>>
      %dma_start3A_336 = tpu.memref_squeeze %dma_start3A_335 : memref<1x16x128xf32, #tpu.memory_space<vmem>> -> memref<16x128xf32, #tpu.memory_space<vmem>>
      %dma_start3A_337 = arith.constant 0 : i32
      %dma_start3A_338 = tpu.memref_slice %arg5[%dma_start3A_337, %multiple_of3A_318] : memref<16x1000000xf32, #tpu.memory_space<hbm>> -> memref<16x128xf32, #tpu.memory_space<hbm>>
      %dma_start3A_339 = arith.constant 0 : i32
      %dma_start3A_340 = arith.constant 0 : i32
      %dma_start3A_341 = tpu.memref_slice %arg12[%dma_start3A_332, %dma_start3A_339, %dma_start3A_340] : memref<16x16x128xf32, #tpu.memory_space<vmem>> -> memref<1x16x128xf32, #tpu.memory_space<vmem>>
      %dma_start3A_342 = tpu.memref_squeeze %dma_start3A_341 : memref<1x16x128xf32, #tpu.memory_space<vmem>> -> memref<16x128xf32, #tpu.memory_space<vmem>>
      %dma_start3A_343 = arith.constant 0 : i32
      %dma_start3A_344 = tpu.memref_slice %arg5[%dma_start3A_343, %multiple_of3A_318] : memref<16x1000000xf32, #tpu.memory_space<hbm>> -> memref<16x128xf32, #tpu.memory_space<hbm>>
      tpu.enqueue_dma source(%dma_start3A_344 : memref<16x128xf32, #tpu.memory_space<hbm>>) target(%dma_start3A_342 : memref<16x128xf32, #tpu.memory_space<vmem>>) target_semaphore(%arg16 : memref<!tpu.dma_semaphore, #tpu.memory_space<semaphore_mem>>)
      %slice3A_345 = vector.extract_strided_slice %get3A_25 {offsets = [8], sizes = [1], strides = [1]} : vector<16xi32> to vector<1xi32>
      %squeeze3A_346 = vector.extract %slice3A_345[0] : i32 from vector<1xi32>
      %shift_right_arithmetic3A_347 = arith.constant 7 : i32
      %shift_right_arithmetic3A_348 = arith.shrsi %squeeze3A_346, %shift_right_arithmetic3A_347 : i32
      %mul3A_349 = arith.constant 128 : i32
      %mul3A_350 = arith.muli %shift_right_arithmetic3A_348, %mul3A_349 : i32
      %multiple_of3A_351 = tpu.assume_multiple %mul3A_350, 128 : i32
      %slice3A_352 = vector.extract_strided_slice %get3A_27 {offsets = [8], sizes = [1], strides = [1]} : vector<16xi32> to vector<1xi32>
      %squeeze3A_353 = vector.extract %slice3A_352[0] : i32 from vector<1xi32>
      %shift_right_arithmetic3A_354 = arith.constant 7 : i32
      %shift_right_arithmetic3A_355 = arith.shrsi %squeeze3A_353, %shift_right_arithmetic3A_354 : i32
      %mul3A_356 = arith.constant 128 : i32
      %mul3A_357 = arith.muli %shift_right_arithmetic3A_355, %mul3A_356 : i32
      %multiple_of3A_358 = tpu.assume_multiple %mul3A_357, 128 : i32
      %dma_start3A_359 = arith.constant 8 : i32
      %dma_start3A_360 = arith.constant 0 : i32
      %dma_start3A_361 = arith.constant 0 : i32
      %dma_start3A_362 = tpu.memref_slice %arg11[%dma_start3A_359, %dma_start3A_360, %dma_start3A_361] : memref<16x16x128xf32, #tpu.memory_space<vmem>> -> memref<1x16x128xf32, #tpu.memory_space<vmem>>
      %dma_start3A_363 = tpu.memref_squeeze %dma_start3A_362 : memref<1x16x128xf32, #tpu.memory_space<vmem>> -> memref<16x128xf32, #tpu.memory_space<vmem>>
      %dma_start3A_364 = arith.constant 0 : i32
      %dma_start3A_365 = tpu.memref_slice %arg4[%dma_start3A_364, %multiple_of3A_351] : memref<16x1000000xf32, #tpu.memory_space<hbm>> -> memref<16x128xf32, #tpu.memory_space<hbm>>
      %dma_start3A_366 = arith.constant 0 : i32
      %dma_start3A_367 = arith.constant 0 : i32
      %dma_start3A_368 = tpu.memref_slice %arg11[%dma_start3A_359, %dma_start3A_366, %dma_start3A_367] : memref<16x16x128xf32, #tpu.memory_space<vmem>> -> memref<1x16x128xf32, #tpu.memory_space<vmem>>
      %dma_start3A_369 = tpu.memref_squeeze %dma_start3A_368 : memref<1x16x128xf32, #tpu.memory_space<vmem>> -> memref<16x128xf32, #tpu.memory_space<vmem>>
      %dma_start3A_370 = arith.constant 0 : i32
      %dma_start3A_371 = tpu.memref_slice %arg4[%dma_start3A_370, %multiple_of3A_351] : memref<16x1000000xf32, #tpu.memory_space<hbm>> -> memref<16x128xf32, #tpu.memory_space<hbm>>
      tpu.enqueue_dma source(%dma_start3A_371 : memref<16x128xf32, #tpu.memory_space<hbm>>) target(%dma_start3A_369 : memref<16x128xf32, #tpu.memory_space<vmem>>) target_semaphore(%arg16 : memref<!tpu.dma_semaphore, #tpu.memory_space<semaphore_mem>>)
      %dma_start3A_372 = arith.constant 8 : i32
      %dma_start3A_373 = arith.constant 0 : i32
      %dma_start3A_374 = arith.constant 0 : i32
      %dma_start3A_375 = tpu.memref_slice %arg12[%dma_start3A_372, %dma_start3A_373, %dma_start3A_374] : memref<16x16x128xf32, #tpu.memory_space<vmem>> -> memref<1x16x128xf32, #tpu.memory_space<vmem>>
      %dma_start3A_376 = tpu.memref_squeeze %dma_start3A_375 : memref<1x16x128xf32, #tpu.memory_space<vmem>> -> memref<16x128xf32, #tpu.memory_space<vmem>>
      %dma_start3A_377 = arith.constant 0 : i32
      %dma_start3A_378 = tpu.memref_slice %arg5[%dma_start3A_377, %multiple_of3A_358] : memref<16x1000000xf32, #tpu.memory_space<hbm>> -> memref<16x128xf32, #tpu.memory_space<hbm>>
      %dma_start3A_379 = arith.constant 0 : i32
      %dma_start3A_380 = arith.constant 0 : i32
      %dma_start3A_381 = tpu.memref_slice %arg12[%dma_start3A_372, %dma_start3A_379, %dma_start3A_380] : memref<16x16x128xf32, #tpu.memory_space<vmem>> -> memref<1x16x128xf32, #tpu.memory_space<vmem>>
      %dma_start3A_382 = tpu.memref_squeeze %dma_start3A_381 : memref<1x16x128xf32, #tpu.memory_space<vmem>> -> memref<16x128xf32, #tpu.memory_space<vmem>>
      %dma_start3A_383 = arith.constant 0 : i32
      %dma_start3A_384 = tpu.memref_slice %arg5[%dma_start3A_383, %multiple_of3A_358] : memref<16x1000000xf32, #tpu.memory_space<hbm>> -> memref<16x128xf32, #tpu.memory_space<hbm>>
      tpu.enqueue_dma source(%dma_start3A_384 : memref<16x128xf32, #tpu.memory_space<hbm>>) target(%dma_start3A_382 : memref<16x128xf32, #tpu.memory_space<vmem>>) target_semaphore(%arg16 : memref<!tpu.dma_semaphore, #tpu.memory_space<semaphore_mem>>)
      %slice3A_385 = vector.extract_strided_slice %get3A_25 {offsets = [9], sizes = [1], strides = [1]} : vector<16xi32> to vector<1xi32>
      %squeeze3A_386 = vector.extract %slice3A_385[0] : i32 from vector<1xi32>
      %shift_right_arithmetic3A_387 = arith.constant 7 : i32
      %shift_right_arithmetic3A_388 = arith.shrsi %squeeze3A_386, %shift_right_arithmetic3A_387 : i32
      %mul3A_389 = arith.constant 128 : i32
      %mul3A_390 = arith.muli %shift_right_arithmetic3A_388, %mul3A_389 : i32
      %multiple_of3A_391 = tpu.assume_multiple %mul3A_390, 128 : i32
      %slice3A_392 = vector.extract_strided_slice %get3A_27 {offsets = [9], sizes = [1], strides = [1]} : vector<16xi32> to vector<1xi32>
      %squeeze3A_393 = vector.extract %slice3A_392[0] : i32 from vector<1xi32>
      %shift_right_arithmetic3A_394 = arith.constant 7 : i32
      %shift_right_arithmetic3A_395 = arith.shrsi %squeeze3A_393, %shift_right_arithmetic3A_394 : i32
      %mul3A_396 = arith.constant 128 : i32
      %mul3A_397 = arith.muli %shift_right_arithmetic3A_395, %mul3A_396 : i32
      %multiple_of3A_398 = tpu.assume_multiple %mul3A_397, 128 : i32
      %dma_start3A_399 = arith.constant 9 : i32
      %dma_start3A_400 = arith.constant 0 : i32
      %dma_start3A_401 = arith.constant 0 : i32
      %dma_start3A_402 = tpu.memref_slice %arg11[%dma_start3A_399, %dma_start3A_400, %dma_start3A_401] : memref<16x16x128xf32, #tpu.memory_space<vmem>> -> memref<1x16x128xf32, #tpu.memory_space<vmem>>
      %dma_start3A_403 = tpu.memref_squeeze %dma_start3A_402 : memref<1x16x128xf32, #tpu.memory_space<vmem>> -> memref<16x128xf32, #tpu.memory_space<vmem>>
      %dma_start3A_404 = arith.constant 0 : i32
      %dma_start3A_405 = tpu.memref_slice %arg4[%dma_start3A_404, %multiple_of3A_391] : memref<16x1000000xf32, #tpu.memory_space<hbm>> -> memref<16x128xf32, #tpu.memory_space<hbm>>
      %dma_start3A_406 = arith.constant 0 : i32
      %dma_start3A_407 = arith.constant 0 : i32
      %dma_start3A_408 = tpu.memref_slice %arg11[%dma_start3A_399, %dma_start3A_406, %dma_start3A_407] : memref<16x16x128xf32, #tpu.memory_space<vmem>> -> memref<1x16x128xf32, #tpu.memory_space<vmem>>
      %dma_start3A_409 = tpu.memref_squeeze %dma_start3A_408 : memref<1x16x128xf32, #tpu.memory_space<vmem>> -> memref<16x128xf32, #tpu.memory_space<vmem>>
      %dma_start3A_410 = arith.constant 0 : i32
      %dma_start3A_411 = tpu.memref_slice %arg4[%dma_start3A_410, %multiple_of3A_391] : memref<16x1000000xf32, #tpu.memory_space<hbm>> -> memref<16x128xf32, #tpu.memory_space<hbm>>
      tpu.enqueue_dma source(%dma_start3A_411 : memref<16x128xf32, #tpu.memory_space<hbm>>) target(%dma_start3A_409 : memref<16x128xf32, #tpu.memory_space<vmem>>) target_semaphore(%arg16 : memref<!tpu.dma_semaphore, #tpu.memory_space<semaphore_mem>>)
      %dma_start3A_412 = arith.constant 9 : i32
      %dma_start3A_413 = arith.constant 0 : i32
      %dma_start3A_414 = arith.constant 0 : i32
      %dma_start3A_415 = tpu.memref_slice %arg12[%dma_start3A_412, %dma_start3A_413, %dma_start3A_414] : memref<16x16x128xf32, #tpu.memory_space<vmem>> -> memref<1x16x128xf32, #tpu.memory_space<vmem>>
      %dma_start3A_416 = tpu.memref_squeeze %dma_start3A_415 : memref<1x16x128xf32, #tpu.memory_space<vmem>> -> memref<16x128xf32, #tpu.memory_space<vmem>>
      %dma_start3A_417 = arith.constant 0 : i32
      %dma_start3A_418 = tpu.memref_slice %arg5[%dma_start3A_417, %multiple_of3A_398] : memref<16x1000000xf32, #tpu.memory_space<hbm>> -> memref<16x128xf32, #tpu.memory_space<hbm>>
      %dma_start3A_419 = arith.constant 0 : i32
      %dma_start3A_420 = arith.constant 0 : i32
      %dma_start3A_421 = tpu.memref_slice %arg12[%dma_start3A_412, %dma_start3A_419, %dma_start3A_420] : memref<16x16x128xf32, #tpu.memory_space<vmem>> -> memref<1x16x128xf32, #tpu.memory_space<vmem>>
      %dma_start3A_422 = tpu.memref_squeeze %dma_start3A_421 : memref<1x16x128xf32, #tpu.memory_space<vmem>> -> memref<16x128xf32, #tpu.memory_space<vmem>>
      %dma_start3A_423 = arith.constant 0 : i32
      %dma_start3A_424 = tpu.memref_slice %arg5[%dma_start3A_423, %multiple_of3A_398] : memref<16x1000000xf32, #tpu.memory_space<hbm>> -> memref<16x128xf32, #tpu.memory_space<hbm>>
      tpu.enqueue_dma source(%dma_start3A_424 : memref<16x128xf32, #tpu.memory_space<hbm>>) target(%dma_start3A_422 : memref<16x128xf32, #tpu.memory_space<vmem>>) target_semaphore(%arg16 : memref<!tpu.dma_semaphore, #tpu.memory_space<semaphore_mem>>)
      %slice3A_425 = vector.extract_strided_slice %get3A_25 {offsets = [10], sizes = [1], strides = [1]} : vector<16xi32> to vector<1xi32>
      %squeeze3A_426 = vector.extract %slice3A_425[0] : i32 from vector<1xi32>
      %shift_right_arithmetic3A_427 = arith.constant 7 : i32
      %shift_right_arithmetic3A_428 = arith.shrsi %squeeze3A_426, %shift_right_arithmetic3A_427 : i32
      %mul3A_429 = arith.constant 128 : i32
      %mul3A_430 = arith.muli %shift_right_arithmetic3A_428, %mul3A_429 : i32
      %multiple_of3A_431 = tpu.assume_multiple %mul3A_430, 128 : i32
      %slice3A_432 = vector.extract_strided_slice %get3A_27 {offsets = [10], sizes = [1], strides = [1]} : vector<16xi32> to vector<1xi32>
      %squeeze3A_433 = vector.extract %slice3A_432[0] : i32 from vector<1xi32>
      %shift_right_arithmetic3A_434 = arith.constant 7 : i32
      %shift_right_arithmetic3A_435 = arith.shrsi %squeeze3A_433, %shift_right_arithmetic3A_434 : i32
      %mul3A_436 = arith.constant 128 : i32
      %mul3A_437 = arith.muli %shift_right_arithmetic3A_435, %mul3A_436 : i32
      %multiple_of3A_438 = tpu.assume_multiple %mul3A_437, 128 : i32
      %dma_start3A_439 = arith.constant 10 : i32
      %dma_start3A_440 = arith.constant 0 : i32
      %dma_start3A_441 = arith.constant 0 : i32
      %dma_start3A_442 = tpu.memref_slice %arg11[%dma_start3A_439, %dma_start3A_440, %dma_start3A_441] : memref<16x16x128xf32, #tpu.memory_space<vmem>> -> memref<1x16x128xf32, #tpu.memory_space<vmem>>
      %dma_start3A_443 = tpu.memref_squeeze %dma_start3A_442 : memref<1x16x128xf32, #tpu.memory_space<vmem>> -> memref<16x128xf32, #tpu.memory_space<vmem>>
      %dma_start3A_444 = arith.constant 0 : i32
      %dma_start3A_445 = tpu.memref_slice %arg4[%dma_start3A_444, %multiple_of3A_431] : memref<16x1000000xf32, #tpu.memory_space<hbm>> -> memref<16x128xf32, #tpu.memory_space<hbm>>
      %dma_start3A_446 = arith.constant 0 : i32
      %dma_start3A_447 = arith.constant 0 : i32
      %dma_start3A_448 = tpu.memref_slice %arg11[%dma_start3A_439, %dma_start3A_446, %dma_start3A_447] : memref<16x16x128xf32, #tpu.memory_space<vmem>> -> memref<1x16x128xf32, #tpu.memory_space<vmem>>
      %dma_start3A_449 = tpu.memref_squeeze %dma_start3A_448 : memref<1x16x128xf32, #tpu.memory_space<vmem>> -> memref<16x128xf32, #tpu.memory_space<vmem>>
      %dma_start3A_450 = arith.constant 0 : i32
      %dma_start3A_451 = tpu.memref_slice %arg4[%dma_start3A_450, %multiple_of3A_431] : memref<16x1000000xf32, #tpu.memory_space<hbm>> -> memref<16x128xf32, #tpu.memory_space<hbm>>
      tpu.enqueue_dma source(%dma_start3A_451 : memref<16x128xf32, #tpu.memory_space<hbm>>) target(%dma_start3A_449 : memref<16x128xf32, #tpu.memory_space<vmem>>) target_semaphore(%arg16 : memref<!tpu.dma_semaphore, #tpu.memory_space<semaphore_mem>>)
      %dma_start3A_452 = arith.constant 10 : i32
      %dma_start3A_453 = arith.constant 0 : i32
      %dma_start3A_454 = arith.constant 0 : i32
      %dma_start3A_455 = tpu.memref_slice %arg12[%dma_start3A_452, %dma_start3A_453, %dma_start3A_454] : memref<16x16x128xf32, #tpu.memory_space<vmem>> -> memref<1x16x128xf32, #tpu.memory_space<vmem>>
      %dma_start3A_456 = tpu.memref_squeeze %dma_start3A_455 : memref<1x16x128xf32, #tpu.memory_space<vmem>> -> memref<16x128xf32, #tpu.memory_space<vmem>>
      %dma_start3A_457 = arith.constant 0 : i32
      %dma_start3A_458 = tpu.memref_slice %arg5[%dma_start3A_457, %multiple_of3A_438] : memref<16x1000000xf32, #tpu.memory_space<hbm>> -> memref<16x128xf32, #tpu.memory_space<hbm>>
      %dma_start3A_459 = arith.constant 0 : i32
      %dma_start3A_460 = arith.constant 0 : i32
      %dma_start3A_461 = tpu.memref_slice %arg12[%dma_start3A_452, %dma_start3A_459, %dma_start3A_460] : memref<16x16x128xf32, #tpu.memory_space<vmem>> -> memref<1x16x128xf32, #tpu.memory_space<vmem>>
      %dma_start3A_462 = tpu.memref_squeeze %dma_start3A_461 : memref<1x16x128xf32, #tpu.memory_space<vmem>> -> memref<16x128xf32, #tpu.memory_space<vmem>>
      %dma_start3A_463 = arith.constant 0 : i32
      %dma_start3A_464 = tpu.memref_slice %arg5[%dma_start3A_463, %multiple_of3A_438] : memref<16x1000000xf32, #tpu.memory_space<hbm>> -> memref<16x128xf32, #tpu.memory_space<hbm>>
      tpu.enqueue_dma source(%dma_start3A_464 : memref<16x128xf32, #tpu.memory_space<hbm>>) target(%dma_start3A_462 : memref<16x128xf32, #tpu.memory_space<vmem>>) target_semaphore(%arg16 : memref<!tpu.dma_semaphore, #tpu.memory_space<semaphore_mem>>)
      %slice3A_465 = vector.extract_strided_slice %get3A_25 {offsets = [11], sizes = [1], strides = [1]} : vector<16xi32> to vector<1xi32>
      %squeeze3A_466 = vector.extract %slice3A_465[0] : i32 from vector<1xi32>
      %shift_right_arithmetic3A_467 = arith.constant 7 : i32
      %shift_right_arithmetic3A_468 = arith.shrsi %squeeze3A_466, %shift_right_arithmetic3A_467 : i32
      %mul3A_469 = arith.constant 128 : i32
      %mul3A_470 = arith.muli %shift_right_arithmetic3A_468, %mul3A_469 : i32
      %multiple_of3A_471 = tpu.assume_multiple %mul3A_470, 128 : i32
      %slice3A_472 = vector.extract_strided_slice %get3A_27 {offsets = [11], sizes = [1], strides = [1]} : vector<16xi32> to vector<1xi32>
      %squeeze3A_473 = vector.extract %slice3A_472[0] : i32 from vector<1xi32>
      %shift_right_arithmetic3A_474 = arith.constant 7 : i32
      %shift_right_arithmetic3A_475 = arith.shrsi %squeeze3A_473, %shift_right_arithmetic3A_474 : i32
      %mul3A_476 = arith.constant 128 : i32
      %mul3A_477 = arith.muli %shift_right_arithmetic3A_475, %mul3A_476 : i32
      %multiple_of3A_478 = tpu.assume_multiple %mul3A_477, 128 : i32
      %dma_start3A_479 = arith.constant 11 : i32
      %dma_start3A_480 = arith.constant 0 : i32
      %dma_start3A_481 = arith.constant 0 : i32
      %dma_start3A_482 = tpu.memref_slice %arg11[%dma_start3A_479, %dma_start3A_480, %dma_start3A_481] : memref<16x16x128xf32, #tpu.memory_space<vmem>> -> memref<1x16x128xf32, #tpu.memory_space<vmem>>
      %dma_start3A_483 = tpu.memref_squeeze %dma_start3A_482 : memref<1x16x128xf32, #tpu.memory_space<vmem>> -> memref<16x128xf32, #tpu.memory_space<vmem>>
      %dma_start3A_484 = arith.constant 0 : i32
      %dma_start3A_485 = tpu.memref_slice %arg4[%dma_start3A_484, %multiple_of3A_471] : memref<16x1000000xf32, #tpu.memory_space<hbm>> -> memref<16x128xf32, #tpu.memory_space<hbm>>
      %dma_start3A_486 = arith.constant 0 : i32
      %dma_start3A_487 = arith.constant 0 : i32
      %dma_start3A_488 = tpu.memref_slice %arg11[%dma_start3A_479, %dma_start3A_486, %dma_start3A_487] : memref<16x16x128xf32, #tpu.memory_space<vmem>> -> memref<1x16x128xf32, #tpu.memory_space<vmem>>
      %dma_start3A_489 = tpu.memref_squeeze %dma_start3A_488 : memref<1x16x128xf32, #tpu.memory_space<vmem>> -> memref<16x128xf32, #tpu.memory_space<vmem>>
      %dma_start3A_490 = arith.constant 0 : i32
      %dma_start3A_491 = tpu.memref_slice %arg4[%dma_start3A_490, %multiple_of3A_471] : memref<16x1000000xf32, #tpu.memory_space<hbm>> -> memref<16x128xf32, #tpu.memory_space<hbm>>
      tpu.enqueue_dma source(%dma_start3A_491 : memref<16x128xf32, #tpu.memory_space<hbm>>) target(%dma_start3A_489 : memref<16x128xf32, #tpu.memory_space<vmem>>) target_semaphore(%arg16 : memref<!tpu.dma_semaphore, #tpu.memory_space<semaphore_mem>>)
      %dma_start3A_492 = arith.constant 11 : i32
      %dma_start3A_493 = arith.constant 0 : i32
      %dma_start3A_494 = arith.constant 0 : i32
      %dma_start3A_495 = tpu.memref_slice %arg12[%dma_start3A_492, %dma_start3A_493, %dma_start3A_494] : memref<16x16x128xf32, #tpu.memory_space<vmem>> -> memref<1x16x128xf32, #tpu.memory_space<vmem>>
      %dma_start3A_496 = tpu.memref_squeeze %dma_start3A_495 : memref<1x16x128xf32, #tpu.memory_space<vmem>> -> memref<16x128xf32, #tpu.memory_space<vmem>>
      %dma_start3A_497 = arith.constant 0 : i32
      %dma_start3A_498 = tpu.memref_slice %arg5[%dma_start3A_497, %multiple_of3A_478] : memref<16x1000000xf32, #tpu.memory_space<hbm>> -> memref<16x128xf32, #tpu.memory_space<hbm>>
      %dma_start3A_499 = arith.constant 0 : i32
      %dma_start3A_500 = arith.constant 0 : i32
      %dma_start3A_501 = tpu.memref_slice %arg12[%dma_start3A_492, %dma_start3A_499, %dma_start3A_500] : memref<16x16x128xf32, #tpu.memory_space<vmem>> -> memref<1x16x128xf32, #tpu.memory_space<vmem>>
      %dma_start3A_502 = tpu.memref_squeeze %dma_start3A_501 : memref<1x16x128xf32, #tpu.memory_space<vmem>> -> memref<16x128xf32, #tpu.memory_space<vmem>>
      %dma_start3A_503 = arith.constant 0 : i32
      %dma_start3A_504 = tpu.memref_slice %arg5[%dma_start3A_503, %multiple_of3A_478] : memref<16x1000000xf32, #tpu.memory_space<hbm>> -> memref<16x128xf32, #tpu.memory_space<hbm>>
      tpu.enqueue_dma source(%dma_start3A_504 : memref<16x128xf32, #tpu.memory_space<hbm>>) target(%dma_start3A_502 : memref<16x128xf32, #tpu.memory_space<vmem>>) target_semaphore(%arg16 : memref<!tpu.dma_semaphore, #tpu.memory_space<semaphore_mem>>)
      %slice3A_505 = vector.extract_strided_slice %get3A_25 {offsets = [12], sizes = [1], strides = [1]} : vector<16xi32> to vector<1xi32>
      %squeeze3A_506 = vector.extract %slice3A_505[0] : i32 from vector<1xi32>
      %shift_right_arithmetic3A_507 = arith.constant 7 : i32
      %shift_right_arithmetic3A_508 = arith.shrsi %squeeze3A_506, %shift_right_arithmetic3A_507 : i32
      %mul3A_509 = arith.constant 128 : i32
      %mul3A_510 = arith.muli %shift_right_arithmetic3A_508, %mul3A_509 : i32
      %multiple_of3A_511 = tpu.assume_multiple %mul3A_510, 128 : i32
      %slice3A_512 = vector.extract_strided_slice %get3A_27 {offsets = [12], sizes = [1], strides = [1]} : vector<16xi32> to vector<1xi32>
      %squeeze3A_513 = vector.extract %slice3A_512[0] : i32 from vector<1xi32>
      %shift_right_arithmetic3A_514 = arith.constant 7 : i32
      %shift_right_arithmetic3A_515 = arith.shrsi %squeeze3A_513, %shift_right_arithmetic3A_514 : i32
      %mul3A_516 = arith.constant 128 : i32
      %mul3A_517 = arith.muli %shift_right_arithmetic3A_515, %mul3A_516 : i32
      %multiple_of3A_518 = tpu.assume_multiple %mul3A_517, 128 : i32
      %dma_start3A_519 = arith.constant 12 : i32
      %dma_start3A_520 = arith.constant 0 : i32
      %dma_start3A_521 = arith.constant 0 : i32
      %dma_start3A_522 = tpu.memref_slice %arg11[%dma_start3A_519, %dma_start3A_520, %dma_start3A_521] : memref<16x16x128xf32, #tpu.memory_space<vmem>> -> memref<1x16x128xf32, #tpu.memory_space<vmem>>
      %dma_start3A_523 = tpu.memref_squeeze %dma_start3A_522 : memref<1x16x128xf32, #tpu.memory_space<vmem>> -> memref<16x128xf32, #tpu.memory_space<vmem>>
      %dma_start3A_524 = arith.constant 0 : i32
      %dma_start3A_525 = tpu.memref_slice %arg4[%dma_start3A_524, %multiple_of3A_511] : memref<16x1000000xf32, #tpu.memory_space<hbm>> -> memref<16x128xf32, #tpu.memory_space<hbm>>
      %dma_start3A_526 = arith.constant 0 : i32
      %dma_start3A_527 = arith.constant 0 : i32
      %dma_start3A_528 = tpu.memref_slice %arg11[%dma_start3A_519, %dma_start3A_526, %dma_start3A_527] : memref<16x16x128xf32, #tpu.memory_space<vmem>> -> memref<1x16x128xf32, #tpu.memory_space<vmem>>
      %dma_start3A_529 = tpu.memref_squeeze %dma_start3A_528 : memref<1x16x128xf32, #tpu.memory_space<vmem>> -> memref<16x128xf32, #tpu.memory_space<vmem>>
      %dma_start3A_530 = arith.constant 0 : i32
      %dma_start3A_531 = tpu.memref_slice %arg4[%dma_start3A_530, %multiple_of3A_511] : memref<16x1000000xf32, #tpu.memory_space<hbm>> -> memref<16x128xf32, #tpu.memory_space<hbm>>
      tpu.enqueue_dma source(%dma_start3A_531 : memref<16x128xf32, #tpu.memory_space<hbm>>) target(%dma_start3A_529 : memref<16x128xf32, #tpu.memory_space<vmem>>) target_semaphore(%arg16 : memref<!tpu.dma_semaphore, #tpu.memory_space<semaphore_mem>>)
      %dma_start3A_532 = arith.constant 12 : i32
      %dma_start3A_533 = arith.constant 0 : i32
      %dma_start3A_534 = arith.constant 0 : i32
      %dma_start3A_535 = tpu.memref_slice %arg12[%dma_start3A_532, %dma_start3A_533, %dma_start3A_534] : memref<16x16x128xf32, #tpu.memory_space<vmem>> -> memref<1x16x128xf32, #tpu.memory_space<vmem>>
      %dma_start3A_536 = tpu.memref_squeeze %dma_start3A_535 : memref<1x16x128xf32, #tpu.memory_space<vmem>> -> memref<16x128xf32, #tpu.memory_space<vmem>>
      %dma_start3A_537 = arith.constant 0 : i32
      %dma_start3A_538 = tpu.memref_slice %arg5[%dma_start3A_537, %multiple_of3A_518] : memref<16x1000000xf32, #tpu.memory_space<hbm>> -> memref<16x128xf32, #tpu.memory_space<hbm>>
      %dma_start3A_539 = arith.constant 0 : i32
      %dma_start3A_540 = arith.constant 0 : i32
      %dma_start3A_541 = tpu.memref_slice %arg12[%dma_start3A_532, %dma_start3A_539, %dma_start3A_540] : memref<16x16x128xf32, #tpu.memory_space<vmem>> -> memref<1x16x128xf32, #tpu.memory_space<vmem>>
      %dma_start3A_542 = tpu.memref_squeeze %dma_start3A_541 : memref<1x16x128xf32, #tpu.memory_space<vmem>> -> memref<16x128xf32, #tpu.memory_space<vmem>>
      %dma_start3A_543 = arith.constant 0 : i32
      %dma_start3A_544 = tpu.memref_slice %arg5[%dma_start3A_543, %multiple_of3A_518] : memref<16x1000000xf32, #tpu.memory_space<hbm>> -> memref<16x128xf32, #tpu.memory_space<hbm>>
      tpu.enqueue_dma source(%dma_start3A_544 : memref<16x128xf32, #tpu.memory_space<hbm>>) target(%dma_start3A_542 : memref<16x128xf32, #tpu.memory_space<vmem>>) target_semaphore(%arg16 : memref<!tpu.dma_semaphore, #tpu.memory_space<semaphore_mem>>)
      %slice3A_545 = vector.extract_strided_slice %get3A_25 {offsets = [13], sizes = [1], strides = [1]} : vector<16xi32> to vector<1xi32>
      %squeeze3A_546 = vector.extract %slice3A_545[0] : i32 from vector<1xi32>
      %shift_right_arithmetic3A_547 = arith.constant 7 : i32
      %shift_right_arithmetic3A_548 = arith.shrsi %squeeze3A_546, %shift_right_arithmetic3A_547 : i32
      %mul3A_549 = arith.constant 128 : i32
      %mul3A_550 = arith.muli %shift_right_arithmetic3A_548, %mul3A_549 : i32
      %multiple_of3A_551 = tpu.assume_multiple %mul3A_550, 128 : i32
      %slice3A_552 = vector.extract_strided_slice %get3A_27 {offsets = [13], sizes = [1], strides = [1]} : vector<16xi32> to vector<1xi32>
      %squeeze3A_553 = vector.extract %slice3A_552[0] : i32 from vector<1xi32>
      %shift_right_arithmetic3A_554 = arith.constant 7 : i32
      %shift_right_arithmetic3A_555 = arith.shrsi %squeeze3A_553, %shift_right_arithmetic3A_554 : i32
      %mul3A_556 = arith.constant 128 : i32
      %mul3A_557 = arith.muli %shift_right_arithmetic3A_555, %mul3A_556 : i32
      %multiple_of3A_558 = tpu.assume_multiple %mul3A_557, 128 : i32
      %dma_start3A_559 = arith.constant 13 : i32
      %dma_start3A_560 = arith.constant 0 : i32
      %dma_start3A_561 = arith.constant 0 : i32
      %dma_start3A_562 = tpu.memref_slice %arg11[%dma_start3A_559, %dma_start3A_560, %dma_start3A_561] : memref<16x16x128xf32, #tpu.memory_space<vmem>> -> memref<1x16x128xf32, #tpu.memory_space<vmem>>
      %dma_start3A_563 = tpu.memref_squeeze %dma_start3A_562 : memref<1x16x128xf32, #tpu.memory_space<vmem>> -> memref<16x128xf32, #tpu.memory_space<vmem>>
      %dma_start3A_564 = arith.constant 0 : i32
      %dma_start3A_565 = tpu.memref_slice %arg4[%dma_start3A_564, %multiple_of3A_551] : memref<16x1000000xf32, #tpu.memory_space<hbm>> -> memref<16x128xf32, #tpu.memory_space<hbm>>
      %dma_start3A_566 = arith.constant 0 : i32
      %dma_start3A_567 = arith.constant 0 : i32
      %dma_start3A_568 = tpu.memref_slice %arg11[%dma_start3A_559, %dma_start3A_566, %dma_start3A_567] : memref<16x16x128xf32, #tpu.memory_space<vmem>> -> memref<1x16x128xf32, #tpu.memory_space<vmem>>
      %dma_start3A_569 = tpu.memref_squeeze %dma_start3A_568 : memref<1x16x128xf32, #tpu.memory_space<vmem>> -> memref<16x128xf32, #tpu.memory_space<vmem>>
      %dma_start3A_570 = arith.constant 0 : i32
      %dma_start3A_571 = tpu.memref_slice %arg4[%dma_start3A_570, %multiple_of3A_551] : memref<16x1000000xf32, #tpu.memory_space<hbm>> -> memref<16x128xf32, #tpu.memory_space<hbm>>
      tpu.enqueue_dma source(%dma_start3A_571 : memref<16x128xf32, #tpu.memory_space<hbm>>) target(%dma_start3A_569 : memref<16x128xf32, #tpu.memory_space<vmem>>) target_semaphore(%arg16 : memref<!tpu.dma_semaphore, #tpu.memory_space<semaphore_mem>>)
      %dma_start3A_572 = arith.constant 13 : i32
      %dma_start3A_573 = arith.constant 0 : i32
      %dma_start3A_574 = arith.constant 0 : i32
      %dma_start3A_575 = tpu.memref_slice %arg12[%dma_start3A_572, %dma_start3A_573, %dma_start3A_574] : memref<16x16x128xf32, #tpu.memory_space<vmem>> -> memref<1x16x128xf32, #tpu.memory_space<vmem>>
      %dma_start3A_576 = tpu.memref_squeeze %dma_start3A_575 : memref<1x16x128xf32, #tpu.memory_space<vmem>> -> memref<16x128xf32, #tpu.memory_space<vmem>>
      %dma_start3A_577 = arith.constant 0 : i32
      %dma_start3A_578 = tpu.memref_slice %arg5[%dma_start3A_577, %multiple_of3A_558] : memref<16x1000000xf32, #tpu.memory_space<hbm>> -> memref<16x128xf32, #tpu.memory_space<hbm>>
      %dma_start3A_579 = arith.constant 0 : i32
      %dma_start3A_580 = arith.constant 0 : i32
      %dma_start3A_581 = tpu.memref_slice %arg12[%dma_start3A_572, %dma_start3A_579, %dma_start3A_580] : memref<16x16x128xf32, #tpu.memory_space<vmem>> -> memref<1x16x128xf32, #tpu.memory_space<vmem>>
      %dma_start3A_582 = tpu.memref_squeeze %dma_start3A_581 : memref<1x16x128xf32, #tpu.memory_space<vmem>> -> memref<16x128xf32, #tpu.memory_space<vmem>>
      %dma_start3A_583 = arith.constant 0 : i32
      %dma_start3A_584 = tpu.memref_slice %arg5[%dma_start3A_583, %multiple_of3A_558] : memref<16x1000000xf32, #tpu.memory_space<hbm>> -> memref<16x128xf32, #tpu.memory_space<hbm>>
      tpu.enqueue_dma source(%dma_start3A_584 : memref<16x128xf32, #tpu.memory_space<hbm>>) target(%dma_start3A_582 : memref<16x128xf32, #tpu.memory_space<vmem>>) target_semaphore(%arg16 : memref<!tpu.dma_semaphore, #tpu.memory_space<semaphore_mem>>)
      %slice3A_585 = vector.extract_strided_slice %get3A_25 {offsets = [14], sizes = [1], strides = [1]} : vector<16xi32> to vector<1xi32>
      %squeeze3A_586 = vector.extract %slice3A_585[0] : i32 from vector<1xi32>
      %shift_right_arithmetic3A_587 = arith.constant 7 : i32
      %shift_right_arithmetic3A_588 = arith.shrsi %squeeze3A_586, %shift_right_arithmetic3A_587 : i32
      %mul3A_589 = arith.constant 128 : i32
      %mul3A_590 = arith.muli %shift_right_arithmetic3A_588, %mul3A_589 : i32
      %multiple_of3A_591 = tpu.assume_multiple %mul3A_590, 128 : i32
      %slice3A_592 = vector.extract_strided_slice %get3A_27 {offsets = [14], sizes = [1], strides = [1]} : vector<16xi32> to vector<1xi32>
      %squeeze3A_593 = vector.extract %slice3A_592[0] : i32 from vector<1xi32>
      %shift_right_arithmetic3A_594 = arith.constant 7 : i32
      %shift_right_arithmetic3A_595 = arith.shrsi %squeeze3A_593, %shift_right_arithmetic3A_594 : i32
      %mul3A_596 = arith.constant 128 : i32
      %mul3A_597 = arith.muli %shift_right_arithmetic3A_595, %mul3A_596 : i32
      %multiple_of3A_598 = tpu.assume_multiple %mul3A_597, 128 : i32
      %dma_start3A_599 = arith.constant 14 : i32
      %dma_start3A_600 = arith.constant 0 : i32
      %dma_start3A_601 = arith.constant 0 : i32
      %dma_start3A_602 = tpu.memref_slice %arg11[%dma_start3A_599, %dma_start3A_600, %dma_start3A_601] : memref<16x16x128xf32, #tpu.memory_space<vmem>> -> memref<1x16x128xf32, #tpu.memory_space<vmem>>
      %dma_start3A_603 = tpu.memref_squeeze %dma_start3A_602 : memref<1x16x128xf32, #tpu.memory_space<vmem>> -> memref<16x128xf32, #tpu.memory_space<vmem>>
      %dma_start3A_604 = arith.constant 0 : i32
      %dma_start3A_605 = tpu.memref_slice %arg4[%dma_start3A_604, %multiple_of3A_591] : memref<16x1000000xf32, #tpu.memory_space<hbm>> -> memref<16x128xf32, #tpu.memory_space<hbm>>
      %dma_start3A_606 = arith.constant 0 : i32
      %dma_start3A_607 = arith.constant 0 : i32
      %dma_start3A_608 = tpu.memref_slice %arg11[%dma_start3A_599, %dma_start3A_606, %dma_start3A_607] : memref<16x16x128xf32, #tpu.memory_space<vmem>> -> memref<1x16x128xf32, #tpu.memory_space<vmem>>
      %dma_start3A_609 = tpu.memref_squeeze %dma_start3A_608 : memref<1x16x128xf32, #tpu.memory_space<vmem>> -> memref<16x128xf32, #tpu.memory_space<vmem>>
      %dma_start3A_610 = arith.constant 0 : i32
      %dma_start3A_611 = tpu.memref_slice %arg4[%dma_start3A_610, %multiple_of3A_591] : memref<16x1000000xf32, #tpu.memory_space<hbm>> -> memref<16x128xf32, #tpu.memory_space<hbm>>
      tpu.enqueue_dma source(%dma_start3A_611 : memref<16x128xf32, #tpu.memory_space<hbm>>) target(%dma_start3A_609 : memref<16x128xf32, #tpu.memory_space<vmem>>) target_semaphore(%arg16 : memref<!tpu.dma_semaphore, #tpu.memory_space<semaphore_mem>>)
      %dma_start3A_612 = arith.constant 14 : i32
      %dma_start3A_613 = arith.constant 0 : i32
      %dma_start3A_614 = arith.constant 0 : i32
      %dma_start3A_615 = tpu.memref_slice %arg12[%dma_start3A_612, %dma_start3A_613, %dma_start3A_614] : memref<16x16x128xf32, #tpu.memory_space<vmem>> -> memref<1x16x128xf32, #tpu.memory_space<vmem>>
      %dma_start3A_616 = tpu.memref_squeeze %dma_start3A_615 : memref<1x16x128xf32, #tpu.memory_space<vmem>> -> memref<16x128xf32, #tpu.memory_space<vmem>>
      %dma_start3A_617 = arith.constant 0 : i32
      %dma_start3A_618 = tpu.memref_slice %arg5[%dma_start3A_617, %multiple_of3A_598] : memref<16x1000000xf32, #tpu.memory_space<hbm>> -> memref<16x128xf32, #tpu.memory_space<hbm>>
      %dma_start3A_619 = arith.constant 0 : i32
      %dma_start3A_620 = arith.constant 0 : i32
      %dma_start3A_621 = tpu.memref_slice %arg12[%dma_start3A_612, %dma_start3A_619, %dma_start3A_620] : memref<16x16x128xf32, #tpu.memory_space<vmem>> -> memref<1x16x128xf32, #tpu.memory_space<vmem>>
      %dma_start3A_622 = tpu.memref_squeeze %dma_start3A_621 : memref<1x16x128xf32, #tpu.memory_space<vmem>> -> memref<16x128xf32, #tpu.memory_space<vmem>>
      %dma_start3A_623 = arith.constant 0 : i32
      %dma_start3A_624 = tpu.memref_slice %arg5[%dma_start3A_623, %multiple_of3A_598] : memref<16x1000000xf32, #tpu.memory_space<hbm>> -> memref<16x128xf32, #tpu.memory_space<hbm>>
      tpu.enqueue_dma source(%dma_start3A_624 : memref<16x128xf32, #tpu.memory_space<hbm>>) target(%dma_start3A_622 : memref<16x128xf32, #tpu.memory_space<vmem>>) target_semaphore(%arg16 : memref<!tpu.dma_semaphore, #tpu.memory_space<semaphore_mem>>)
      %slice3A_625 = vector.extract_strided_slice %get3A_25 {offsets = [15], sizes = [1], strides = [1]} : vector<16xi32> to vector<1xi32>
      %squeeze3A_626 = vector.extract %slice3A_625[0] : i32 from vector<1xi32>
      %shift_right_arithmetic3A_627 = arith.constant 7 : i32
      %shift_right_arithmetic3A_628 = arith.shrsi %squeeze3A_626, %shift_right_arithmetic3A_627 : i32
      %mul3A_629 = arith.constant 128 : i32
      %mul3A_630 = arith.muli %shift_right_arithmetic3A_628, %mul3A_629 : i32
      %multiple_of3A_631 = tpu.assume_multiple %mul3A_630, 128 : i32
      %slice3A_632 = vector.extract_strided_slice %get3A_27 {offsets = [15], sizes = [1], strides = [1]} : vector<16xi32> to vector<1xi32>
      %squeeze3A_633 = vector.extract %slice3A_632[0] : i32 from vector<1xi32>
      %shift_right_arithmetic3A_634 = arith.constant 7 : i32
      %shift_right_arithmetic3A_635 = arith.shrsi %squeeze3A_633, %shift_right_arithmetic3A_634 : i32
      %mul3A_636 = arith.constant 128 : i32
      %mul3A_637 = arith.muli %shift_right_arithmetic3A_635, %mul3A_636 : i32
      %multiple_of3A_638 = tpu.assume_multiple %mul3A_637, 128 : i32
      %dma_start3A_639 = arith.constant 15 : i32
      %dma_start3A_640 = arith.constant 0 : i32
      %dma_start3A_641 = arith.constant 0 : i32
      %dma_start3A_642 = tpu.memref_slice %arg11[%dma_start3A_639, %dma_start3A_640, %dma_start3A_641] : memref<16x16x128xf32, #tpu.memory_space<vmem>> -> memref<1x16x128xf32, #tpu.memory_space<vmem>>
      %dma_start3A_643 = tpu.memref_squeeze %dma_start3A_642 : memref<1x16x128xf32, #tpu.memory_space<vmem>> -> memref<16x128xf32, #tpu.memory_space<vmem>>
      %dma_start3A_644 = arith.constant 0 : i32
      %dma_start3A_645 = tpu.memref_slice %arg4[%dma_start3A_644, %multiple_of3A_631] : memref<16x1000000xf32, #tpu.memory_space<hbm>> -> memref<16x128xf32, #tpu.memory_space<hbm>>
      %dma_start3A_646 = arith.constant 0 : i32
      %dma_start3A_647 = arith.constant 0 : i32
      %dma_start3A_648 = tpu.memref_slice %arg11[%dma_start3A_639, %dma_start3A_646, %dma_start3A_647] : memref<16x16x128xf32, #tpu.memory_space<vmem>> -> memref<1x16x128xf32, #tpu.memory_space<vmem>>
      %dma_start3A_649 = tpu.memref_squeeze %dma_start3A_648 : memref<1x16x128xf32, #tpu.memory_space<vmem>> -> memref<16x128xf32, #tpu.memory_space<vmem>>
      %dma_start3A_650 = arith.constant 0 : i32
      %dma_start3A_651 = tpu.memref_slice %arg4[%dma_start3A_650, %multiple_of3A_631] : memref<16x1000000xf32, #tpu.memory_space<hbm>> -> memref<16x128xf32, #tpu.memory_space<hbm>>
      tpu.enqueue_dma source(%dma_start3A_651 : memref<16x128xf32, #tpu.memory_space<hbm>>) target(%dma_start3A_649 : memref<16x128xf32, #tpu.memory_space<vmem>>) target_semaphore(%arg16 : memref<!tpu.dma_semaphore, #tpu.memory_space<semaphore_mem>>)
      %dma_start3A_652 = arith.constant 15 : i32
      %dma_start3A_653 = arith.constant 0 : i32
      %dma_start3A_654 = arith.constant 0 : i32
      %dma_start3A_655 = tpu.memref_slice %arg12[%dma_start3A_652, %dma_start3A_653, %dma_start3A_654] : memref<16x16x128xf32, #tpu.memory_space<vmem>> -> memref<1x16x128xf32, #tpu.memory_space<vmem>>
      %dma_start3A_656 = tpu.memref_squeeze %dma_start3A_655 : memref<1x16x128xf32, #tpu.memory_space<vmem>> -> memref<16x128xf32, #tpu.memory_space<vmem>>
      %dma_start3A_657 = arith.constant 0 : i32
      %dma_start3A_658 = tpu.memref_slice %arg5[%dma_start3A_657, %multiple_of3A_638] : memref<16x1000000xf32, #tpu.memory_space<hbm>> -> memref<16x128xf32, #tpu.memory_space<hbm>>
      %dma_start3A_659 = arith.constant 0 : i32
      %dma_start3A_660 = arith.constant 0 : i32
      %dma_start3A_661 = tpu.memref_slice %arg12[%dma_start3A_652, %dma_start3A_659, %dma_start3A_660] : memref<16x16x128xf32, #tpu.memory_space<vmem>> -> memref<1x16x128xf32, #tpu.memory_space<vmem>>
      %dma_start3A_662 = tpu.memref_squeeze %dma_start3A_661 : memref<1x16x128xf32, #tpu.memory_space<vmem>> -> memref<16x128xf32, #tpu.memory_space<vmem>>
      %dma_start3A_663 = arith.constant 0 : i32
      %dma_start3A_664 = tpu.memref_slice %arg5[%dma_start3A_663, %multiple_of3A_638] : memref<16x1000000xf32, #tpu.memory_space<hbm>> -> memref<16x128xf32, #tpu.memory_space<hbm>>
      tpu.enqueue_dma source(%dma_start3A_664 : memref<16x128xf32, #tpu.memory_space<hbm>>) target(%dma_start3A_662 : memref<16x128xf32, #tpu.memory_space<vmem>>) target_semaphore(%arg16 : memref<!tpu.dma_semaphore, #tpu.memory_space<semaphore_mem>>)
      %dma_wait3A_665 = arith.constant 0 : i32
      %dma_wait3A_666 = arith.constant 0 : i32
      %dma_wait3A_667 = arith.constant 0 : i32
      %dma_wait3A_668 = tpu.memref_slice %arg11[%dma_wait3A_665, %dma_wait3A_666, %dma_wait3A_667] : memref<16x16x128xf32, #tpu.memory_space<vmem>> -> memref<1x16x128xf32, #tpu.memory_space<vmem>>
      %dma_wait3A_669 = tpu.memref_squeeze %dma_wait3A_668 : memref<1x16x128xf32, #tpu.memory_space<vmem>> -> memref<16x128xf32, #tpu.memory_space<vmem>>
      %dma_wait3A_670 = arith.constant 0 : i32
      %dma_wait3A_671 = tpu.memref_slice %arg4[%dma_wait3A_670, %multiple_of3A_31] : memref<16x1000000xf32, #tpu.memory_space<hbm>> -> memref<16x128xf32, #tpu.memory_space<hbm>>
      %dma_wait3A_672 = arith.constant 0 : i32
      %dma_wait3A_673 = arith.constant 0 : i32
      %dma_wait3A_674 = tpu.memref_slice %arg11[%dma_wait3A_665, %dma_wait3A_672, %dma_wait3A_673] : memref<16x16x128xf32, #tpu.memory_space<vmem>> -> memref<1x16x128xf32, #tpu.memory_space<vmem>>
      %dma_wait3A_675 = tpu.memref_squeeze %dma_wait3A_674 : memref<1x16x128xf32, #tpu.memory_space<vmem>> -> memref<16x128xf32, #tpu.memory_space<vmem>>
      %dma_wait3A_676 = arith.constant 0 : i32
      %dma_wait3A_677 = tpu.memref_slice %arg4[%dma_wait3A_676, %multiple_of3A_31] : memref<16x1000000xf32, #tpu.memory_space<hbm>> -> memref<16x128xf32, #tpu.memory_space<hbm>>
      tpu.wait_dma2 semaphore(%arg16 : memref<!tpu.dma_semaphore, #tpu.memory_space<semaphore_mem>>) src(%dma_wait3A_677 : memref<16x128xf32, #tpu.memory_space<hbm>>) dst(%dma_wait3A_675 : memref<16x128xf32, #tpu.memory_space<vmem>>)
      %dma_wait3A_678 = arith.constant 0 : i32
      %dma_wait3A_679 = arith.constant 0 : i32
      %dma_wait3A_680 = arith.constant 0 : i32
      %dma_wait3A_681 = tpu.memref_slice %arg12[%dma_wait3A_678, %dma_wait3A_679, %dma_wait3A_680] : memref<16x16x128xf32, #tpu.memory_space<vmem>> -> memref<1x16x128xf32, #tpu.memory_space<vmem>>
      %dma_wait3A_682 = tpu.memref_squeeze %dma_wait3A_681 : memref<1x16x128xf32, #tpu.memory_space<vmem>> -> memref<16x128xf32, #tpu.memory_space<vmem>>
      %dma_wait3A_683 = arith.constant 0 : i32
      %dma_wait3A_684 = tpu.memref_slice %arg5[%dma_wait3A_683, %multiple_of3A_38] : memref<16x1000000xf32, #tpu.memory_space<hbm>> -> memref<16x128xf32, #tpu.memory_space<hbm>>
      %dma_wait3A_685 = arith.constant 0 : i32
      %dma_wait3A_686 = arith.constant 0 : i32
      %dma_wait3A_687 = tpu.memref_slice %arg12[%dma_wait3A_678, %dma_wait3A_685, %dma_wait3A_686] : memref<16x16x128xf32, #tpu.memory_space<vmem>> -> memref<1x16x128xf32, #tpu.memory_space<vmem>>
      %dma_wait3A_688 = tpu.memref_squeeze %dma_wait3A_687 : memref<1x16x128xf32, #tpu.memory_space<vmem>> -> memref<16x128xf32, #tpu.memory_space<vmem>>
      %dma_wait3A_689 = arith.constant 0 : i32
      %dma_wait3A_690 = tpu.memref_slice %arg5[%dma_wait3A_689, %multiple_of3A_38] : memref<16x1000000xf32, #tpu.memory_space<hbm>> -> memref<16x128xf32, #tpu.memory_space<hbm>>
      tpu.wait_dma2 semaphore(%arg16 : memref<!tpu.dma_semaphore, #tpu.memory_space<semaphore_mem>>) src(%dma_wait3A_690 : memref<16x128xf32, #tpu.memory_space<hbm>>) dst(%dma_wait3A_688 : memref<16x128xf32, #tpu.memory_space<vmem>>)
      %dma_wait3A_691 = arith.constant 1 : i32
      %dma_wait3A_692 = arith.constant 0 : i32
      %dma_wait3A_693 = arith.constant 0 : i32
      %dma_wait3A_694 = tpu.memref_slice %arg11[%dma_wait3A_691, %dma_wait3A_692, %dma_wait3A_693] : memref<16x16x128xf32, #tpu.memory_space<vmem>> -> memref<1x16x128xf32, #tpu.memory_space<vmem>>
      %dma_wait3A_695 = tpu.memref_squeeze %dma_wait3A_694 : memref<1x16x128xf32, #tpu.memory_space<vmem>> -> memref<16x128xf32, #tpu.memory_space<vmem>>
      %dma_wait3A_696 = arith.constant 0 : i32
      %dma_wait3A_697 = tpu.memref_slice %arg4[%dma_wait3A_696, %multiple_of3A_71] : memref<16x1000000xf32, #tpu.memory_space<hbm>> -> memref<16x128xf32, #tpu.memory_space<hbm>>
      %dma_wait3A_698 = arith.constant 0 : i32
      %dma_wait3A_699 = arith.constant 0 : i32
      %dma_wait3A_700 = tpu.memref_slice %arg11[%dma_wait3A_691, %dma_wait3A_698, %dma_wait3A_699] : memref<16x16x128xf32, #tpu.memory_space<vmem>> -> memref<1x16x128xf32, #tpu.memory_space<vmem>>
      %dma_wait3A_701 = tpu.memref_squeeze %dma_wait3A_700 : memref<1x16x128xf32, #tpu.memory_space<vmem>> -> memref<16x128xf32, #tpu.memory_space<vmem>>
      %dma_wait3A_702 = arith.constant 0 : i32
      %dma_wait3A_703 = tpu.memref_slice %arg4[%dma_wait3A_702, %multiple_of3A_71] : memref<16x1000000xf32, #tpu.memory_space<hbm>> -> memref<16x128xf32, #tpu.memory_space<hbm>>
      tpu.wait_dma2 semaphore(%arg16 : memref<!tpu.dma_semaphore, #tpu.memory_space<semaphore_mem>>) src(%dma_wait3A_703 : memref<16x128xf32, #tpu.memory_space<hbm>>) dst(%dma_wait3A_701 : memref<16x128xf32, #tpu.memory_space<vmem>>)
      %dma_wait3A_704 = arith.constant 1 : i32
      %dma_wait3A_705 = arith.constant 0 : i32
      %dma_wait3A_706 = arith.constant 0 : i32
      %dma_wait3A_707 = tpu.memref_slice %arg12[%dma_wait3A_704, %dma_wait3A_705, %dma_wait3A_706] : memref<16x16x128xf32, #tpu.memory_space<vmem>> -> memref<1x16x128xf32, #tpu.memory_space<vmem>>
      %dma_wait3A_708 = tpu.memref_squeeze %dma_wait3A_707 : memref<1x16x128xf32, #tpu.memory_space<vmem>> -> memref<16x128xf32, #tpu.memory_space<vmem>>
      %dma_wait3A_709 = arith.constant 0 : i32
      %dma_wait3A_710 = tpu.memref_slice %arg5[%dma_wait3A_709, %multiple_of3A_78] : memref<16x1000000xf32, #tpu.memory_space<hbm>> -> memref<16x128xf32, #tpu.memory_space<hbm>>
      %dma_wait3A_711 = arith.constant 0 : i32
      %dma_wait3A_712 = arith.constant 0 : i32
      %dma_wait3A_713 = tpu.memref_slice %arg12[%dma_wait3A_704, %dma_wait3A_711, %dma_wait3A_712] : memref<16x16x128xf32, #tpu.memory_space<vmem>> -> memref<1x16x128xf32, #tpu.memory_space<vmem>>
      %dma_wait3A_714 = tpu.memref_squeeze %dma_wait3A_713 : memref<1x16x128xf32, #tpu.memory_space<vmem>> -> memref<16x128xf32, #tpu.memory_space<vmem>>
      %dma_wait3A_715 = arith.constant 0 : i32
      %dma_wait3A_716 = tpu.memref_slice %arg5[%dma_wait3A_715, %multiple_of3A_78] : memref<16x1000000xf32, #tpu.memory_space<hbm>> -> memref<16x128xf32, #tpu.memory_space<hbm>>
      tpu.wait_dma2 semaphore(%arg16 : memref<!tpu.dma_semaphore, #tpu.memory_space<semaphore_mem>>) src(%dma_wait3A_716 : memref<16x128xf32, #tpu.memory_space<hbm>>) dst(%dma_wait3A_714 : memref<16x128xf32, #tpu.memory_space<vmem>>)
      %dma_wait3A_717 = arith.constant 2 : i32
      %dma_wait3A_718 = arith.constant 0 : i32
      %dma_wait3A_719 = arith.constant 0 : i32
      %dma_wait3A_720 = tpu.memref_slice %arg11[%dma_wait3A_717, %dma_wait3A_718, %dma_wait3A_719] : memref<16x16x128xf32, #tpu.memory_space<vmem>> -> memref<1x16x128xf32, #tpu.memory_space<vmem>>
      %dma_wait3A_721 = tpu.memref_squeeze %dma_wait3A_720 : memref<1x16x128xf32, #tpu.memory_space<vmem>> -> memref<16x128xf32, #tpu.memory_space<vmem>>
      %dma_wait3A_722 = arith.constant 0 : i32
      %dma_wait3A_723 = tpu.memref_slice %arg4[%dma_wait3A_722, %multiple_of3A_111] : memref<16x1000000xf32, #tpu.memory_space<hbm>> -> memref<16x128xf32, #tpu.memory_space<hbm>>
      %dma_wait3A_724 = arith.constant 0 : i32
      %dma_wait3A_725 = arith.constant 0 : i32
      %dma_wait3A_726 = tpu.memref_slice %arg11[%dma_wait3A_717, %dma_wait3A_724, %dma_wait3A_725] : memref<16x16x128xf32, #tpu.memory_space<vmem>> -> memref<1x16x128xf32, #tpu.memory_space<vmem>>
      %dma_wait3A_727 = tpu.memref_squeeze %dma_wait3A_726 : memref<1x16x128xf32, #tpu.memory_space<vmem>> -> memref<16x128xf32, #tpu.memory_space<vmem>>
      %dma_wait3A_728 = arith.constant 0 : i32
      %dma_wait3A_729 = tpu.memref_slice %arg4[%dma_wait3A_728, %multiple_of3A_111] : memref<16x1000000xf32, #tpu.memory_space<hbm>> -> memref<16x128xf32, #tpu.memory_space<hbm>>
      tpu.wait_dma2 semaphore(%arg16 : memref<!tpu.dma_semaphore, #tpu.memory_space<semaphore_mem>>) src(%dma_wait3A_729 : memref<16x128xf32, #tpu.memory_space<hbm>>) dst(%dma_wait3A_727 : memref<16x128xf32, #tpu.memory_space<vmem>>)
      %dma_wait3A_730 = arith.constant 2 : i32
      %dma_wait3A_731 = arith.constant 0 : i32
      %dma_wait3A_732 = arith.constant 0 : i32
      %dma_wait3A_733 = tpu.memref_slice %arg12[%dma_wait3A_730, %dma_wait3A_731, %dma_wait3A_732] : memref<16x16x128xf32, #tpu.memory_space<vmem>> -> memref<1x16x128xf32, #tpu.memory_space<vmem>>
      %dma_wait3A_734 = tpu.memref_squeeze %dma_wait3A_733 : memref<1x16x128xf32, #tpu.memory_space<vmem>> -> memref<16x128xf32, #tpu.memory_space<vmem>>
      %dma_wait3A_735 = arith.constant 0 : i32
      %dma_wait3A_736 = tpu.memref_slice %arg5[%dma_wait3A_735, %multiple_of3A_118] : memref<16x1000000xf32, #tpu.memory_space<hbm>> -> memref<16x128xf32, #tpu.memory_space<hbm>>
      %dma_wait3A_737 = arith.constant 0 : i32
      %dma_wait3A_738 = arith.constant 0 : i32
      %dma_wait3A_739 = tpu.memref_slice %arg12[%dma_wait3A_730, %dma_wait3A_737, %dma_wait3A_738] : memref<16x16x128xf32, #tpu.memory_space<vmem>> -> memref<1x16x128xf32, #tpu.memory_space<vmem>>
      %dma_wait3A_740 = tpu.memref_squeeze %dma_wait3A_739 : memref<1x16x128xf32, #tpu.memory_space<vmem>> -> memref<16x128xf32, #tpu.memory_space<vmem>>
      %dma_wait3A_741 = arith.constant 0 : i32
      %dma_wait3A_742 = tpu.memref_slice %arg5[%dma_wait3A_741, %multiple_of3A_118] : memref<16x1000000xf32, #tpu.memory_space<hbm>> -> memref<16x128xf32, #tpu.memory_space<hbm>>
      tpu.wait_dma2 semaphore(%arg16 : memref<!tpu.dma_semaphore, #tpu.memory_space<semaphore_mem>>) src(%dma_wait3A_742 : memref<16x128xf32, #tpu.memory_space<hbm>>) dst(%dma_wait3A_740 : memref<16x128xf32, #tpu.memory_space<vmem>>)
      %dma_wait3A_743 = arith.constant 3 : i32
      %dma_wait3A_744 = arith.constant 0 : i32
      %dma_wait3A_745 = arith.constant 0 : i32
      %dma_wait3A_746 = tpu.memref_slice %arg11[%dma_wait3A_743, %dma_wait3A_744, %dma_wait3A_745] : memref<16x16x128xf32, #tpu.memory_space<vmem>> -> memref<1x16x128xf32, #tpu.memory_space<vmem>>
      %dma_wait3A_747 = tpu.memref_squeeze %dma_wait3A_746 : memref<1x16x128xf32, #tpu.memory_space<vmem>> -> memref<16x128xf32, #tpu.memory_space<vmem>>
      %dma_wait3A_748 = arith.constant 0 : i32
      %dma_wait3A_749 = tpu.memref_slice %arg4[%dma_wait3A_748, %multiple_of3A_151] : memref<16x1000000xf32, #tpu.memory_space<hbm>> -> memref<16x128xf32, #tpu.memory_space<hbm>>
      %dma_wait3A_750 = arith.constant 0 : i32
      %dma_wait3A_751 = arith.constant 0 : i32
      %dma_wait3A_752 = tpu.memref_slice %arg11[%dma_wait3A_743, %dma_wait3A_750, %dma_wait3A_751] : memref<16x16x128xf32, #tpu.memory_space<vmem>> -> memref<1x16x128xf32, #tpu.memory_space<vmem>>
      %dma_wait3A_753 = tpu.memref_squeeze %dma_wait3A_752 : memref<1x16x128xf32, #tpu.memory_space<vmem>> -> memref<16x128xf32, #tpu.memory_space<vmem>>
      %dma_wait3A_754 = arith.constant 0 : i32
      %dma_wait3A_755 = tpu.memref_slice %arg4[%dma_wait3A_754, %multiple_of3A_151] : memref<16x1000000xf32, #tpu.memory_space<hbm>> -> memref<16x128xf32, #tpu.memory_space<hbm>>
      tpu.wait_dma2 semaphore(%arg16 : memref<!tpu.dma_semaphore, #tpu.memory_space<semaphore_mem>>) src(%dma_wait3A_755 : memref<16x128xf32, #tpu.memory_space<hbm>>) dst(%dma_wait3A_753 : memref<16x128xf32, #tpu.memory_space<vmem>>)
      %dma_wait3A_756 = arith.constant 3 : i32
      %dma_wait3A_757 = arith.constant 0 : i32
      %dma_wait3A_758 = arith.constant 0 : i32
      %dma_wait3A_759 = tpu.memref_slice %arg12[%dma_wait3A_756, %dma_wait3A_757, %dma_wait3A_758] : memref<16x16x128xf32, #tpu.memory_space<vmem>> -> memref<1x16x128xf32, #tpu.memory_space<vmem>>
      %dma_wait3A_760 = tpu.memref_squeeze %dma_wait3A_759 : memref<1x16x128xf32, #tpu.memory_space<vmem>> -> memref<16x128xf32, #tpu.memory_space<vmem>>
      %dma_wait3A_761 = arith.constant 0 : i32
      %dma_wait3A_762 = tpu.memref_slice %arg5[%dma_wait3A_761, %multiple_of3A_158] : memref<16x1000000xf32, #tpu.memory_space<hbm>> -> memref<16x128xf32, #tpu.memory_space<hbm>>
      %dma_wait3A_763 = arith.constant 0 : i32
      %dma_wait3A_764 = arith.constant 0 : i32
      %dma_wait3A_765 = tpu.memref_slice %arg12[%dma_wait3A_756, %dma_wait3A_763, %dma_wait3A_764] : memref<16x16x128xf32, #tpu.memory_space<vmem>> -> memref<1x16x128xf32, #tpu.memory_space<vmem>>
      %dma_wait3A_766 = tpu.memref_squeeze %dma_wait3A_765 : memref<1x16x128xf32, #tpu.memory_space<vmem>> -> memref<16x128xf32, #tpu.memory_space<vmem>>
      %dma_wait3A_767 = arith.constant 0 : i32
      %dma_wait3A_768 = tpu.memref_slice %arg5[%dma_wait3A_767, %multiple_of3A_158] : memref<16x1000000xf32, #tpu.memory_space<hbm>> -> memref<16x128xf32, #tpu.memory_space<hbm>>
      tpu.wait_dma2 semaphore(%arg16 : memref<!tpu.dma_semaphore, #tpu.memory_space<semaphore_mem>>) src(%dma_wait3A_768 : memref<16x128xf32, #tpu.memory_space<hbm>>) dst(%dma_wait3A_766 : memref<16x128xf32, #tpu.memory_space<vmem>>)
      %dma_wait3A_769 = arith.constant 4 : i32
      %dma_wait3A_770 = arith.constant 0 : i32
      %dma_wait3A_771 = arith.constant 0 : i32
      %dma_wait3A_772 = tpu.memref_slice %arg11[%dma_wait3A_769, %dma_wait3A_770, %dma_wait3A_771] : memref<16x16x128xf32, #tpu.memory_space<vmem>> -> memref<1x16x128xf32, #tpu.memory_space<vmem>>
      %dma_wait3A_773 = tpu.memref_squeeze %dma_wait3A_772 : memref<1x16x128xf32, #tpu.memory_space<vmem>> -> memref<16x128xf32, #tpu.memory_space<vmem>>
      %dma_wait3A_774 = arith.constant 0 : i32
      %dma_wait3A_775 = tpu.memref_slice %arg4[%dma_wait3A_774, %multiple_of3A_191] : memref<16x1000000xf32, #tpu.memory_space<hbm>> -> memref<16x128xf32, #tpu.memory_space<hbm>>
      %dma_wait3A_776 = arith.constant 0 : i32
      %dma_wait3A_777 = arith.constant 0 : i32
      %dma_wait3A_778 = tpu.memref_slice %arg11[%dma_wait3A_769, %dma_wait3A_776, %dma_wait3A_777] : memref<16x16x128xf32, #tpu.memory_space<vmem>> -> memref<1x16x128xf32, #tpu.memory_space<vmem>>
      %dma_wait3A_779 = tpu.memref_squeeze %dma_wait3A_778 : memref<1x16x128xf32, #tpu.memory_space<vmem>> -> memref<16x128xf32, #tpu.memory_space<vmem>>
      %dma_wait3A_780 = arith.constant 0 : i32
      %dma_wait3A_781 = tpu.memref_slice %arg4[%dma_wait3A_780, %multiple_of3A_191] : memref<16x1000000xf32, #tpu.memory_space<hbm>> -> memref<16x128xf32, #tpu.memory_space<hbm>>
      tpu.wait_dma2 semaphore(%arg16 : memref<!tpu.dma_semaphore, #tpu.memory_space<semaphore_mem>>) src(%dma_wait3A_781 : memref<16x128xf32, #tpu.memory_space<hbm>>) dst(%dma_wait3A_779 : memref<16x128xf32, #tpu.memory_space<vmem>>)
      %dma_wait3A_782 = arith.constant 4 : i32
      %dma_wait3A_783 = arith.constant 0 : i32
      %dma_wait3A_784 = arith.constant 0 : i32
      %dma_wait3A_785 = tpu.memref_slice %arg12[%dma_wait3A_782, %dma_wait3A_783, %dma_wait3A_784] : memref<16x16x128xf32, #tpu.memory_space<vmem>> -> memref<1x16x128xf32, #tpu.memory_space<vmem>>
      %dma_wait3A_786 = tpu.memref_squeeze %dma_wait3A_785 : memref<1x16x128xf32, #tpu.memory_space<vmem>> -> memref<16x128xf32, #tpu.memory_space<vmem>>
      %dma_wait3A_787 = arith.constant 0 : i32
      %dma_wait3A_788 = tpu.memref_slice %arg5[%dma_wait3A_787, %multiple_of3A_198] : memref<16x1000000xf32, #tpu.memory_space<hbm>> -> memref<16x128xf32, #tpu.memory_space<hbm>>
      %dma_wait3A_789 = arith.constant 0 : i32
      %dma_wait3A_790 = arith.constant 0 : i32
      %dma_wait3A_791 = tpu.memref_slice %arg12[%dma_wait3A_782, %dma_wait3A_789, %dma_wait3A_790] : memref<16x16x128xf32, #tpu.memory_space<vmem>> -> memref<1x16x128xf32, #tpu.memory_space<vmem>>
      %dma_wait3A_792 = tpu.memref_squeeze %dma_wait3A_791 : memref<1x16x128xf32, #tpu.memory_space<vmem>> -> memref<16x128xf32, #tpu.memory_space<vmem>>
      %dma_wait3A_793 = arith.constant 0 : i32
      %dma_wait3A_794 = tpu.memref_slice %arg5[%dma_wait3A_793, %multiple_of3A_198] : memref<16x1000000xf32, #tpu.memory_space<hbm>> -> memref<16x128xf32, #tpu.memory_space<hbm>>
      tpu.wait_dma2 semaphore(%arg16 : memref<!tpu.dma_semaphore, #tpu.memory_space<semaphore_mem>>) src(%dma_wait3A_794 : memref<16x128xf32, #tpu.memory_space<hbm>>) dst(%dma_wait3A_792 : memref<16x128xf32, #tpu.memory_space<vmem>>)
      %dma_wait3A_795 = arith.constant 5 : i32
      %dma_wait3A_796 = arith.constant 0 : i32
      %dma_wait3A_797 = arith.constant 0 : i32
      %dma_wait3A_798 = tpu.memref_slice %arg11[%dma_wait3A_795, %dma_wait3A_796, %dma_wait3A_797] : memref<16x16x128xf32, #tpu.memory_space<vmem>> -> memref<1x16x128xf32, #tpu.memory_space<vmem>>
      %dma_wait3A_799 = tpu.memref_squeeze %dma_wait3A_798 : memref<1x16x128xf32, #tpu.memory_space<vmem>> -> memref<16x128xf32, #tpu.memory_space<vmem>>
      %dma_wait3A_800 = arith.constant 0 : i32
      %dma_wait3A_801 = tpu.memref_slice %arg4[%dma_wait3A_800, %multiple_of3A_231] : memref<16x1000000xf32, #tpu.memory_space<hbm>> -> memref<16x128xf32, #tpu.memory_space<hbm>>
      %dma_wait3A_802 = arith.constant 0 : i32
      %dma_wait3A_803 = arith.constant 0 : i32
      %dma_wait3A_804 = tpu.memref_slice %arg11[%dma_wait3A_795, %dma_wait3A_802, %dma_wait3A_803] : memref<16x16x128xf32, #tpu.memory_space<vmem>> -> memref<1x16x128xf32, #tpu.memory_space<vmem>>
      %dma_wait3A_805 = tpu.memref_squeeze %dma_wait3A_804 : memref<1x16x128xf32, #tpu.memory_space<vmem>> -> memref<16x128xf32, #tpu.memory_space<vmem>>
      %dma_wait3A_806 = arith.constant 0 : i32
      %dma_wait3A_807 = tpu.memref_slice %arg4[%dma_wait3A_806, %multiple_of3A_231] : memref<16x1000000xf32, #tpu.memory_space<hbm>> -> memref<16x128xf32, #tpu.memory_space<hbm>>
      tpu.wait_dma2 semaphore(%arg16 : memref<!tpu.dma_semaphore, #tpu.memory_space<semaphore_mem>>) src(%dma_wait3A_807 : memref<16x128xf32, #tpu.memory_space<hbm>>) dst(%dma_wait3A_805 : memref<16x128xf32, #tpu.memory_space<vmem>>)
      %dma_wait3A_808 = arith.constant 5 : i32
      %dma_wait3A_809 = arith.constant 0 : i32
      %dma_wait3A_810 = arith.constant 0 : i32
      %dma_wait3A_811 = tpu.memref_slice %arg12[%dma_wait3A_808, %dma_wait3A_809, %dma_wait3A_810] : memref<16x16x128xf32, #tpu.memory_space<vmem>> -> memref<1x16x128xf32, #tpu.memory_space<vmem>>
      %dma_wait3A_812 = tpu.memref_squeeze %dma_wait3A_811 : memref<1x16x128xf32, #tpu.memory_space<vmem>> -> memref<16x128xf32, #tpu.memory_space<vmem>>
      %dma_wait3A_813 = arith.constant 0 : i32
      %dma_wait3A_814 = tpu.memref_slice %arg5[%dma_wait3A_813, %multiple_of3A_238] : memref<16x1000000xf32, #tpu.memory_space<hbm>> -> memref<16x128xf32, #tpu.memory_space<hbm>>
      %dma_wait3A_815 = arith.constant 0 : i32
      %dma_wait3A_816 = arith.constant 0 : i32
      %dma_wait3A_817 = tpu.memref_slice %arg12[%dma_wait3A_808, %dma_wait3A_815, %dma_wait3A_816] : memref<16x16x128xf32, #tpu.memory_space<vmem>> -> memref<1x16x128xf32, #tpu.memory_space<vmem>>
      %dma_wait3A_818 = tpu.memref_squeeze %dma_wait3A_817 : memref<1x16x128xf32, #tpu.memory_space<vmem>> -> memref<16x128xf32, #tpu.memory_space<vmem>>
      %dma_wait3A_819 = arith.constant 0 : i32
      %dma_wait3A_820 = tpu.memref_slice %arg5[%dma_wait3A_819, %multiple_of3A_238] : memref<16x1000000xf32, #tpu.memory_space<hbm>> -> memref<16x128xf32, #tpu.memory_space<hbm>>
      tpu.wait_dma2 semaphore(%arg16 : memref<!tpu.dma_semaphore, #tpu.memory_space<semaphore_mem>>) src(%dma_wait3A_820 : memref<16x128xf32, #tpu.memory_space<hbm>>) dst(%dma_wait3A_818 : memref<16x128xf32, #tpu.memory_space<vmem>>)
      %dma_wait3A_821 = arith.constant 6 : i32
      %dma_wait3A_822 = arith.constant 0 : i32
      %dma_wait3A_823 = arith.constant 0 : i32
      %dma_wait3A_824 = tpu.memref_slice %arg11[%dma_wait3A_821, %dma_wait3A_822, %dma_wait3A_823] : memref<16x16x128xf32, #tpu.memory_space<vmem>> -> memref<1x16x128xf32, #tpu.memory_space<vmem>>
      %dma_wait3A_825 = tpu.memref_squeeze %dma_wait3A_824 : memref<1x16x128xf32, #tpu.memory_space<vmem>> -> memref<16x128xf32, #tpu.memory_space<vmem>>
      %dma_wait3A_826 = arith.constant 0 : i32
      %dma_wait3A_827 = tpu.memref_slice %arg4[%dma_wait3A_826, %multiple_of3A_271] : memref<16x1000000xf32, #tpu.memory_space<hbm>> -> memref<16x128xf32, #tpu.memory_space<hbm>>
      %dma_wait3A_828 = arith.constant 0 : i32
      %dma_wait3A_829 = arith.constant 0 : i32
      %dma_wait3A_830 = tpu.memref_slice %arg11[%dma_wait3A_821, %dma_wait3A_828, %dma_wait3A_829] : memref<16x16x128xf32, #tpu.memory_space<vmem>> -> memref<1x16x128xf32, #tpu.memory_space<vmem>>
      %dma_wait3A_831 = tpu.memref_squeeze %dma_wait3A_830 : memref<1x16x128xf32, #tpu.memory_space<vmem>> -> memref<16x128xf32, #tpu.memory_space<vmem>>
      %dma_wait3A_832 = arith.constant 0 : i32
      %dma_wait3A_833 = tpu.memref_slice %arg4[%dma_wait3A_832, %multiple_of3A_271] : memref<16x1000000xf32, #tpu.memory_space<hbm>> -> memref<16x128xf32, #tpu.memory_space<hbm>>
      tpu.wait_dma2 semaphore(%arg16 : memref<!tpu.dma_semaphore, #tpu.memory_space<semaphore_mem>>) src(%dma_wait3A_833 : memref<16x128xf32, #tpu.memory_space<hbm>>) dst(%dma_wait3A_831 : memref<16x128xf32, #tpu.memory_space<vmem>>)
      %dma_wait3A_834 = arith.constant 6 : i32
      %dma_wait3A_835 = arith.constant 0 : i32
      %dma_wait3A_836 = arith.constant 0 : i32
      %dma_wait3A_837 = tpu.memref_slice %arg12[%dma_wait3A_834, %dma_wait3A_835, %dma_wait3A_836] : memref<16x16x128xf32, #tpu.memory_space<vmem>> -> memref<1x16x128xf32, #tpu.memory_space<vmem>>
      %dma_wait3A_838 = tpu.memref_squeeze %dma_wait3A_837 : memref<1x16x128xf32, #tpu.memory_space<vmem>> -> memref<16x128xf32, #tpu.memory_space<vmem>>
      %dma_wait3A_839 = arith.constant 0 : i32
      %dma_wait3A_840 = tpu.memref_slice %arg5[%dma_wait3A_839, %multiple_of3A_278] : memref<16x1000000xf32, #tpu.memory_space<hbm>> -> memref<16x128xf32, #tpu.memory_space<hbm>>
      %dma_wait3A_841 = arith.constant 0 : i32
      %dma_wait3A_842 = arith.constant 0 : i32
      %dma_wait3A_843 = tpu.memref_slice %arg12[%dma_wait3A_834, %dma_wait3A_841, %dma_wait3A_842] : memref<16x16x128xf32, #tpu.memory_space<vmem>> -> memref<1x16x128xf32, #tpu.memory_space<vmem>>
      %dma_wait3A_844 = tpu.memref_squeeze %dma_wait3A_843 : memref<1x16x128xf32, #tpu.memory_space<vmem>> -> memref<16x128xf32, #tpu.memory_space<vmem>>
      %dma_wait3A_845 = arith.constant 0 : i32
      %dma_wait3A_846 = tpu.memref_slice %arg5[%dma_wait3A_845, %multiple_of3A_278] : memref<16x1000000xf32, #tpu.memory_space<hbm>> -> memref<16x128xf32, #tpu.memory_space<hbm>>
      tpu.wait_dma2 semaphore(%arg16 : memref<!tpu.dma_semaphore, #tpu.memory_space<semaphore_mem>>) src(%dma_wait3A_846 : memref<16x128xf32, #tpu.memory_space<hbm>>) dst(%dma_wait3A_844 : memref<16x128xf32, #tpu.memory_space<vmem>>)
      %dma_wait3A_847 = arith.constant 7 : i32
      %dma_wait3A_848 = arith.constant 0 : i32
      %dma_wait3A_849 = arith.constant 0 : i32
      %dma_wait3A_850 = tpu.memref_slice %arg11[%dma_wait3A_847, %dma_wait3A_848, %dma_wait3A_849] : memref<16x16x128xf32, #tpu.memory_space<vmem>> -> memref<1x16x128xf32, #tpu.memory_space<vmem>>
      %dma_wait3A_851 = tpu.memref_squeeze %dma_wait3A_850 : memref<1x16x128xf32, #tpu.memory_space<vmem>> -> memref<16x128xf32, #tpu.memory_space<vmem>>
      %dma_wait3A_852 = arith.constant 0 : i32
      %dma_wait3A_853 = tpu.memref_slice %arg4[%dma_wait3A_852, %multiple_of3A_311] : memref<16x1000000xf32, #tpu.memory_space<hbm>> -> memref<16x128xf32, #tpu.memory_space<hbm>>
      %dma_wait3A_854 = arith.constant 0 : i32
      %dma_wait3A_855 = arith.constant 0 : i32
      %dma_wait3A_856 = tpu.memref_slice %arg11[%dma_wait3A_847, %dma_wait3A_854, %dma_wait3A_855] : memref<16x16x128xf32, #tpu.memory_space<vmem>> -> memref<1x16x128xf32, #tpu.memory_space<vmem>>
      %dma_wait3A_857 = tpu.memref_squeeze %dma_wait3A_856 : memref<1x16x128xf32, #tpu.memory_space<vmem>> -> memref<16x128xf32, #tpu.memory_space<vmem>>
      %dma_wait3A_858 = arith.constant 0 : i32
      %dma_wait3A_859 = tpu.memref_slice %arg4[%dma_wait3A_858, %multiple_of3A_311] : memref<16x1000000xf32, #tpu.memory_space<hbm>> -> memref<16x128xf32, #tpu.memory_space<hbm>>
      tpu.wait_dma2 semaphore(%arg16 : memref<!tpu.dma_semaphore, #tpu.memory_space<semaphore_mem>>) src(%dma_wait3A_859 : memref<16x128xf32, #tpu.memory_space<hbm>>) dst(%dma_wait3A_857 : memref<16x128xf32, #tpu.memory_space<vmem>>)
      %dma_wait3A_860 = arith.constant 7 : i32
      %dma_wait3A_861 = arith.constant 0 : i32
      %dma_wait3A_862 = arith.constant 0 : i32
      %dma_wait3A_863 = tpu.memref_slice %arg12[%dma_wait3A_860, %dma_wait3A_861, %dma_wait3A_862] : memref<16x16x128xf32, #tpu.memory_space<vmem>> -> memref<1x16x128xf32, #tpu.memory_space<vmem>>
      %dma_wait3A_864 = tpu.memref_squeeze %dma_wait3A_863 : memref<1x16x128xf32, #tpu.memory_space<vmem>> -> memref<16x128xf32, #tpu.memory_space<vmem>>
      %dma_wait3A_865 = arith.constant 0 : i32
      %dma_wait3A_866 = tpu.memref_slice %arg5[%dma_wait3A_865, %multiple_of3A_318] : memref<16x1000000xf32, #tpu.memory_space<hbm>> -> memref<16x128xf32, #tpu.memory_space<hbm>>
      %dma_wait3A_867 = arith.constant 0 : i32
      %dma_wait3A_868 = arith.constant 0 : i32
      %dma_wait3A_869 = tpu.memref_slice %arg12[%dma_wait3A_860, %dma_wait3A_867, %dma_wait3A_868] : memref<16x16x128xf32, #tpu.memory_space<vmem>> -> memref<1x16x128xf32, #tpu.memory_space<vmem>>
      %dma_wait3A_870 = tpu.memref_squeeze %dma_wait3A_869 : memref<1x16x128xf32, #tpu.memory_space<vmem>> -> memref<16x128xf32, #tpu.memory_space<vmem>>
      %dma_wait3A_871 = arith.constant 0 : i32
      %dma_wait3A_872 = tpu.memref_slice %arg5[%dma_wait3A_871, %multiple_of3A_318] : memref<16x1000000xf32, #tpu.memory_space<hbm>> -> memref<16x128xf32, #tpu.memory_space<hbm>>
      tpu.wait_dma2 semaphore(%arg16 : memref<!tpu.dma_semaphore, #tpu.memory_space<semaphore_mem>>) src(%dma_wait3A_872 : memref<16x128xf32, #tpu.memory_space<hbm>>) dst(%dma_wait3A_870 : memref<16x128xf32, #tpu.memory_space<vmem>>)
      %dma_wait3A_873 = arith.constant 8 : i32
      %dma_wait3A_874 = arith.constant 0 : i32
      %dma_wait3A_875 = arith.constant 0 : i32
      %dma_wait3A_876 = tpu.memref_slice %arg11[%dma_wait3A_873, %dma_wait3A_874, %dma_wait3A_875] : memref<16x16x128xf32, #tpu.memory_space<vmem>> -> memref<1x16x128xf32, #tpu.memory_space<vmem>>
      %dma_wait3A_877 = tpu.memref_squeeze %dma_wait3A_876 : memref<1x16x128xf32, #tpu.memory_space<vmem>> -> memref<16x128xf32, #tpu.memory_space<vmem>>
      %dma_wait3A_878 = arith.constant 0 : i32
      %dma_wait3A_879 = tpu.memref_slice %arg4[%dma_wait3A_878, %multiple_of3A_351] : memref<16x1000000xf32, #tpu.memory_space<hbm>> -> memref<16x128xf32, #tpu.memory_space<hbm>>
      %dma_wait3A_880 = arith.constant 0 : i32
      %dma_wait3A_881 = arith.constant 0 : i32
      %dma_wait3A_882 = tpu.memref_slice %arg11[%dma_wait3A_873, %dma_wait3A_880, %dma_wait3A_881] : memref<16x16x128xf32, #tpu.memory_space<vmem>> -> memref<1x16x128xf32, #tpu.memory_space<vmem>>
      %dma_wait3A_883 = tpu.memref_squeeze %dma_wait3A_882 : memref<1x16x128xf32, #tpu.memory_space<vmem>> -> memref<16x128xf32, #tpu.memory_space<vmem>>
      %dma_wait3A_884 = arith.constant 0 : i32
      %dma_wait3A_885 = tpu.memref_slice %arg4[%dma_wait3A_884, %multiple_of3A_351] : memref<16x1000000xf32, #tpu.memory_space<hbm>> -> memref<16x128xf32, #tpu.memory_space<hbm>>
      tpu.wait_dma2 semaphore(%arg16 : memref<!tpu.dma_semaphore, #tpu.memory_space<semaphore_mem>>) src(%dma_wait3A_885 : memref<16x128xf32, #tpu.memory_space<hbm>>) dst(%dma_wait3A_883 : memref<16x128xf32, #tpu.memory_space<vmem>>)
      %dma_wait3A_886 = arith.constant 8 : i32
      %dma_wait3A_887 = arith.constant 0 : i32
      %dma_wait3A_888 = arith.constant 0 : i32
      %dma_wait3A_889 = tpu.memref_slice %arg12[%dma_wait3A_886, %dma_wait3A_887, %dma_wait3A_888] : memref<16x16x128xf32, #tpu.memory_space<vmem>> -> memref<1x16x128xf32, #tpu.memory_space<vmem>>
      %dma_wait3A_890 = tpu.memref_squeeze %dma_wait3A_889 : memref<1x16x128xf32, #tpu.memory_space<vmem>> -> memref<16x128xf32, #tpu.memory_space<vmem>>
      %dma_wait3A_891 = arith.constant 0 : i32
      %dma_wait3A_892 = tpu.memref_slice %arg5[%dma_wait3A_891, %multiple_of3A_358] : memref<16x1000000xf32, #tpu.memory_space<hbm>> -> memref<16x128xf32, #tpu.memory_space<hbm>>
      %dma_wait3A_893 = arith.constant 0 : i32
      %dma_wait3A_894 = arith.constant 0 : i32
      %dma_wait3A_895 = tpu.memref_slice %arg12[%dma_wait3A_886, %dma_wait3A_893, %dma_wait3A_894] : memref<16x16x128xf32, #tpu.memory_space<vmem>> -> memref<1x16x128xf32, #tpu.memory_space<vmem>>
      %dma_wait3A_896 = tpu.memref_squeeze %dma_wait3A_895 : memref<1x16x128xf32, #tpu.memory_space<vmem>> -> memref<16x128xf32, #tpu.memory_space<vmem>>
      %dma_wait3A_897 = arith.constant 0 : i32
      %dma_wait3A_898 = tpu.memref_slice %arg5[%dma_wait3A_897, %multiple_of3A_358] : memref<16x1000000xf32, #tpu.memory_space<hbm>> -> memref<16x128xf32, #tpu.memory_space<hbm>>
      tpu.wait_dma2 semaphore(%arg16 : memref<!tpu.dma_semaphore, #tpu.memory_space<semaphore_mem>>) src(%dma_wait3A_898 : memref<16x128xf32, #tpu.memory_space<hbm>>) dst(%dma_wait3A_896 : memref<16x128xf32, #tpu.memory_space<vmem>>)
      %dma_wait3A_899 = arith.constant 9 : i32
      %dma_wait3A_900 = arith.constant 0 : i32
      %dma_wait3A_901 = arith.constant 0 : i32
      %dma_wait3A_902 = tpu.memref_slice %arg11[%dma_wait3A_899, %dma_wait3A_900, %dma_wait3A_901] : memref<16x16x128xf32, #tpu.memory_space<vmem>> -> memref<1x16x128xf32, #tpu.memory_space<vmem>>
      %dma_wait3A_903 = tpu.memref_squeeze %dma_wait3A_902 : memref<1x16x128xf32, #tpu.memory_space<vmem>> -> memref<16x128xf32, #tpu.memory_space<vmem>>
      %dma_wait3A_904 = arith.constant 0 : i32
      %dma_wait3A_905 = tpu.memref_slice %arg4[%dma_wait3A_904, %multiple_of3A_391] : memref<16x1000000xf32, #tpu.memory_space<hbm>> -> memref<16x128xf32, #tpu.memory_space<hbm>>
      %dma_wait3A_906 = arith.constant 0 : i32
      %dma_wait3A_907 = arith.constant 0 : i32
      %dma_wait3A_908 = tpu.memref_slice %arg11[%dma_wait3A_899, %dma_wait3A_906, %dma_wait3A_907] : memref<16x16x128xf32, #tpu.memory_space<vmem>> -> memref<1x16x128xf32, #tpu.memory_space<vmem>>
      %dma_wait3A_909 = tpu.memref_squeeze %dma_wait3A_908 : memref<1x16x128xf32, #tpu.memory_space<vmem>> -> memref<16x128xf32, #tpu.memory_space<vmem>>
      %dma_wait3A_910 = arith.constant 0 : i32
      %dma_wait3A_911 = tpu.memref_slice %arg4[%dma_wait3A_910, %multiple_of3A_391] : memref<16x1000000xf32, #tpu.memory_space<hbm>> -> memref<16x128xf32, #tpu.memory_space<hbm>>
      tpu.wait_dma2 semaphore(%arg16 : memref<!tpu.dma_semaphore, #tpu.memory_space<semaphore_mem>>) src(%dma_wait3A_911 : memref<16x128xf32, #tpu.memory_space<hbm>>) dst(%dma_wait3A_909 : memref<16x128xf32, #tpu.memory_space<vmem>>)
      %dma_wait3A_912 = arith.constant 9 : i32
      %dma_wait3A_913 = arith.constant 0 : i32
      %dma_wait3A_914 = arith.constant 0 : i32
      %dma_wait3A_915 = tpu.memref_slice %arg12[%dma_wait3A_912, %dma_wait3A_913, %dma_wait3A_914] : memref<16x16x128xf32, #tpu.memory_space<vmem>> -> memref<1x16x128xf32, #tpu.memory_space<vmem>>
      %dma_wait3A_916 = tpu.memref_squeeze %dma_wait3A_915 : memref<1x16x128xf32, #tpu.memory_space<vmem>> -> memref<16x128xf32, #tpu.memory_space<vmem>>
      %dma_wait3A_917 = arith.constant 0 : i32
      %dma_wait3A_918 = tpu.memref_slice %arg5[%dma_wait3A_917, %multiple_of3A_398] : memref<16x1000000xf32, #tpu.memory_space<hbm>> -> memref<16x128xf32, #tpu.memory_space<hbm>>
      %dma_wait3A_919 = arith.constant 0 : i32
      %dma_wait3A_920 = arith.constant 0 : i32
      %dma_wait3A_921 = tpu.memref_slice %arg12[%dma_wait3A_912, %dma_wait3A_919, %dma_wait3A_920] : memref<16x16x128xf32, #tpu.memory_space<vmem>> -> memref<1x16x128xf32, #tpu.memory_space<vmem>>
      %dma_wait3A_922 = tpu.memref_squeeze %dma_wait3A_921 : memref<1x16x128xf32, #tpu.memory_space<vmem>> -> memref<16x128xf32, #tpu.memory_space<vmem>>
      %dma_wait3A_923 = arith.constant 0 : i32
      %dma_wait3A_924 = tpu.memref_slice %arg5[%dma_wait3A_923, %multiple_of3A_398] : memref<16x1000000xf32, #tpu.memory_space<hbm>> -> memref<16x128xf32, #tpu.memory_space<hbm>>
      tpu.wait_dma2 semaphore(%arg16 : memref<!tpu.dma_semaphore, #tpu.memory_space<semaphore_mem>>) src(%dma_wait3A_924 : memref<16x128xf32, #tpu.memory_space<hbm>>) dst(%dma_wait3A_922 : memref<16x128xf32, #tpu.memory_space<vmem>>)
      %dma_wait3A_925 = arith.constant 10 : i32
      %dma_wait3A_926 = arith.constant 0 : i32
      %dma_wait3A_927 = arith.constant 0 : i32
      %dma_wait3A_928 = tpu.memref_slice %arg11[%dma_wait3A_925, %dma_wait3A_926, %dma_wait3A_927] : memref<16x16x128xf32, #tpu.memory_space<vmem>> -> memref<1x16x128xf32, #tpu.memory_space<vmem>>
      %dma_wait3A_929 = tpu.memref_squeeze %dma_wait3A_928 : memref<1x16x128xf32, #tpu.memory_space<vmem>> -> memref<16x128xf32, #tpu.memory_space<vmem>>
      %dma_wait3A_930 = arith.constant 0 : i32
      %dma_wait3A_931 = tpu.memref_slice %arg4[%dma_wait3A_930, %multiple_of3A_431] : memref<16x1000000xf32, #tpu.memory_space<hbm>> -> memref<16x128xf32, #tpu.memory_space<hbm>>
      %dma_wait3A_932 = arith.constant 0 : i32
      %dma_wait3A_933 = arith.constant 0 : i32
      %dma_wait3A_934 = tpu.memref_slice %arg11[%dma_wait3A_925, %dma_wait3A_932, %dma_wait3A_933] : memref<16x16x128xf32, #tpu.memory_space<vmem>> -> memref<1x16x128xf32, #tpu.memory_space<vmem>>
      %dma_wait3A_935 = tpu.memref_squeeze %dma_wait3A_934 : memref<1x16x128xf32, #tpu.memory_space<vmem>> -> memref<16x128xf32, #tpu.memory_space<vmem>>
      %dma_wait3A_936 = arith.constant 0 : i32
      %dma_wait3A_937 = tpu.memref_slice %arg4[%dma_wait3A_936, %multiple_of3A_431] : memref<16x1000000xf32, #tpu.memory_space<hbm>> -> memref<16x128xf32, #tpu.memory_space<hbm>>
      tpu.wait_dma2 semaphore(%arg16 : memref<!tpu.dma_semaphore, #tpu.memory_space<semaphore_mem>>) src(%dma_wait3A_937 : memref<16x128xf32, #tpu.memory_space<hbm>>) dst(%dma_wait3A_935 : memref<16x128xf32, #tpu.memory_space<vmem>>)
      %dma_wait3A_938 = arith.constant 10 : i32
      %dma_wait3A_939 = arith.constant 0 : i32
      %dma_wait3A_940 = arith.constant 0 : i32
      %dma_wait3A_941 = tpu.memref_slice %arg12[%dma_wait3A_938, %dma_wait3A_939, %dma_wait3A_940] : memref<16x16x128xf32, #tpu.memory_space<vmem>> -> memref<1x16x128xf32, #tpu.memory_space<vmem>>
      %dma_wait3A_942 = tpu.memref_squeeze %dma_wait3A_941 : memref<1x16x128xf32, #tpu.memory_space<vmem>> -> memref<16x128xf32, #tpu.memory_space<vmem>>
      %dma_wait3A_943 = arith.constant 0 : i32
      %dma_wait3A_944 = tpu.memref_slice %arg5[%dma_wait3A_943, %multiple_of3A_438] : memref<16x1000000xf32, #tpu.memory_space<hbm>> -> memref<16x128xf32, #tpu.memory_space<hbm>>
      %dma_wait3A_945 = arith.constant 0 : i32
      %dma_wait3A_946 = arith.constant 0 : i32
      %dma_wait3A_947 = tpu.memref_slice %arg12[%dma_wait3A_938, %dma_wait3A_945, %dma_wait3A_946] : memref<16x16x128xf32, #tpu.memory_space<vmem>> -> memref<1x16x128xf32, #tpu.memory_space<vmem>>
      %dma_wait3A_948 = tpu.memref_squeeze %dma_wait3A_947 : memref<1x16x128xf32, #tpu.memory_space<vmem>> -> memref<16x128xf32, #tpu.memory_space<vmem>>
      %dma_wait3A_949 = arith.constant 0 : i32
      %dma_wait3A_950 = tpu.memref_slice %arg5[%dma_wait3A_949, %multiple_of3A_438] : memref<16x1000000xf32, #tpu.memory_space<hbm>> -> memref<16x128xf32, #tpu.memory_space<hbm>>
      tpu.wait_dma2 semaphore(%arg16 : memref<!tpu.dma_semaphore, #tpu.memory_space<semaphore_mem>>) src(%dma_wait3A_950 : memref<16x128xf32, #tpu.memory_space<hbm>>) dst(%dma_wait3A_948 : memref<16x128xf32, #tpu.memory_space<vmem>>)
      %dma_wait3A_951 = arith.constant 11 : i32
      %dma_wait3A_952 = arith.constant 0 : i32
      %dma_wait3A_953 = arith.constant 0 : i32
      %dma_wait3A_954 = tpu.memref_slice %arg11[%dma_wait3A_951, %dma_wait3A_952, %dma_wait3A_953] : memref<16x16x128xf32, #tpu.memory_space<vmem>> -> memref<1x16x128xf32, #tpu.memory_space<vmem>>
      %dma_wait3A_955 = tpu.memref_squeeze %dma_wait3A_954 : memref<1x16x128xf32, #tpu.memory_space<vmem>> -> memref<16x128xf32, #tpu.memory_space<vmem>>
      %dma_wait3A_956 = arith.constant 0 : i32
      %dma_wait3A_957 = tpu.memref_slice %arg4[%dma_wait3A_956, %multiple_of3A_471] : memref<16x1000000xf32, #tpu.memory_space<hbm>> -> memref<16x128xf32, #tpu.memory_space<hbm>>
      %dma_wait3A_958 = arith.constant 0 : i32
      %dma_wait3A_959 = arith.constant 0 : i32
      %dma_wait3A_960 = tpu.memref_slice %arg11[%dma_wait3A_951, %dma_wait3A_958, %dma_wait3A_959] : memref<16x16x128xf32, #tpu.memory_space<vmem>> -> memref<1x16x128xf32, #tpu.memory_space<vmem>>
      %dma_wait3A_961 = tpu.memref_squeeze %dma_wait3A_960 : memref<1x16x128xf32, #tpu.memory_space<vmem>> -> memref<16x128xf32, #tpu.memory_space<vmem>>
      %dma_wait3A_962 = arith.constant 0 : i32
      %dma_wait3A_963 = tpu.memref_slice %arg4[%dma_wait3A_962, %multiple_of3A_471] : memref<16x1000000xf32, #tpu.memory_space<hbm>> -> memref<16x128xf32, #tpu.memory_space<hbm>>
      tpu.wait_dma2 semaphore(%arg16 : memref<!tpu.dma_semaphore, #tpu.memory_space<semaphore_mem>>) src(%dma_wait3A_963 : memref<16x128xf32, #tpu.memory_space<hbm>>) dst(%dma_wait3A_961 : memref<16x128xf32, #tpu.memory_space<vmem>>)
      %dma_wait3A_964 = arith.constant 11 : i32
      %dma_wait3A_965 = arith.constant 0 : i32
      %dma_wait3A_966 = arith.constant 0 : i32
      %dma_wait3A_967 = tpu.memref_slice %arg12[%dma_wait3A_964, %dma_wait3A_965, %dma_wait3A_966] : memref<16x16x128xf32, #tpu.memory_space<vmem>> -> memref<1x16x128xf32, #tpu.memory_space<vmem>>
      %dma_wait3A_968 = tpu.memref_squeeze %dma_wait3A_967 : memref<1x16x128xf32, #tpu.memory_space<vmem>> -> memref<16x128xf32, #tpu.memory_space<vmem>>
      %dma_wait3A_969 = arith.constant 0 : i32
      %dma_wait3A_970 = tpu.memref_slice %arg5[%dma_wait3A_969, %multiple_of3A_478] : memref<16x1000000xf32, #tpu.memory_space<hbm>> -> memref<16x128xf32, #tpu.memory_space<hbm>>
      %dma_wait3A_971 = arith.constant 0 : i32
      %dma_wait3A_972 = arith.constant 0 : i32
      %dma_wait3A_973 = tpu.memref_slice %arg12[%dma_wait3A_964, %dma_wait3A_971, %dma_wait3A_972] : memref<16x16x128xf32, #tpu.memory_space<vmem>> -> memref<1x16x128xf32, #tpu.memory_space<vmem>>
      %dma_wait3A_974 = tpu.memref_squeeze %dma_wait3A_973 : memref<1x16x128xf32, #tpu.memory_space<vmem>> -> memref<16x128xf32, #tpu.memory_space<vmem>>
      %dma_wait3A_975 = arith.constant 0 : i32
      %dma_wait3A_976 = tpu.memref_slice %arg5[%dma_wait3A_975, %multiple_of3A_478] : memref<16x1000000xf32, #tpu.memory_space<hbm>> -> memref<16x128xf32, #tpu.memory_space<hbm>>
      tpu.wait_dma2 semaphore(%arg16 : memref<!tpu.dma_semaphore, #tpu.memory_space<semaphore_mem>>) src(%dma_wait3A_976 : memref<16x128xf32, #tpu.memory_space<hbm>>) dst(%dma_wait3A_974 : memref<16x128xf32, #tpu.memory_space<vmem>>)
      %dma_wait3A_977 = arith.constant 12 : i32
      %dma_wait3A_978 = arith.constant 0 : i32
      %dma_wait3A_979 = arith.constant 0 : i32
      %dma_wait3A_980 = tpu.memref_slice %arg11[%dma_wait3A_977, %dma_wait3A_978, %dma_wait3A_979] : memref<16x16x128xf32, #tpu.memory_space<vmem>> -> memref<1x16x128xf32, #tpu.memory_space<vmem>>
      %dma_wait3A_981 = tpu.memref_squeeze %dma_wait3A_980 : memref<1x16x128xf32, #tpu.memory_space<vmem>> -> memref<16x128xf32, #tpu.memory_space<vmem>>
      %dma_wait3A_982 = arith.constant 0 : i32
      %dma_wait3A_983 = tpu.memref_slice %arg4[%dma_wait3A_982, %multiple_of3A_511] : memref<16x1000000xf32, #tpu.memory_space<hbm>> -> memref<16x128xf32, #tpu.memory_space<hbm>>
      %dma_wait3A_984 = arith.constant 0 : i32
      %dma_wait3A_985 = arith.constant 0 : i32
      %dma_wait3A_986 = tpu.memref_slice %arg11[%dma_wait3A_977, %dma_wait3A_984, %dma_wait3A_985] : memref<16x16x128xf32, #tpu.memory_space<vmem>> -> memref<1x16x128xf32, #tpu.memory_space<vmem>>
      %dma_wait3A_987 = tpu.memref_squeeze %dma_wait3A_986 : memref<1x16x128xf32, #tpu.memory_space<vmem>> -> memref<16x128xf32, #tpu.memory_space<vmem>>
      %dma_wait3A_988 = arith.constant 0 : i32
      %dma_wait3A_989 = tpu.memref_slice %arg4[%dma_wait3A_988, %multiple_of3A_511] : memref<16x1000000xf32, #tpu.memory_space<hbm>> -> memref<16x128xf32, #tpu.memory_space<hbm>>
      tpu.wait_dma2 semaphore(%arg16 : memref<!tpu.dma_semaphore, #tpu.memory_space<semaphore_mem>>) src(%dma_wait3A_989 : memref<16x128xf32, #tpu.memory_space<hbm>>) dst(%dma_wait3A_987 : memref<16x128xf32, #tpu.memory_space<vmem>>)
      %dma_wait3A_990 = arith.constant 12 : i32
      %dma_wait3A_991 = arith.constant 0 : i32
      %dma_wait3A_992 = arith.constant 0 : i32
      %dma_wait3A_993 = tpu.memref_slice %arg12[%dma_wait3A_990, %dma_wait3A_991, %dma_wait3A_992] : memref<16x16x128xf32, #tpu.memory_space<vmem>> -> memref<1x16x128xf32, #tpu.memory_space<vmem>>
      %dma_wait3A_994 = tpu.memref_squeeze %dma_wait3A_993 : memref<1x16x128xf32, #tpu.memory_space<vmem>> -> memref<16x128xf32, #tpu.memory_space<vmem>>
      %dma_wait3A_995 = arith.constant 0 : i32
      %dma_wait3A_996 = tpu.memref_slice %arg5[%dma_wait3A_995, %multiple_of3A_518] : memref<16x1000000xf32, #tpu.memory_space<hbm>> -> memref<16x128xf32, #tpu.memory_space<hbm>>
      %dma_wait3A_997 = arith.constant 0 : i32
      %dma_wait3A_998 = arith.constant 0 : i32
      %dma_wait3A_999 = tpu.memref_slice %arg12[%dma_wait3A_990, %dma_wait3A_997, %dma_wait3A_998] : memref<16x16x128xf32, #tpu.memory_space<vmem>> -> memref<1x16x128xf32, #tpu.memory_space<vmem>>
      %dma_wait3A_1000 = tpu.memref_squeeze %dma_wait3A_999 : memref<1x16x128xf32, #tpu.memory_space<vmem>> -> memref<16x128xf32, #tpu.memory_space<vmem>>
      %dma_wait3A_1001 = arith.constant 0 : i32
      %dma_wait3A_1002 = tpu.memref_slice %arg5[%dma_wait3A_1001, %multiple_of3A_518] : memref<16x1000000xf32, #tpu.memory_space<hbm>> -> memref<16x128xf32, #tpu.memory_space<hbm>>
      tpu.wait_dma2 semaphore(%arg16 : memref<!tpu.dma_semaphore, #tpu.memory_space<semaphore_mem>>) src(%dma_wait3A_1002 : memref<16x128xf32, #tpu.memory_space<hbm>>) dst(%dma_wait3A_1000 : memref<16x128xf32, #tpu.memory_space<vmem>>)
      %dma_wait3A_1003 = arith.constant 13 : i32
      %dma_wait3A_1004 = arith.constant 0 : i32
      %dma_wait3A_1005 = arith.constant 0 : i32
      %dma_wait3A_1006 = tpu.memref_slice %arg11[%dma_wait3A_1003, %dma_wait3A_1004, %dma_wait3A_1005] : memref<16x16x128xf32, #tpu.memory_space<vmem>> -> memref<1x16x128xf32, #tpu.memory_space<vmem>>
      %dma_wait3A_1007 = tpu.memref_squeeze %dma_wait3A_1006 : memref<1x16x128xf32, #tpu.memory_space<vmem>> -> memref<16x128xf32, #tpu.memory_space<vmem>>
      %dma_wait3A_1008 = arith.constant 0 : i32
      %dma_wait3A_1009 = tpu.memref_slice %arg4[%dma_wait3A_1008, %multiple_of3A_551] : memref<16x1000000xf32, #tpu.memory_space<hbm>> -> memref<16x128xf32, #tpu.memory_space<hbm>>
      %dma_wait3A_1010 = arith.constant 0 : i32
      %dma_wait3A_1011 = arith.constant 0 : i32
      %dma_wait3A_1012 = tpu.memref_slice %arg11[%dma_wait3A_1003, %dma_wait3A_1010, %dma_wait3A_1011] : memref<16x16x128xf32, #tpu.memory_space<vmem>> -> memref<1x16x128xf32, #tpu.memory_space<vmem>>
      %dma_wait3A_1013 = tpu.memref_squeeze %dma_wait3A_1012 : memref<1x16x128xf32, #tpu.memory_space<vmem>> -> memref<16x128xf32, #tpu.memory_space<vmem>>
      %dma_wait3A_1014 = arith.constant 0 : i32
      %dma_wait3A_1015 = tpu.memref_slice %arg4[%dma_wait3A_1014, %multiple_of3A_551] : memref<16x1000000xf32, #tpu.memory_space<hbm>> -> memref<16x128xf32, #tpu.memory_space<hbm>>
      tpu.wait_dma2 semaphore(%arg16 : memref<!tpu.dma_semaphore, #tpu.memory_space<semaphore_mem>>) src(%dma_wait3A_1015 : memref<16x128xf32, #tpu.memory_space<hbm>>) dst(%dma_wait3A_1013 : memref<16x128xf32, #tpu.memory_space<vmem>>)
      %dma_wait3A_1016 = arith.constant 13 : i32
      %dma_wait3A_1017 = arith.constant 0 : i32
      %dma_wait3A_1018 = arith.constant 0 : i32
      %dma_wait3A_1019 = tpu.memref_slice %arg12[%dma_wait3A_1016, %dma_wait3A_1017, %dma_wait3A_1018] : memref<16x16x128xf32, #tpu.memory_space<vmem>> -> memref<1x16x128xf32, #tpu.memory_space<vmem>>
      %dma_wait3A_1020 = tpu.memref_squeeze %dma_wait3A_1019 : memref<1x16x128xf32, #tpu.memory_space<vmem>> -> memref<16x128xf32, #tpu.memory_space<vmem>>
      %dma_wait3A_1021 = arith.constant 0 : i32
      %dma_wait3A_1022 = tpu.memref_slice %arg5[%dma_wait3A_1021, %multiple_of3A_558] : memref<16x1000000xf32, #tpu.memory_space<hbm>> -> memref<16x128xf32, #tpu.memory_space<hbm>>
      %dma_wait3A_1023 = arith.constant 0 : i32
      %dma_wait3A_1024 = arith.constant 0 : i32
      %dma_wait3A_1025 = tpu.memref_slice %arg12[%dma_wait3A_1016, %dma_wait3A_1023, %dma_wait3A_1024] : memref<16x16x128xf32, #tpu.memory_space<vmem>> -> memref<1x16x128xf32, #tpu.memory_space<vmem>>
      %dma_wait3A_1026 = tpu.memref_squeeze %dma_wait3A_1025 : memref<1x16x128xf32, #tpu.memory_space<vmem>> -> memref<16x128xf32, #tpu.memory_space<vmem>>
      %dma_wait3A_1027 = arith.constant 0 : i32
      %dma_wait3A_1028 = tpu.memref_slice %arg5[%dma_wait3A_1027, %multiple_of3A_558] : memref<16x1000000xf32, #tpu.memory_space<hbm>> -> memref<16x128xf32, #tpu.memory_space<hbm>>
      tpu.wait_dma2 semaphore(%arg16 : memref<!tpu.dma_semaphore, #tpu.memory_space<semaphore_mem>>) src(%dma_wait3A_1028 : memref<16x128xf32, #tpu.memory_space<hbm>>) dst(%dma_wait3A_1026 : memref<16x128xf32, #tpu.memory_space<vmem>>)
      %dma_wait3A_1029 = arith.constant 14 : i32
      %dma_wait3A_1030 = arith.constant 0 : i32
      %dma_wait3A_1031 = arith.constant 0 : i32
      %dma_wait3A_1032 = tpu.memref_slice %arg11[%dma_wait3A_1029, %dma_wait3A_1030, %dma_wait3A_1031] : memref<16x16x128xf32, #tpu.memory_space<vmem>> -> memref<1x16x128xf32, #tpu.memory_space<vmem>>
      %dma_wait3A_1033 = tpu.memref_squeeze %dma_wait3A_1032 : memref<1x16x128xf32, #tpu.memory_space<vmem>> -> memref<16x128xf32, #tpu.memory_space<vmem>>
      %dma_wait3A_1034 = arith.constant 0 : i32
      %dma_wait3A_1035 = tpu.memref_slice %arg4[%dma_wait3A_1034, %multiple_of3A_591] : memref<16x1000000xf32, #tpu.memory_space<hbm>> -> memref<16x128xf32, #tpu.memory_space<hbm>>
      %dma_wait3A_1036 = arith.constant 0 : i32
      %dma_wait3A_1037 = arith.constant 0 : i32
      %dma_wait3A_1038 = tpu.memref_slice %arg11[%dma_wait3A_1029, %dma_wait3A_1036, %dma_wait3A_1037] : memref<16x16x128xf32, #tpu.memory_space<vmem>> -> memref<1x16x128xf32, #tpu.memory_space<vmem>>
      %dma_wait3A_1039 = tpu.memref_squeeze %dma_wait3A_1038 : memref<1x16x128xf32, #tpu.memory_space<vmem>> -> memref<16x128xf32, #tpu.memory_space<vmem>>
      %dma_wait3A_1040 = arith.constant 0 : i32
      %dma_wait3A_1041 = tpu.memref_slice %arg4[%dma_wait3A_1040, %multiple_of3A_591] : memref<16x1000000xf32, #tpu.memory_space<hbm>> -> memref<16x128xf32, #tpu.memory_space<hbm>>
      tpu.wait_dma2 semaphore(%arg16 : memref<!tpu.dma_semaphore, #tpu.memory_space<semaphore_mem>>) src(%dma_wait3A_1041 : memref<16x128xf32, #tpu.memory_space<hbm>>) dst(%dma_wait3A_1039 : memref<16x128xf32, #tpu.memory_space<vmem>>)
      %dma_wait3A_1042 = arith.constant 14 : i32
      %dma_wait3A_1043 = arith.constant 0 : i32
      %dma_wait3A_1044 = arith.constant 0 : i32
      %dma_wait3A_1045 = tpu.memref_slice %arg12[%dma_wait3A_1042, %dma_wait3A_1043, %dma_wait3A_1044] : memref<16x16x128xf32, #tpu.memory_space<vmem>> -> memref<1x16x128xf32, #tpu.memory_space<vmem>>
      %dma_wait3A_1046 = tpu.memref_squeeze %dma_wait3A_1045 : memref<1x16x128xf32, #tpu.memory_space<vmem>> -> memref<16x128xf32, #tpu.memory_space<vmem>>
      %dma_wait3A_1047 = arith.constant 0 : i32
      %dma_wait3A_1048 = tpu.memref_slice %arg5[%dma_wait3A_1047, %multiple_of3A_598] : memref<16x1000000xf32, #tpu.memory_space<hbm>> -> memref<16x128xf32, #tpu.memory_space<hbm>>
      %dma_wait3A_1049 = arith.constant 0 : i32
      %dma_wait3A_1050 = arith.constant 0 : i32
      %dma_wait3A_1051 = tpu.memref_slice %arg12[%dma_wait3A_1042, %dma_wait3A_1049, %dma_wait3A_1050] : memref<16x16x128xf32, #tpu.memory_space<vmem>> -> memref<1x16x128xf32, #tpu.memory_space<vmem>>
      %dma_wait3A_1052 = tpu.memref_squeeze %dma_wait3A_1051 : memref<1x16x128xf32, #tpu.memory_space<vmem>> -> memref<16x128xf32, #tpu.memory_space<vmem>>
      %dma_wait3A_1053 = arith.constant 0 : i32
      %dma_wait3A_1054 = tpu.memref_slice %arg5[%dma_wait3A_1053, %multiple_of3A_598] : memref<16x1000000xf32, #tpu.memory_space<hbm>> -> memref<16x128xf32, #tpu.memory_space<hbm>>
      tpu.wait_dma2 semaphore(%arg16 : memref<!tpu.dma_semaphore, #tpu.memory_space<semaphore_mem>>) src(%dma_wait3A_1054 : memref<16x128xf32, #tpu.memory_space<hbm>>) dst(%dma_wait3A_1052 : memref<16x128xf32, #tpu.memory_space<vmem>>)
      %dma_wait3A_1055 = arith.constant 15 : i32
      %dma_wait3A_1056 = arith.constant 0 : i32
      %dma_wait3A_1057 = arith.constant 0 : i32
      %dma_wait3A_1058 = tpu.memref_slice %arg11[%dma_wait3A_1055, %dma_wait3A_1056, %dma_wait3A_1057] : memref<16x16x128xf32, #tpu.memory_space<vmem>> -> memref<1x16x128xf32, #tpu.memory_space<vmem>>
      %dma_wait3A_1059 = tpu.memref_squeeze %dma_wait3A_1058 : memref<1x16x128xf32, #tpu.memory_space<vmem>> -> memref<16x128xf32, #tpu.memory_space<vmem>>
      %dma_wait3A_1060 = arith.constant 0 : i32
      %dma_wait3A_1061 = tpu.memref_slice %arg4[%dma_wait3A_1060, %multiple_of3A_631] : memref<16x1000000xf32, #tpu.memory_space<hbm>> -> memref<16x128xf32, #tpu.memory_space<hbm>>
      %dma_wait3A_1062 = arith.constant 0 : i32
      %dma_wait3A_1063 = arith.constant 0 : i32
      %dma_wait3A_1064 = tpu.memref_slice %arg11[%dma_wait3A_1055, %dma_wait3A_1062, %dma_wait3A_1063] : memref<16x16x128xf32, #tpu.memory_space<vmem>> -> memref<1x16x128xf32, #tpu.memory_space<vmem>>
      %dma_wait3A_1065 = tpu.memref_squeeze %dma_wait3A_1064 : memref<1x16x128xf32, #tpu.memory_space<vmem>> -> memref<16x128xf32, #tpu.memory_space<vmem>>
      %dma_wait3A_1066 = arith.constant 0 : i32
      %dma_wait3A_1067 = tpu.memref_slice %arg4[%dma_wait3A_1066, %multiple_of3A_631] : memref<16x1000000xf32, #tpu.memory_space<hbm>> -> memref<16x128xf32, #tpu.memory_space<hbm>>
      tpu.wait_dma2 semaphore(%arg16 : memref<!tpu.dma_semaphore, #tpu.memory_space<semaphore_mem>>) src(%dma_wait3A_1067 : memref<16x128xf32, #tpu.memory_space<hbm>>) dst(%dma_wait3A_1065 : memref<16x128xf32, #tpu.memory_space<vmem>>)
      %dma_wait3A_1068 = arith.constant 15 : i32
      %dma_wait3A_1069 = arith.constant 0 : i32
      %dma_wait3A_1070 = arith.constant 0 : i32
      %dma_wait3A_1071 = tpu.memref_slice %arg12[%dma_wait3A_1068, %dma_wait3A_1069, %dma_wait3A_1070] : memref<16x16x128xf32, #tpu.memory_space<vmem>> -> memref<1x16x128xf32, #tpu.memory_space<vmem>>
      %dma_wait3A_1072 = tpu.memref_squeeze %dma_wait3A_1071 : memref<1x16x128xf32, #tpu.memory_space<vmem>> -> memref<16x128xf32, #tpu.memory_space<vmem>>
      %dma_wait3A_1073 = arith.constant 0 : i32
      %dma_wait3A_1074 = tpu.memref_slice %arg5[%dma_wait3A_1073, %multiple_of3A_638] : memref<16x1000000xf32, #tpu.memory_space<hbm>> -> memref<16x128xf32, #tpu.memory_space<hbm>>
      %dma_wait3A_1075 = arith.constant 0 : i32
      %dma_wait3A_1076 = arith.constant 0 : i32
      %dma_wait3A_1077 = tpu.memref_slice %arg12[%dma_wait3A_1068, %dma_wait3A_1075, %dma_wait3A_1076] : memref<16x16x128xf32, #tpu.memory_space<vmem>> -> memref<1x16x128xf32, #tpu.memory_space<vmem>>
      %dma_wait3A_1078 = tpu.memref_squeeze %dma_wait3A_1077 : memref<1x16x128xf32, #tpu.memory_space<vmem>> -> memref<16x128xf32, #tpu.memory_space<vmem>>
      %dma_wait3A_1079 = arith.constant 0 : i32
      %dma_wait3A_1080 = tpu.memref_slice %arg5[%dma_wait3A_1079, %multiple_of3A_638] : memref<16x1000000xf32, #tpu.memory_space<hbm>> -> memref<16x128xf32, #tpu.memory_space<hbm>>
      tpu.wait_dma2 semaphore(%arg16 : memref<!tpu.dma_semaphore, #tpu.memory_space<semaphore_mem>>) src(%dma_wait3A_1080 : memref<16x128xf32, #tpu.memory_space<hbm>>) dst(%dma_wait3A_1078 : memref<16x128xf32, #tpu.memory_space<vmem>>)
      %and3A = arith.constant 127 : i32
      %and3A_1081 = vector.broadcast %and3A : i32 to vector<16xi32>
      %and3A_1082 = arith.andi %get3A_25, %and3A_1081 : vector<16xi32>
      %and3A_1083 = arith.constant 127 : i32
      %and3A_1084 = vector.broadcast %and3A_1083 : i32 to vector<16xi32>
      %and3A_1085 = arith.andi %get3A_27, %and3A_1084 : vector<16xi32>
      %broadcast_in_dim3A = arith.constant 0 : i32
      %broadcast_in_dim3A_1086 = vector.broadcast %broadcast_in_dim3A : i32 to vector<16xi32>
      %gather3A = tpu.vector_load_idx %arg11[%iota3A, %broadcast_in_dim3A_1086, %and3A_1082] : memref<16x16x128xf32, #tpu.memory_space<vmem>>[vector<16xi32>, vector<16xi32>, vector<16xi32>], vector<16xf32>,
      %gather3A_1087 = tpu.vector_load_idx %arg12[%iota3A, %broadcast_in_dim3A_1086, %and3A_1085] : memref<16x16x128xf32, #tpu.memory_space<vmem>>[vector<16xi32>, vector<16xi32>, vector<16xi32>], vector<16xf32>,
      %swap3A = arith.constant 0 : i32
      %swap3A_1088 = arith.index_cast %swap3A : i32 to index
      %swap3A_1089 = arith.index_cast %mul3A_24 : i32 to index
      %swap3A_1090 = tpu.vector_load %arg13[%swap3A_1088, %swap3A_1089] {strides = array<i32>} : memref<16x512xf32, #tpu.memory_space<vmem>>, vector<16xf32>,
      tpu.vector_store %arg13[%swap3A_1088, %swap3A_1089], %gather3A {strides = array<i32>} : memref<16x512xf32, #tpu.memory_space<vmem>>, vector<16xf32>,
      %swap3A_1091 = arith.constant 0 : i32
      %swap3A_1092 = arith.index_cast %swap3A_1091 : i32 to index
      %swap3A_1093 = arith.index_cast %mul3A_24 : i32 to index
      %swap3A_1094 = tpu.vector_load %arg14[%swap3A_1092, %swap3A_1093] {strides = array<i32>} : memref<16x512xf32, #tpu.memory_space<vmem>>, vector<16xf32>,
      tpu.vector_store %arg14[%swap3A_1092, %swap3A_1093], %gather3A_1087 {strides = array<i32>} : memref<16x512xf32, #tpu.memory_space<vmem>>, vector<16xf32>,
      %mul3A_1095 = arith.mulf %gather3A, %gather3A_1087 : vector<16xf32>
      %broadcast_in_dim3A_1096 = arith.constant 1 : i32
      %broadcast_in_dim3A_1097 = vector.broadcast %broadcast_in_dim3A_1096 : i32 to vector<16xi32>
      %gather3A_1098 = tpu.vector_load_idx %arg11[%iota3A, %broadcast_in_dim3A_1097, %and3A_1082] : memref<16x16x128xf32, #tpu.memory_space<vmem>>[vector<16xi32>, vector<16xi32>, vector<16xi32>], vector<16xf32>,
      %gather3A_1099 = tpu.vector_load_idx %arg12[%iota3A, %broadcast_in_dim3A_1097, %and3A_1085] : memref<16x16x128xf32, #tpu.memory_space<vmem>>[vector<16xi32>, vector<16xi32>, vector<16xi32>], vector<16xf32>,
      %swap3A_1100 = arith.constant 1 : i32
      %swap3A_1101 = arith.index_cast %swap3A_1100 : i32 to index
      %swap3A_1102 = arith.index_cast %mul3A_24 : i32 to index
      %swap3A_1103 = tpu.vector_load %arg13[%swap3A_1101, %swap3A_1102] {strides = array<i32>} : memref<16x512xf32, #tpu.memory_space<vmem>>, vector<16xf32>,
      tpu.vector_store %arg13[%swap3A_1101, %swap3A_1102], %gather3A_1098 {strides = array<i32>} : memref<16x512xf32, #tpu.memory_space<vmem>>, vector<16xf32>,
      %swap3A_1104 = arith.constant 1 : i32
      %swap3A_1105 = arith.index_cast %swap3A_1104 : i32 to index
      %swap3A_1106 = arith.index_cast %mul3A_24 : i32 to index
      %swap3A_1107 = tpu.vector_load %arg14[%swap3A_1105, %swap3A_1106] {strides = array<i32>} : memref<16x512xf32, #tpu.memory_space<vmem>>, vector<16xf32>,
      tpu.vector_store %arg14[%swap3A_1105, %swap3A_1106], %gather3A_1099 {strides = array<i32>} : memref<16x512xf32, #tpu.memory_space<vmem>>, vector<16xf32>,
      %mul3A_1108 = arith.mulf %gather3A_1098, %gather3A_1099 : vector<16xf32>
      %add3A_1109 = arith.addf %mul3A_1095, %mul3A_1108 : vector<16xf32>
      %broadcast_in_dim3A_1110 = arith.constant 2 : i32
      %broadcast_in_dim3A_1111 = vector.broadcast %broadcast_in_dim3A_1110 : i32 to vector<16xi32>
      %gather3A_1112 = tpu.vector_load_idx %arg11[%iota3A, %broadcast_in_dim3A_1111, %and3A_1082] : memref<16x16x128xf32, #tpu.memory_space<vmem>>[vector<16xi32>, vector<16xi32>, vector<16xi32>], vector<16xf32>,
      %gather3A_1113 = tpu.vector_load_idx %arg12[%iota3A, %broadcast_in_dim3A_1111, %and3A_1085] : memref<16x16x128xf32, #tpu.memory_space<vmem>>[vector<16xi32>, vector<16xi32>, vector<16xi32>], vector<16xf32>,
      %swap3A_1114 = arith.constant 2 : i32
      %swap3A_1115 = arith.index_cast %swap3A_1114 : i32 to index
      %swap3A_1116 = arith.index_cast %mul3A_24 : i32 to index
      %swap3A_1117 = tpu.vector_load %arg13[%swap3A_1115, %swap3A_1116] {strides = array<i32>} : memref<16x512xf32, #tpu.memory_space<vmem>>, vector<16xf32>,
      tpu.vector_store %arg13[%swap3A_1115, %swap3A_1116], %gather3A_1112 {strides = array<i32>} : memref<16x512xf32, #tpu.memory_space<vmem>>, vector<16xf32>,
      %swap3A_1118 = arith.constant 2 : i32
      %swap3A_1119 = arith.index_cast %swap3A_1118 : i32 to index
      %swap3A_1120 = arith.index_cast %mul3A_24 : i32 to index
      %swap3A_1121 = tpu.vector_load %arg14[%swap3A_1119, %swap3A_1120] {strides = array<i32>} : memref<16x512xf32, #tpu.memory_space<vmem>>, vector<16xf32>,
      tpu.vector_store %arg14[%swap3A_1119, %swap3A_1120], %gather3A_1113 {strides = array<i32>} : memref<16x512xf32, #tpu.memory_space<vmem>>, vector<16xf32>,
      %mul3A_1122 = arith.mulf %gather3A_1112, %gather3A_1113 : vector<16xf32>
      %add3A_1123 = arith.addf %add3A_1109, %mul3A_1122 : vector<16xf32>
      %broadcast_in_dim3A_1124 = arith.constant 3 : i32
      %broadcast_in_dim3A_1125 = vector.broadcast %broadcast_in_dim3A_1124 : i32 to vector<16xi32>
      %gather3A_1126 = tpu.vector_load_idx %arg11[%iota3A, %broadcast_in_dim3A_1125, %and3A_1082] : memref<16x16x128xf32, #tpu.memory_space<vmem>>[vector<16xi32>, vector<16xi32>, vector<16xi32>], vector<16xf32>,
      %gather3A_1127 = tpu.vector_load_idx %arg12[%iota3A, %broadcast_in_dim3A_1125, %and3A_1085] : memref<16x16x128xf32, #tpu.memory_space<vmem>>[vector<16xi32>, vector<16xi32>, vector<16xi32>], vector<16xf32>,
      %swap3A_1128 = arith.constant 3 : i32
      %swap3A_1129 = arith.index_cast %swap3A_1128 : i32 to index
      %swap3A_1130 = arith.index_cast %mul3A_24 : i32 to index
      %swap3A_1131 = tpu.vector_load %arg13[%swap3A_1129, %swap3A_1130] {strides = array<i32>} : memref<16x512xf32, #tpu.memory_space<vmem>>, vector<16xf32>,
      tpu.vector_store %arg13[%swap3A_1129, %swap3A_1130], %gather3A_1126 {strides = array<i32>} : memref<16x512xf32, #tpu.memory_space<vmem>>, vector<16xf32>,
      %swap3A_1132 = arith.constant 3 : i32
      %swap3A_1133 = arith.index_cast %swap3A_1132 : i32 to index
      %swap3A_1134 = arith.index_cast %mul3A_24 : i32 to index
      %swap3A_1135 = tpu.vector_load %arg14[%swap3A_1133, %swap3A_1134] {strides = array<i32>} : memref<16x512xf32, #tpu.memory_space<vmem>>, vector<16xf32>,
      tpu.vector_store %arg14[%swap3A_1133, %swap3A_1134], %gather3A_1127 {strides = array<i32>} : memref<16x512xf32, #tpu.memory_space<vmem>>, vector<16xf32>,
      %mul3A_1136 = arith.mulf %gather3A_1126, %gather3A_1127 : vector<16xf32>
      %add3A_1137 = arith.addf %add3A_1123, %mul3A_1136 : vector<16xf32>
      %broadcast_in_dim3A_1138 = arith.constant 4 : i32
      %broadcast_in_dim3A_1139 = vector.broadcast %broadcast_in_dim3A_1138 : i32 to vector<16xi32>
      %gather3A_1140 = tpu.vector_load_idx %arg11[%iota3A, %broadcast_in_dim3A_1139, %and3A_1082] : memref<16x16x128xf32, #tpu.memory_space<vmem>>[vector<16xi32>, vector<16xi32>, vector<16xi32>], vector<16xf32>,
      %gather3A_1141 = tpu.vector_load_idx %arg12[%iota3A, %broadcast_in_dim3A_1139, %and3A_1085] : memref<16x16x128xf32, #tpu.memory_space<vmem>>[vector<16xi32>, vector<16xi32>, vector<16xi32>], vector<16xf32>,
      %swap3A_1142 = arith.constant 4 : i32
      %swap3A_1143 = arith.index_cast %swap3A_1142 : i32 to index
      %swap3A_1144 = arith.index_cast %mul3A_24 : i32 to index
      %swap3A_1145 = tpu.vector_load %arg13[%swap3A_1143, %swap3A_1144] {strides = array<i32>} : memref<16x512xf32, #tpu.memory_space<vmem>>, vector<16xf32>,
      tpu.vector_store %arg13[%swap3A_1143, %swap3A_1144], %gather3A_1140 {strides = array<i32>} : memref<16x512xf32, #tpu.memory_space<vmem>>, vector<16xf32>,
      %swap3A_1146 = arith.constant 4 : i32
      %swap3A_1147 = arith.index_cast %swap3A_1146 : i32 to index
      %swap3A_1148 = arith.index_cast %mul3A_24 : i32 to index
      %swap3A_1149 = tpu.vector_load %arg14[%swap3A_1147, %swap3A_1148] {strides = array<i32>} : memref<16x512xf32, #tpu.memory_space<vmem>>, vector<16xf32>,
      tpu.vector_store %arg14[%swap3A_1147, %swap3A_1148], %gather3A_1141 {strides = array<i32>} : memref<16x512xf32, #tpu.memory_space<vmem>>, vector<16xf32>,
      %mul3A_1150 = arith.mulf %gather3A_1140, %gather3A_1141 : vector<16xf32>
      %add3A_1151 = arith.addf %add3A_1137, %mul3A_1150 : vector<16xf32>
      %broadcast_in_dim3A_1152 = arith.constant 5 : i32
      %broadcast_in_dim3A_1153 = vector.broadcast %broadcast_in_dim3A_1152 : i32 to vector<16xi32>
      %gather3A_1154 = tpu.vector_load_idx %arg11[%iota3A, %broadcast_in_dim3A_1153, %and3A_1082] : memref<16x16x128xf32, #tpu.memory_space<vmem>>[vector<16xi32>, vector<16xi32>, vector<16xi32>], vector<16xf32>,
      %gather3A_1155 = tpu.vector_load_idx %arg12[%iota3A, %broadcast_in_dim3A_1153, %and3A_1085] : memref<16x16x128xf32, #tpu.memory_space<vmem>>[vector<16xi32>, vector<16xi32>, vector<16xi32>], vector<16xf32>,
      %swap3A_1156 = arith.constant 5 : i32
      %swap3A_1157 = arith.index_cast %swap3A_1156 : i32 to index
      %swap3A_1158 = arith.index_cast %mul3A_24 : i32 to index
      %swap3A_1159 = tpu.vector_load %arg13[%swap3A_1157, %swap3A_1158] {strides = array<i32>} : memref<16x512xf32, #tpu.memory_space<vmem>>, vector<16xf32>,
      tpu.vector_store %arg13[%swap3A_1157, %swap3A_1158], %gather3A_1154 {strides = array<i32>} : memref<16x512xf32, #tpu.memory_space<vmem>>, vector<16xf32>,
      %swap3A_1160 = arith.constant 5 : i32
      %swap3A_1161 = arith.index_cast %swap3A_1160 : i32 to index
      %swap3A_1162 = arith.index_cast %mul3A_24 : i32 to index
      %swap3A_1163 = tpu.vector_load %arg14[%swap3A_1161, %swap3A_1162] {strides = array<i32>} : memref<16x512xf32, #tpu.memory_space<vmem>>, vector<16xf32>,
      tpu.vector_store %arg14[%swap3A_1161, %swap3A_1162], %gather3A_1155 {strides = array<i32>} : memref<16x512xf32, #tpu.memory_space<vmem>>, vector<16xf32>,
      %mul3A_1164 = arith.mulf %gather3A_1154, %gather3A_1155 : vector<16xf32>
      %add3A_1165 = arith.addf %add3A_1151, %mul3A_1164 : vector<16xf32>
      %broadcast_in_dim3A_1166 = arith.constant 6 : i32
      %broadcast_in_dim3A_1167 = vector.broadcast %broadcast_in_dim3A_1166 : i32 to vector<16xi32>
      %gather3A_1168 = tpu.vector_load_idx %arg11[%iota3A, %broadcast_in_dim3A_1167, %and3A_1082] : memref<16x16x128xf32, #tpu.memory_space<vmem>>[vector<16xi32>, vector<16xi32>, vector<16xi32>], vector<16xf32>,
      %gather3A_1169 = tpu.vector_load_idx %arg12[%iota3A, %broadcast_in_dim3A_1167, %and3A_1085] : memref<16x16x128xf32, #tpu.memory_space<vmem>>[vector<16xi32>, vector<16xi32>, vector<16xi32>], vector<16xf32>,
      %swap3A_1170 = arith.constant 6 : i32
      %swap3A_1171 = arith.index_cast %swap3A_1170 : i32 to index
      %swap3A_1172 = arith.index_cast %mul3A_24 : i32 to index
      %swap3A_1173 = tpu.vector_load %arg13[%swap3A_1171, %swap3A_1172] {strides = array<i32>} : memref<16x512xf32, #tpu.memory_space<vmem>>, vector<16xf32>,
      tpu.vector_store %arg13[%swap3A_1171, %swap3A_1172], %gather3A_1168 {strides = array<i32>} : memref<16x512xf32, #tpu.memory_space<vmem>>, vector<16xf32>,
      %swap3A_1174 = arith.constant 6 : i32
      %swap3A_1175 = arith.index_cast %swap3A_1174 : i32 to index
      %swap3A_1176 = arith.index_cast %mul3A_24 : i32 to index
      %swap3A_1177 = tpu.vector_load %arg14[%swap3A_1175, %swap3A_1176] {strides = array<i32>} : memref<16x512xf32, #tpu.memory_space<vmem>>, vector<16xf32>,
      tpu.vector_store %arg14[%swap3A_1175, %swap3A_1176], %gather3A_1169 {strides = array<i32>} : memref<16x512xf32, #tpu.memory_space<vmem>>, vector<16xf32>,
      %mul3A_1178 = arith.mulf %gather3A_1168, %gather3A_1169 : vector<16xf32>
      %add3A_1179 = arith.addf %add3A_1165, %mul3A_1178 : vector<16xf32>
      %broadcast_in_dim3A_1180 = arith.constant 7 : i32
      %broadcast_in_dim3A_1181 = vector.broadcast %broadcast_in_dim3A_1180 : i32 to vector<16xi32>
      %gather3A_1182 = tpu.vector_load_idx %arg11[%iota3A, %broadcast_in_dim3A_1181, %and3A_1082] : memref<16x16x128xf32, #tpu.memory_space<vmem>>[vector<16xi32>, vector<16xi32>, vector<16xi32>], vector<16xf32>,
      %gather3A_1183 = tpu.vector_load_idx %arg12[%iota3A, %broadcast_in_dim3A_1181, %and3A_1085] : memref<16x16x128xf32, #tpu.memory_space<vmem>>[vector<16xi32>, vector<16xi32>, vector<16xi32>], vector<16xf32>,
      %swap3A_1184 = arith.constant 7 : i32
      %swap3A_1185 = arith.index_cast %swap3A_1184 : i32 to index
      %swap3A_1186 = arith.index_cast %mul3A_24 : i32 to index
      %swap3A_1187 = tpu.vector_load %arg13[%swap3A_1185, %swap3A_1186] {strides = array<i32>} : memref<16x512xf32, #tpu.memory_space<vmem>>, vector<16xf32>,
      tpu.vector_store %arg13[%swap3A_1185, %swap3A_1186], %gather3A_1182 {strides = array<i32>} : memref<16x512xf32, #tpu.memory_space<vmem>>, vector<16xf32>,
      %swap3A_1188 = arith.constant 7 : i32
      %swap3A_1189 = arith.index_cast %swap3A_1188 : i32 to index
      %swap3A_1190 = arith.index_cast %mul3A_24 : i32 to index
      %swap3A_1191 = tpu.vector_load %arg14[%swap3A_1189, %swap3A_1190] {strides = array<i32>} : memref<16x512xf32, #tpu.memory_space<vmem>>, vector<16xf32>,
      tpu.vector_store %arg14[%swap3A_1189, %swap3A_1190], %gather3A_1183 {strides = array<i32>} : memref<16x512xf32, #tpu.memory_space<vmem>>, vector<16xf32>,
      %mul3A_1192 = arith.mulf %gather3A_1182, %gather3A_1183 : vector<16xf32>
      %add3A_1193 = arith.addf %add3A_1179, %mul3A_1192 : vector<16xf32>
      %broadcast_in_dim3A_1194 = arith.constant 8 : i32
      %broadcast_in_dim3A_1195 = vector.broadcast %broadcast_in_dim3A_1194 : i32 to vector<16xi32>
      %gather3A_1196 = tpu.vector_load_idx %arg11[%iota3A, %broadcast_in_dim3A_1195, %and3A_1082] : memref<16x16x128xf32, #tpu.memory_space<vmem>>[vector<16xi32>, vector<16xi32>, vector<16xi32>], vector<16xf32>,
      %gather3A_1197 = tpu.vector_load_idx %arg12[%iota3A, %broadcast_in_dim3A_1195, %and3A_1085] : memref<16x16x128xf32, #tpu.memory_space<vmem>>[vector<16xi32>, vector<16xi32>, vector<16xi32>], vector<16xf32>,
      %swap3A_1198 = arith.constant 8 : i32
      %swap3A_1199 = arith.index_cast %swap3A_1198 : i32 to index
      %swap3A_1200 = arith.index_cast %mul3A_24 : i32 to index
      %swap3A_1201 = tpu.vector_load %arg13[%swap3A_1199, %swap3A_1200] {strides = array<i32>} : memref<16x512xf32, #tpu.memory_space<vmem>>, vector<16xf32>,
      tpu.vector_store %arg13[%swap3A_1199, %swap3A_1200], %gather3A_1196 {strides = array<i32>} : memref<16x512xf32, #tpu.memory_space<vmem>>, vector<16xf32>,
      %swap3A_1202 = arith.constant 8 : i32
      %swap3A_1203 = arith.index_cast %swap3A_1202 : i32 to index
      %swap3A_1204 = arith.index_cast %mul3A_24 : i32 to index
      %swap3A_1205 = tpu.vector_load %arg14[%swap3A_1203, %swap3A_1204] {strides = array<i32>} : memref<16x512xf32, #tpu.memory_space<vmem>>, vector<16xf32>,
      tpu.vector_store %arg14[%swap3A_1203, %swap3A_1204], %gather3A_1197 {strides = array<i32>} : memref<16x512xf32, #tpu.memory_space<vmem>>, vector<16xf32>,
      %mul3A_1206 = arith.mulf %gather3A_1196, %gather3A_1197 : vector<16xf32>
      %add3A_1207 = arith.addf %add3A_1193, %mul3A_1206 : vector<16xf32>
      %broadcast_in_dim3A_1208 = arith.constant 9 : i32
      %broadcast_in_dim3A_1209 = vector.broadcast %broadcast_in_dim3A_1208 : i32 to vector<16xi32>
      %gather3A_1210 = tpu.vector_load_idx %arg11[%iota3A, %broadcast_in_dim3A_1209, %and3A_1082] : memref<16x16x128xf32, #tpu.memory_space<vmem>>[vector<16xi32>, vector<16xi32>, vector<16xi32>], vector<16xf32>,
      %gather3A_1211 = tpu.vector_load_idx %arg12[%iota3A, %broadcast_in_dim3A_1209, %and3A_1085] : memref<16x16x128xf32, #tpu.memory_space<vmem>>[vector<16xi32>, vector<16xi32>, vector<16xi32>], vector<16xf32>,
      %swap3A_1212 = arith.constant 9 : i32
      %swap3A_1213 = arith.index_cast %swap3A_1212 : i32 to index
      %swap3A_1214 = arith.index_cast %mul3A_24 : i32 to index
      %swap3A_1215 = tpu.vector_load %arg13[%swap3A_1213, %swap3A_1214] {strides = array<i32>} : memref<16x512xf32, #tpu.memory_space<vmem>>, vector<16xf32>,
      tpu.vector_store %arg13[%swap3A_1213, %swap3A_1214], %gather3A_1210 {strides = array<i32>} : memref<16x512xf32, #tpu.memory_space<vmem>>, vector<16xf32>,
      %swap3A_1216 = arith.constant 9 : i32
      %swap3A_1217 = arith.index_cast %swap3A_1216 : i32 to index
      %swap3A_1218 = arith.index_cast %mul3A_24 : i32 to index
      %swap3A_1219 = tpu.vector_load %arg14[%swap3A_1217, %swap3A_1218] {strides = array<i32>} : memref<16x512xf32, #tpu.memory_space<vmem>>, vector<16xf32>,
      tpu.vector_store %arg14[%swap3A_1217, %swap3A_1218], %gather3A_1211 {strides = array<i32>} : memref<16x512xf32, #tpu.memory_space<vmem>>, vector<16xf32>,
      %mul3A_1220 = arith.mulf %gather3A_1210, %gather3A_1211 : vector<16xf32>
      %add3A_1221 = arith.addf %add3A_1207, %mul3A_1220 : vector<16xf32>
      %broadcast_in_dim3A_1222 = arith.constant 10 : i32
      %broadcast_in_dim3A_1223 = vector.broadcast %broadcast_in_dim3A_1222 : i32 to vector<16xi32>
      %gather3A_1224 = tpu.vector_load_idx %arg11[%iota3A, %broadcast_in_dim3A_1223, %and3A_1082] : memref<16x16x128xf32, #tpu.memory_space<vmem>>[vector<16xi32>, vector<16xi32>, vector<16xi32>], vector<16xf32>,
      %gather3A_1225 = tpu.vector_load_idx %arg12[%iota3A, %broadcast_in_dim3A_1223, %and3A_1085] : memref<16x16x128xf32, #tpu.memory_space<vmem>>[vector<16xi32>, vector<16xi32>, vector<16xi32>], vector<16xf32>,
      %swap3A_1226 = arith.constant 10 : i32
      %swap3A_1227 = arith.index_cast %swap3A_1226 : i32 to index
      %swap3A_1228 = arith.index_cast %mul3A_24 : i32 to index
      %swap3A_1229 = tpu.vector_load %arg13[%swap3A_1227, %swap3A_1228] {strides = array<i32>} : memref<16x512xf32, #tpu.memory_space<vmem>>, vector<16xf32>,
      tpu.vector_store %arg13[%swap3A_1227, %swap3A_1228], %gather3A_1224 {strides = array<i32>} : memref<16x512xf32, #tpu.memory_space<vmem>>, vector<16xf32>,
      %swap3A_1230 = arith.constant 10 : i32
      %swap3A_1231 = arith.index_cast %swap3A_1230 : i32 to index
      %swap3A_1232 = arith.index_cast %mul3A_24 : i32 to index
      %swap3A_1233 = tpu.vector_load %arg14[%swap3A_1231, %swap3A_1232] {strides = array<i32>} : memref<16x512xf32, #tpu.memory_space<vmem>>, vector<16xf32>,
      tpu.vector_store %arg14[%swap3A_1231, %swap3A_1232], %gather3A_1225 {strides = array<i32>} : memref<16x512xf32, #tpu.memory_space<vmem>>, vector<16xf32>,
      %mul3A_1234 = arith.mulf %gather3A_1224, %gather3A_1225 : vector<16xf32>
      %add3A_1235 = arith.addf %add3A_1221, %mul3A_1234 : vector<16xf32>
      %broadcast_in_dim3A_1236 = arith.constant 11 : i32
      %broadcast_in_dim3A_1237 = vector.broadcast %broadcast_in_dim3A_1236 : i32 to vector<16xi32>
      %gather3A_1238 = tpu.vector_load_idx %arg11[%iota3A, %broadcast_in_dim3A_1237, %and3A_1082] : memref<16x16x128xf32, #tpu.memory_space<vmem>>[vector<16xi32>, vector<16xi32>, vector<16xi32>], vector<16xf32>,
      %gather3A_1239 = tpu.vector_load_idx %arg12[%iota3A, %broadcast_in_dim3A_1237, %and3A_1085] : memref<16x16x128xf32, #tpu.memory_space<vmem>>[vector<16xi32>, vector<16xi32>, vector<16xi32>], vector<16xf32>,
      %swap3A_1240 = arith.constant 11 : i32
      %swap3A_1241 = arith.index_cast %swap3A_1240 : i32 to index
      %swap3A_1242 = arith.index_cast %mul3A_24 : i32 to index
      %swap3A_1243 = tpu.vector_load %arg13[%swap3A_1241, %swap3A_1242] {strides = array<i32>} : memref<16x512xf32, #tpu.memory_space<vmem>>, vector<16xf32>,
      tpu.vector_store %arg13[%swap3A_1241, %swap3A_1242], %gather3A_1238 {strides = array<i32>} : memref<16x512xf32, #tpu.memory_space<vmem>>, vector<16xf32>,
      %swap3A_1244 = arith.constant 11 : i32
      %swap3A_1245 = arith.index_cast %swap3A_1244 : i32 to index
      %swap3A_1246 = arith.index_cast %mul3A_24 : i32 to index
      %swap3A_1247 = tpu.vector_load %arg14[%swap3A_1245, %swap3A_1246] {strides = array<i32>} : memref<16x512xf32, #tpu.memory_space<vmem>>, vector<16xf32>,
      tpu.vector_store %arg14[%swap3A_1245, %swap3A_1246], %gather3A_1239 {strides = array<i32>} : memref<16x512xf32, #tpu.memory_space<vmem>>, vector<16xf32>,
      %mul3A_1248 = arith.mulf %gather3A_1238, %gather3A_1239 : vector<16xf32>
      %add3A_1249 = arith.addf %add3A_1235, %mul3A_1248 : vector<16xf32>
      %broadcast_in_dim3A_1250 = arith.constant 12 : i32
      %broadcast_in_dim3A_1251 = vector.broadcast %broadcast_in_dim3A_1250 : i32 to vector<16xi32>
      %gather3A_1252 = tpu.vector_load_idx %arg11[%iota3A, %broadcast_in_dim3A_1251, %and3A_1082] : memref<16x16x128xf32, #tpu.memory_space<vmem>>[vector<16xi32>, vector<16xi32>, vector<16xi32>], vector<16xf32>,
      %gather3A_1253 = tpu.vector_load_idx %arg12[%iota3A, %broadcast_in_dim3A_1251, %and3A_1085] : memref<16x16x128xf32, #tpu.memory_space<vmem>>[vector<16xi32>, vector<16xi32>, vector<16xi32>], vector<16xf32>,
      %swap3A_1254 = arith.constant 12 : i32
      %swap3A_1255 = arith.index_cast %swap3A_1254 : i32 to index
      %swap3A_1256 = arith.index_cast %mul3A_24 : i32 to index
      %swap3A_1257 = tpu.vector_load %arg13[%swap3A_1255, %swap3A_1256] {strides = array<i32>} : memref<16x512xf32, #tpu.memory_space<vmem>>, vector<16xf32>,
      tpu.vector_store %arg13[%swap3A_1255, %swap3A_1256], %gather3A_1252 {strides = array<i32>} : memref<16x512xf32, #tpu.memory_space<vmem>>, vector<16xf32>,
      %swap3A_1258 = arith.constant 12 : i32
      %swap3A_1259 = arith.index_cast %swap3A_1258 : i32 to index
      %swap3A_1260 = arith.index_cast %mul3A_24 : i32 to index
      %swap3A_1261 = tpu.vector_load %arg14[%swap3A_1259, %swap3A_1260] {strides = array<i32>} : memref<16x512xf32, #tpu.memory_space<vmem>>, vector<16xf32>,
      tpu.vector_store %arg14[%swap3A_1259, %swap3A_1260], %gather3A_1253 {strides = array<i32>} : memref<16x512xf32, #tpu.memory_space<vmem>>, vector<16xf32>,
      %mul3A_1262 = arith.mulf %gather3A_1252, %gather3A_1253 : vector<16xf32>
      %add3A_1263 = arith.addf %add3A_1249, %mul3A_1262 : vector<16xf32>
      %broadcast_in_dim3A_1264 = arith.constant 13 : i32
      %broadcast_in_dim3A_1265 = vector.broadcast %broadcast_in_dim3A_1264 : i32 to vector<16xi32>
      %gather3A_1266 = tpu.vector_load_idx %arg11[%iota3A, %broadcast_in_dim3A_1265, %and3A_1082] : memref<16x16x128xf32, #tpu.memory_space<vmem>>[vector<16xi32>, vector<16xi32>, vector<16xi32>], vector<16xf32>,
      %gather3A_1267 = tpu.vector_load_idx %arg12[%iota3A, %broadcast_in_dim3A_1265, %and3A_1085] : memref<16x16x128xf32, #tpu.memory_space<vmem>>[vector<16xi32>, vector<16xi32>, vector<16xi32>], vector<16xf32>,
      %swap3A_1268 = arith.constant 13 : i32
      %swap3A_1269 = arith.index_cast %swap3A_1268 : i32 to index
      %swap3A_1270 = arith.index_cast %mul3A_24 : i32 to index
      %swap3A_1271 = tpu.vector_load %arg13[%swap3A_1269, %swap3A_1270] {strides = array<i32>} : memref<16x512xf32, #tpu.memory_space<vmem>>, vector<16xf32>,
      tpu.vector_store %arg13[%swap3A_1269, %swap3A_1270], %gather3A_1266 {strides = array<i32>} : memref<16x512xf32, #tpu.memory_space<vmem>>, vector<16xf32>,
      %swap3A_1272 = arith.constant 13 : i32
      %swap3A_1273 = arith.index_cast %swap3A_1272 : i32 to index
      %swap3A_1274 = arith.index_cast %mul3A_24 : i32 to index
      %swap3A_1275 = tpu.vector_load %arg14[%swap3A_1273, %swap3A_1274] {strides = array<i32>} : memref<16x512xf32, #tpu.memory_space<vmem>>, vector<16xf32>,
      tpu.vector_store %arg14[%swap3A_1273, %swap3A_1274], %gather3A_1267 {strides = array<i32>} : memref<16x512xf32, #tpu.memory_space<vmem>>, vector<16xf32>,
      %mul3A_1276 = arith.mulf %gather3A_1266, %gather3A_1267 : vector<16xf32>
      %add3A_1277 = arith.addf %add3A_1263, %mul3A_1276 : vector<16xf32>
      %broadcast_in_dim3A_1278 = arith.constant 14 : i32
      %broadcast_in_dim3A_1279 = vector.broadcast %broadcast_in_dim3A_1278 : i32 to vector<16xi32>
      %gather3A_1280 = tpu.vector_load_idx %arg11[%iota3A, %broadcast_in_dim3A_1279, %and3A_1082] : memref<16x16x128xf32, #tpu.memory_space<vmem>>[vector<16xi32>, vector<16xi32>, vector<16xi32>], vector<16xf32>,
      %gather3A_1281 = tpu.vector_load_idx %arg12[%iota3A, %broadcast_in_dim3A_1279, %and3A_1085] : memref<16x16x128xf32, #tpu.memory_space<vmem>>[vector<16xi32>, vector<16xi32>, vector<16xi32>], vector<16xf32>,
      %swap3A_1282 = arith.constant 14 : i32
      %swap3A_1283 = arith.index_cast %swap3A_1282 : i32 to index
      %swap3A_1284 = arith.index_cast %mul3A_24 : i32 to index
      %swap3A_1285 = tpu.vector_load %arg13[%swap3A_1283, %swap3A_1284] {strides = array<i32>} : memref<16x512xf32, #tpu.memory_space<vmem>>, vector<16xf32>,
      tpu.vector_store %arg13[%swap3A_1283, %swap3A_1284], %gather3A_1280 {strides = array<i32>} : memref<16x512xf32, #tpu.memory_space<vmem>>, vector<16xf32>,
      %swap3A_1286 = arith.constant 14 : i32
      %swap3A_1287 = arith.index_cast %swap3A_1286 : i32 to index
      %swap3A_1288 = arith.index_cast %mul3A_24 : i32 to index
      %swap3A_1289 = tpu.vector_load %arg14[%swap3A_1287, %swap3A_1288] {strides = array<i32>} : memref<16x512xf32, #tpu.memory_space<vmem>>, vector<16xf32>,
      tpu.vector_store %arg14[%swap3A_1287, %swap3A_1288], %gather3A_1281 {strides = array<i32>} : memref<16x512xf32, #tpu.memory_space<vmem>>, vector<16xf32>,
      %mul3A_1290 = arith.mulf %gather3A_1280, %gather3A_1281 : vector<16xf32>
      %add3A_1291 = arith.addf %add3A_1277, %mul3A_1290 : vector<16xf32>
      %broadcast_in_dim3A_1292 = arith.constant 15 : i32
      %broadcast_in_dim3A_1293 = vector.broadcast %broadcast_in_dim3A_1292 : i32 to vector<16xi32>
      %gather3A_1294 = tpu.vector_load_idx %arg11[%iota3A, %broadcast_in_dim3A_1293, %and3A_1082] : memref<16x16x128xf32, #tpu.memory_space<vmem>>[vector<16xi32>, vector<16xi32>, vector<16xi32>], vector<16xf32>,
      %gather3A_1295 = tpu.vector_load_idx %arg12[%iota3A, %broadcast_in_dim3A_1293, %and3A_1085] : memref<16x16x128xf32, #tpu.memory_space<vmem>>[vector<16xi32>, vector<16xi32>, vector<16xi32>], vector<16xf32>,
      %swap3A_1296 = arith.constant 15 : i32
      %swap3A_1297 = arith.index_cast %swap3A_1296 : i32 to index
      %swap3A_1298 = arith.index_cast %mul3A_24 : i32 to index
      %swap3A_1299 = tpu.vector_load %arg13[%swap3A_1297, %swap3A_1298] {strides = array<i32>} : memref<16x512xf32, #tpu.memory_space<vmem>>, vector<16xf32>,
      tpu.vector_store %arg13[%swap3A_1297, %swap3A_1298], %gather3A_1294 {strides = array<i32>} : memref<16x512xf32, #tpu.memory_space<vmem>>, vector<16xf32>,
      %swap3A_1300 = arith.constant 15 : i32
      %swap3A_1301 = arith.index_cast %swap3A_1300 : i32 to index
      %swap3A_1302 = arith.index_cast %mul3A_24 : i32 to index
      %swap3A_1303 = tpu.vector_load %arg14[%swap3A_1301, %swap3A_1302] {strides = array<i32>} : memref<16x512xf32, #tpu.memory_space<vmem>>, vector<16xf32>,
      tpu.vector_store %arg14[%swap3A_1301, %swap3A_1302], %gather3A_1295 {strides = array<i32>} : memref<16x512xf32, #tpu.memory_space<vmem>>, vector<16xf32>,
      %mul3A_1304 = arith.mulf %gather3A_1294, %gather3A_1295 : vector<16xf32>
      %add3A_1305 = arith.addf %add3A_1291, %mul3A_1304 : vector<16xf32>
      %swap3A_1306 = arith.index_cast %mul3A_24 : i32 to index
      %swap3A_1307 = tpu.vector_load %arg15[%swap3A_1306] {strides = array<i32>} : memref<512xf32, #tpu.memory_space<vmem>>, vector<16xf32>,
      tpu.vector_store %arg15[%swap3A_1306], %add3A_1305 {strides = array<i32>} : memref<512xf32, #tpu.memory_space<vmem>>, vector<16xf32>,
    }
    %scan3A_7 = arith.constant 32 : i32
    %multiple_of3A = tpu.assume_multiple %mul3A_2, 128 : i32
    %dma_start3A = arith.constant 0 : i32
    %dma_start3A_8 = tpu.memref_slice %arg7[%dma_start3A, %multiple_of3A] : memref<16x16384xf32, #tpu.memory_space<hbm>> -> memref<16x512xf32, #tpu.memory_space<hbm>>
    %dma_start3A_9 = arith.constant 0 : i32
    %dma_start3A_10 = tpu.memref_slice %arg7[%dma_start3A_9, %multiple_of3A] : memref<16x16384xf32, #tpu.memory_space<hbm>> -> memref<16x512xf32, #tpu.memory_space<hbm>>
    tpu.enqueue_dma source(%arg13 : memref<16x512xf32, #tpu.memory_space<vmem>>) target(%dma_start3A_10 : memref<16x512xf32, #tpu.memory_space<hbm>>) target_semaphore(%arg17 : memref<!tpu.dma_semaphore, #tpu.memory_space<semaphore_mem>>)
    %dma_start3A_11 = arith.constant 0 : i32
    %dma_start3A_12 = tpu.memref_slice %arg8[%dma_start3A_11, %multiple_of3A] : memref<16x16384xf32, #tpu.memory_space<hbm>> -> memref<16x512xf32, #tpu.memory_space<hbm>>
    %dma_start3A_13 = arith.constant 0 : i32
    %dma_start3A_14 = tpu.memref_slice %arg8[%dma_start3A_13, %multiple_of3A] : memref<16x16384xf32, #tpu.memory_space<hbm>> -> memref<16x512xf32, #tpu.memory_space<hbm>>
    tpu.enqueue_dma source(%arg14 : memref<16x512xf32, #tpu.memory_space<vmem>>) target(%dma_start3A_14 : memref<16x512xf32, #tpu.memory_space<hbm>>) target_semaphore(%arg17 : memref<!tpu.dma_semaphore, #tpu.memory_space<semaphore_mem>>)
    "tpu.region"() ({
      %run_scoped3A = tpu.sem_alloc : memref<!tpu.dma_semaphore, #tpu.memory_space<semaphore_mem>>
      %dma_start3A_22 = tpu.memref_slice %arg6[%mul3A_2] : memref<16384xf32, #tpu.memory_space<hbm>> -> memref<512xf32, #tpu.memory_space<hbm>>
      %dma_start3A_23 = tpu.memref_slice %arg6[%mul3A_2] : memref<16384xf32, #tpu.memory_space<hbm>> -> memref<512xf32, #tpu.memory_space<hbm>>
      tpu.enqueue_dma source(%arg15 : memref<512xf32, #tpu.memory_space<vmem>>) target(%dma_start3A_23 : memref<512xf32, #tpu.memory_space<hbm>>) target_semaphore(%run_scoped3A : memref<!tpu.dma_semaphore, #tpu.memory_space<semaphore_mem>>)
      %dma_wait3A_24 = tpu.memref_slice %arg6[%mul3A_2] : memref<16384xf32, #tpu.memory_space<hbm>> -> memref<512xf32, #tpu.memory_space<hbm>>
      %dma_wait3A_25 = tpu.memref_slice %arg6[%mul3A_2] : memref<16384xf32, #tpu.memory_space<hbm>> -> memref<512xf32, #tpu.memory_space<hbm>>
      tpu.wait_dma2 semaphore(%run_scoped3A : memref<!tpu.dma_semaphore, #tpu.memory_space<semaphore_mem>>) src(%arg15 : memref<512xf32, #tpu.memory_space<vmem>>) dst(%dma_wait3A_25 : memref<512xf32, #tpu.memory_space<hbm>>)
      tpu.yield
    }) : () -> ()
    %dma_wait3A = arith.constant 0 : i32
    %dma_wait3A_15 = tpu.memref_slice %arg7[%dma_wait3A, %multiple_of3A] : memref<16x16384xf32, #tpu.memory_space<hbm>> -> memref<16x512xf32, #tpu.memory_space<hbm>>
    %dma_wait3A_16 = arith.constant 0 : i32
    %dma_wait3A_17 = tpu.memref_slice %arg7[%dma_wait3A_16, %multiple_of3A] : memref<16x16384xf32, #tpu.memory_space<hbm>> -> memref<16x512xf32, #tpu.memory_space<hbm>>
    tpu.wait_dma2 semaphore(%arg17 : memref<!tpu.dma_semaphore, #tpu.memory_space<semaphore_mem>>) src(%arg13 : memref<16x512xf32, #tpu.memory_space<vmem>>) dst(%dma_wait3A_17 : memref<16x512xf32, #tpu.memory_space<hbm>>)
    %dma_wait3A_18 = arith.constant 0 : i32
    %dma_wait3A_19 = tpu.memref_slice %arg8[%dma_wait3A_18, %multiple_of3A] : memref<16x16384xf32, #tpu.memory_space<hbm>> -> memref<16x512xf32, #tpu.memory_space<hbm>>
    %dma_wait3A_20 = arith.constant 0 : i32
    %dma_wait3A_21 = tpu.memref_slice %arg8[%dma_wait3A_20, %multiple_of3A] : memref<16x16384xf32, #tpu.memory_space<hbm>> -> memref<16x512xf32, #tpu.memory_space<hbm>>
    tpu.wait_dma2 semaphore(%arg17 : memref<!tpu.dma_semaphore, #tpu.memory_space<semaphore_mem>>) src(%arg14 : memref<16x512xf32, #tpu.memory_space<vmem>>) dst(%dma_wait3A_21 : memref<16x512xf32, #tpu.memory_space<hbm>>)
    return
  }
}

</mosaic_0001>

<sc_bundles>
// kernel: kernel.3.cloned.1.call-start
scs
__scs_entry_jumppad:
0x0: {  	(pc) =	sbr.rel $0x88, $3  }
0x1: {  	(tag) =	ssettag $0x0;
	lr =	simm.s32 $0x1  }
0x2: {  	[smem:$0x3F9D] =	sst lr;
	_ =	strace $0xD0000000  }
0x3: {  	_ = 	snop  }
0x4: {  	_ = 	snop  }
0x5: {  	_ = 	snop  }
0x6: {  	_ = 	snop  }
0x7: {  	_ = 	snop  }
__scs_overlays_trampoline_lowered:
0x8: {  	[smem:$0x3FAC] =	sst s0  }
0x9: {  	[smem:$0x3FAD] =	sst s1  }
0xa: {  	[smem:$0x3FAE] =	sst s2  }
0xb: {  	[smem:$0x3FAF] =	sst s3  }
0xc: {  	[smem:$0x3FB0] =	sst s4  }
0xd: {  	[smem:$0x3FB1] =	sst s5  }
0xe: {  	[smem:$0x3FB2] =	sst s6  }
0xf: {  	[smem:$0x3FB3] =	sst s7  }
0x10: {  	[smem:$0x3FB4] =	sst s8  }
0x11: {  	[smem:$0x3FB5] =	sst s9;
	s0 =	simm.s32 @!p0 $0x0  }
0x12: {  	s1 =	sld [smem:$0x3F9B];
	s0 =	simm.s32 @p0 $0x1  }
0x13: {  	[smem:$0x3FB6] =	sst s0;
	s0 =	simm.s32 @!p1 $0x0  }
0x14: {  	s2 =	sld [smem:$0x3F9A];
	s0 =	simm.s32 @p1 $0x1  }
0x15: {  	[smem:$0x3FB7] =	sst s0;
	s0 =	simm.s32 @!p2 $0x0  }
0x16: {  	s3 =	sld [smem:$0x3FDB];
	s0 =	simm.s32 @p2 $0x1  }
0x17: {  	s4 =	simm.s32 $0x1BF5;
	[smem:$0x3FB9] =	sst s0  }
0x18: {  	s0 =	sld [smem:$0x3F9C];
	_ =	swait.ge [sflag:s4], $0x0  }
0x19: {  	s7 =	sld [smem:$0x3F9D]  }
0x1a: {  	s8 =	sadd.s32 $0xFFFFE003, lr  }
0x1b: {  	s9 =	sadd.s32 $0xFFFFFEF7, lr;
	s5 =	simm.s32 $0xFFFFFFFF;
	p2 =	slt.u32 s8, $0xFFFFF086  }
0x1c: {  	p1 =	slt.u32 s9, $0xF7A;
	s5 =	simm.s32 @!p2 $0x0  }
0x1d: {  	s5 =	simm.s32 @p1 $0x1;
	p0 =	seq.s32 s7, s2  }
0x1e: {  	s7 =	smul.u32 @!p0 $0xF7A, s2;
	p2 =	seq.s32 @!p0 s5, $0x0  }
0x1f: {  	s9 =	smul.u32 $0xF7A, s1;
	s8 =	simm.s32 @!p0 $0x1BF5;
	p2 =	por !p2, p0  }
0x20: {  	[sflag:s8] =	ssyncset.s32 @!p0 $0xFFFFF086;
	s6 =	sadd.s32 @!p0 s3, s7;
	s7 =	simm.s32 @!p0 $0x108  }
0x21: {  	s3 =	sadd.s32 s3, s9;
	s6 =	sadd.s32 @!p0 $0x88, s6;
	s7 =	simm.s32 @p2 $0x1082  }
0x22: {  	[simem:s7], [sflag:s8] =	dma.local @!p0 [hbm:s6], $0xF7A  }
0x23: {  	s9 =	sor.u32 $0xD0000000, s2;
	s6 =	simm.s32 $0x108;
	_ =	swait.ge @!p0 [sflag:s8], $0x0  }
0x24: {  	s3 =	sadd.s32 $0x88, s3;
	s6 =	simm.s32 @!p1 $0x1082;
	[sflag:s4] =	ssyncset.s32 $0xFFFFF086  }
0x25: {  	[simem:s6], [sflag:s4] =	dma.local [hbm:s3], $0xF7A  }
0x26: {  	[smem:$0x3F9D] =	sst s1;
	(tag) =	ssettag s2;
	_ =	strace s9  }
0x27: {  	s1 =	sld [smem:$0x3FAD]  }
0x28: {  	s2 =	sld [smem:$0x3FAE]  }
0x29: {  	s4 =	sld [smem:$0x3FB0]  }
0x2a: {  	p0 =	seq.s32 s5, $0x0;
	s5 =	sld [smem:$0x3FB1]  }
0x2b: {  	s6 =	sld [smem:$0x3FB2]  }
0x2c: {  	s7 =	sld [smem:$0x3FB3]  }
0x2d: {  	s3 =	simm.s32 $0x108;
	s8 =	sld [smem:$0x3FB4]  }
0x2e: {  	s3 =	simm.s32 @!p0 $0x1082;
	s9 =	sld [smem:$0x3FB5]  }
0x2f: {  	lr =	sadd.s32 s0, s3;
	s0 =	sld [smem:$0x3FAC]  }
0x30: {  	s3 =	sld [smem:$0x3FAF]  }
0x31: {  	[smem:$0x3FB8] =	sst s10  }
0x32: {  	s10 =	sld [smem:$0x3FB6];
	_ =	sdelay $0x3  }
0x33: {  	p0 =	seq.s32 s10, $0x1;
	s10 =	sld [smem:$0x3FB8];
	_ =	sdelay $0x3  }
0x34: {  	[smem:$0x3FB8] =	sst s10  }
0x35: {  	s10 =	sld [smem:$0x3FB7];
	_ =	sdelay $0x3  }
0x36: {  	p1 =	seq.s32 s10, $0x1;
	s10 =	sld [smem:$0x3FB8];
	_ =	sdelay $0x3  }
0x37: {  	[smem:$0x3FB8] =	sst s10  }
0x38: {  	s10 =	sld [smem:$0x3FB9]  }
0x39: {  	_ = 	snop;
	(pc) =	sbr.ind lr, $3  }
0x3a: {  	_ = 	snop  }
0x3b: {  	_ = 	snop  }
0x3c: {  	p2 =	seq.s32 s10, $0x1;
	s10 =	sld [smem:$0x3FB8]  }
0x3d: {  	_ =	shalt  }
0x3e: {  	_ =	shalt  }
0x3f: {  	_ =	shalt  }
0x40: {  	_ =	shalt  }
0x41: {  	_ =	shalt  }
0x42: {  	_ =	shalt  }
0x43: {  	_ =	shalt  }
0x44: {  	_ =	shalt  }
0x45: {  	_ =	shalt  }
0x46: {  	_ =	shalt  }
0x47: {  	_ =	shalt  }
0x48: {  	_ =	shalt  }
0x49: {  	_ =	shalt  }
0x4a: {  	_ =	shalt  }
0x4b: {  	_ =	shalt  }
0x4c: {  	_ =	shalt  }
0x4d: {  	_ =	shalt  }
0x4e: {  	_ =	shalt  }
0x4f: {  	_ =	shalt  }
0x50: {  	_ =	shalt  }
0x51: {  	_ =	shalt  }
0x52: {  	_ =	shalt  }
0x53: {  	_ =	shalt  }
0x54: {  	_ =	shalt  }
0x55: {  	_ =	shalt  }
0x56: {  	_ =	shalt  }
0x57: {  	_ =	shalt  }
0x58: {  	_ =	shalt  }
0x59: {  	_ =	shalt  }
0x5a: {  	_ =	shalt  }
0x5b: {  	_ =	shalt  }
0x5c: {  	_ =	shalt  }
0x5d: {  	_ =	shalt  }
0x5e: {  	_ =	shalt  }
0x5f: {  	_ =	shalt  }
0x60: {  	_ =	shalt  }
0x61: {  	_ =	shalt  }
0x62: {  	_ =	shalt  }
0x63: {  	_ =	shalt  }
0x64: {  	_ =	shalt  }
0x65: {  	_ =	shalt  }
0x66: {  	_ =	shalt  }
0x67: {  	_ =	shalt  }
0x68: {  	_ =	shalt  }
0x69: {  	_ =	shalt  }
0x6a: {  	_ =	shalt  }
0x6b: {  	_ =	shalt  }
0x6c: {  	_ =	shalt  }
0x6d: {  	_ =	shalt  }
0x6e: {  	_ =	shalt  }
0x6f: {  	_ =	shalt  }
0x70: {  	_ =	shalt  }
0x71: {  	_ =	shalt  }
0x72: {  	_ =	shalt  }
0x73: {  	_ =	shalt  }
0x74: {  	_ =	shalt  }
0x75: {  	_ =	shalt  }
0x76: {  	_ =	shalt  }
0x77: {  	_ =	shalt  }
0x78: {  	_ =	shalt  }
0x79: {  	_ =	shalt  }
0x7a: {  	_ =	shalt  }
0x7b: {  	_ =	shalt  }
0x7c: {  	_ =	shalt  }
0x7d: {  	_ =	shalt  }
0x7e: {  	_ =	shalt  }
0x7f: {  	_ =	shalt  }
0x80: {  	_ =	shalt  }
0x81: {  	_ =	shalt  }
0x82: {  	_ =	shalt  }
0x83: {  	_ =	shalt  }
0x84: {  	_ =	shalt  }
0x85: {  	_ =	shalt  }
0x86: {  	_ =	shalt  }
0x87: {  	_ =	shalt  }
.Lfunc_end0:
.L_simem_size_0:
called_computation_lowered:
.L_overlay_start_0:
0x88: {  	s2 =	sld [smem:$0x3FD9]  }
0x89: {  	s3 =	sld [smem:$0x3FFE];
	_ =	sdelay $0x1  }
0x8a: {  	s1 =	srdreg.scid  }
0x8b: {  	s0 =	sand.u32 $0x1, s1  }
0x8c: {  	s15 =	sshll.u32 s0, $0xA;
	s2 =	sadd.s32 s3, s2  }
0x8d: {  	s2 =	sadd.s32 s2, s15  }
0x8e: {  	[smem:$0x3FC4] =	sst s2  }
0x8f: {  	_ = 	snop  }
0x90: {  	s2 =	sld [smem:$0x3FC9]  }
0x91: {  	s16 =	sld [smem:$0x3FD0]  }
0x92: {  	s4 =	sld [smem:$0x3FC8]  }
0x93: {  	s5 =	sld [smem:$0x3FC7]  }
0x94: {  	s7 =	simm.s32 $0xA;
	s8 =	simm.s32 $0x10;
	s6 =	sld [smem:$0x3FC6]  }
0x95: {  	[smem:s8], [sflag:s7] =	dma.local [hbm:s16], $0x1  }
0x96: {  	_ =	swait.eq [sflag:s7], $0x1  }
0x97: {  	s17 =	sld [smem:$0x10];
	[sflag:s7] =	ssyncset.done $0x0  }
0x98: {  	s18 =	sld [smem:$0x11];
	[sflag:s7] =	ssyncadd.s32 $0xFFFFFFFF  }
0x99: {  	s19 =	sld [smem:$0x12];
	(tm) =	ssettm $0x1  }
0x9a: {  	s9 =	sld [smem:$0x3FFB];
	_ =	sdelay $0x3  }
0x9b: {  	_ =	strace s9  }
0x9c: {  	s9 =	sld [smem:$0x3FFC];
	_ =	sdelay $0x3  }
0x9d: {  	_ =	strace s9  }
0x9e: {  	s9 =	sld [smem:$0x3FFD];
	_ =	sdelay $0x3  }
0x9f: {  	_ =	strace s9  }
0xa0: {  	_ =	strace $0x8FFFFFFF  }
0xa1: {  	s20 =	sld [smem:$0x3FDB];
	_ =	sdelay $0x1  }
0xa2: {  	s10 =	simm.s32 $_scs_section_size  }
0xa3: {  	s11 =	simm.s32 $_size__tile_overlayer_lowered;
	s12 =	simm.s32 $_tile_overlayer_lowered  }
0xa4: {  	s23 =	simm.s32 $0x1BFF;
	s22 =	sshll.u32 s12, $0x1;
	s9 =	sadd.s32 s10, s20  }
0xa5: {  	s13 =	simm.s32 $0x0;
	s21 =	sshll.u32 s11, $0x1;
	s11 =	sadd.s32 s22, s9  }
0xa6: {  	[timem:s13], [sflag:s23] =	dma.local [hbm:s11], s21  }
0xa7: {  	_ =	swait.ge [sflag:s23], s21  }
0xa8: {  	s10 =	ssub.s32 $0x0, s21;
	[sflag:s23] =	ssyncset.done $0x0  }
0xa9: {  	[sflag:s23] =	ssyncadd.s32 s10;
	_ =	sdelay $0x1  }
0xaa: {  	s24 =	simm.s32 $0x1B8B  }
0xab: {  	_ =	swait.ge [sflag:s24], $0x1  }
0xac: {  	[sflag:s24] =	ssyncset.done $0x0  }
0xad: {  	s25 =	simm.s32 $0x1B8E;
	[sflag:s24] =	ssyncadd.s32 $0xFFFFFFFF  }
0xae: {  	s26 =	simm.s32 $execute0_lowered;
	[smem:$0x3FD2] =	sst s25  }
0xaf: {  	s10 =	sshll.u32 s26, $0x1;
	_ =	strace $0x80000046;
	[dreg:$0x1] =	wrdreg $0xFFFFFFFF  }
0xb0: {  	s28 =	simm.s32 $_size_execute0_lowered;
	s9 =	sadd.s32 s9, s10;
	[dreg:$0x0] =	wrdreg $0x0  }
0xb1: {  	s10 =	sshll.u32 s28, $0x1;
	[dreg:$0x2] =	wrdreg s9  }
0xb2: {  	[dreg:$0x3] =	wrdreg s10  }
0xb3: {  	[dreg:$0x4] =	wrdreg $0xC0  }
0xb4: {  	_ =	task [dreg:s13], $0x5FFFF  }
0xb5: {  	[dreg:$0x1] =	wrdreg $0xFFFFFFFF  }
0xb6: {  	[dreg:$0x0] =	wrdreg $0x60  }
0xb7: {  	[dreg:$0x2] =	wrdreg s2  }
0xb8: {  	[dreg:$0x3] =	wrdreg s4  }
0xb9: {  	[dreg:$0x4] =	wrdreg s5  }
0xba: {  	[dreg:$0x5] =	wrdreg s6  }
0xbb: {  	[dreg:$0x6] =	wrdreg s17  }
0xbc: {  	[dreg:$0x7] =	wrdreg s18  }
0xbd: {  	[dreg:$0x8] =	wrdreg s19  }
0xbe: {  	[dreg:$0x9] =	wrdreg $0x9  }
0xbf: {  	_ =	task.clear_ibuf [dreg:s13], $0xAFFFF;
	_ =	strace $0x90000046  }
0xc0: {  	s29 =	simm.s32 $0x9;
	_ =	strace $0x80000048  }
0xc1: {  	_ =	swait.ge [sflag:s29], $0x1  }
0xc2: {  	[sflag:s29] =	ssyncadd.s32 $0xFFFFFFFF  }
0xc3: {  	_ =	strace $0x90000048  }
0xc4: {  	_ =	sfence  }
0xc5: {  	s30 =	sld [smem:$0x0];
	_ =	sdelay $0x2  }
0xc6: {  	s31 =	sshll.u32 s1, $0xD;
	s1 =	sshrl.u32 s1, $0x2  }
0xc7: {  	s3 =	sand.u32 $0x4000, s31;
	s1 =	sadd.s32 s1, s30  }
0xc8: {  	s0 =	sor.u32 s3, s0;
	s1 =	sshll.u32 s1, $0x11  }
0xc9: {  	s0 =	sor.u32 s1, s0  }
0xca: {  	s0 =	sadd.s32 $0x8F2B, s0  }
0xcb: {  	[sflag:s0] =	ssyncadd.remote.s32 $0x1  }
0xcc: {  	_ =	sfence.sel $0xFFFF  }
0xcd: {  	[dreg:$0x0] =	wrdreg $0xFFFFFFFF;
	(pc) =	sbr.abs _section_cstart, $3  }
0xce: {  	[dreg:$0x1] =	wrdreg $0xFFFFFFFF  }
0xcf: {  	_ =	task.clear_ibuf [dreg:s13], $0x2FFFF;
	_ =	strace $0x9FFFFFFF  }
0xd0: {  	(tm) =	ssettm $0x7FFFFFFF  }
0xd1: {  	_ =	shalt  }
tec
execute0_lowered:
.L_overlay_start_1:
0x0: {  	(tag) =	ssettag $0x1  }
0x1: {  	s3 =	rddreg [dreg:$0x0]  }
0x2: {  	s4 =	rddreg [dreg:$0x1]  }
0x3: {  	s18 =	rddreg [dreg:$0x2]  }
0x4: {  	s19 =	rddreg [dreg:$0x3]  }
0x5: {  	s0 =	rddreg [dreg:$0x4]  }
0x6: {  	s5 =	rddreg [dreg:$0x5]  }
0x7: {  	s1 =	rddreg [dreg:$0x6];
	s2 =	simm.s32 $0x0  }
0x8: {  	s6 =	simm.s32 $0xC00;
	[smem:$0x7FF] =	sst s2  }
0x9: {  	s14 =	simm.s32 $0x8C00;
	_ =	strace $0x80000047;
	[dreg:$0x8] =	wrdreg s6  }
0xa: {  	s15 =	simm.s32 $0x1400;
	[dreg:$0x9] =	wrdreg s14  }
0xb: {  	s16 =	simm.s32 $0x9400;
	[dreg:$0xa] =	wrdreg s15  }
0xc: {  	s17 =	simm.s32 $0x1C00;
	[dreg:$0xb] =	wrdreg s16  }
0xd: {  	s20 =	simm.s32 $0x9C00;
	[dreg:$0xc] =	wrdreg s17  }
0xe: {  	s21 =	simm.s32 $0x2400;
	[dreg:$0xd] =	wrdreg s20  }
0xf: {  	s22 =	simm.s32 $0xA400;
	[dreg:$0xe] =	wrdreg s21  }
0x10: {  	s23 =	simm.s32 $0x2C00;
	[dreg:$0xf] =	wrdreg s22  }
0x11: {  	s24 =	simm.s32 $0xAC00;
	[dreg:$0x10] =	wrdreg s23  }
0x12: {  	s25 =	simm.s32 $0x3400;
	[dreg:$0x11] =	wrdreg s24  }
0x13: {  	s26 =	simm.s32 $0xB400;
	[dreg:$0x12] =	wrdreg s25  }
0x14: {  	s28 =	simm.s32 $0x3C00;
	[dreg:$0x13] =	wrdreg s26  }
0x15: {  	s30 =	simm.s32 $0xBC00;
	[dreg:$0x14] =	wrdreg s28  }
0x16: {  	s31 =	simm.s32 $0x4400;
	[dreg:$0x15] =	wrdreg s30  }
0x17: {  	s12 =	simm.s32 $0x4C00;
	[dreg:$0x16] =	wrdreg s31  }
0x18: {  	s13 =	simm.s32 $0xCC00;
	[dreg:$0x18] =	wrdreg s12  }
0x19: {  	[dreg:$0x19] =	wrdreg s13;
	s14 =	simm.s32 $0x5400  }
0x1a: {  	s15 =	simm.s32 $0xD400;
	[dreg:$0x1a] =	wrdreg s14  }
0x1b: {  	s16 =	simm.s32 $0x5C00;
	[dreg:$0x1b] =	wrdreg s15  }
0x1c: {  	s17 =	simm.s32 $0xDC00;
	[dreg:$0x1c] =	wrdreg s16  }
0x1d: {  	s7 =	srdreg.scid;
	s21 =	simm.s32 $0x6400;
	[dreg:$0x1d] =	wrdreg s17  }
0x1e: {  	s10 =	stileid.u32;
	s22 =	simm.s32 $0xE400;
	[dreg:$0x1e] =	wrdreg s21  }
0x1f: {  	s7 =	sand.u32 $0x1, s7;
	s23 =	simm.s32 $0x6C00;
	[dreg:$0x1f] =	wrdreg s22  }
0x20: {  	s11 =	sshll.u32 s10, $0xA;
	s25 =	simm.s32 $0xEC00;
	[smem:$0x7F8] =	sst s23  }
0x21: {  	s8 =	ssub.s32 $0x2, s7;
	s26 =	simm.s32 $0x7400;
	[smem:$0x7F9] =	sst s25  }
0x22: {  	s7 =	sshll.u32 s7, $0x9;
	s28 =	simm.s32 $0xF400;
	[smem:$0x7FA] =	sst s26  }
0x23: {  	s30 =	simm.s32 $0x7C00;
	s31 =	simm.s32 $0xFC00;
	[smem:$0x7FB] =	sst s28  }
0x24: {  	s9 =	sshrl.u32 s8, $0x1;
	s7 =	sor.u32 s7, s11;
	[smem:$0x7FC] =	sst s30  }
0x25: {  	v0 =	vlaneseq.u32;
	[smem:$0x7FD] =	sst s31;
	s8 =	ssub.s32 s8, s9;
	s9 =	simm.s32 $0xC400  }
0x26: {  	v0 =	vmul.u32 $0x800, v0;
	s20 =	sadd.s32 s5, s7;
	[dreg:$0x17] =	wrdreg s9  }
0x27: {  	s29 =	simm.s32 $0x8400;
	s1 =	sadd.s32 s1, s7;
	[smem:$0x7F4] =	sst s20  }
0x28: {  	v1 =	vor.u32 $0x80, v0;
	v2 =	vor.u32 $0x100, v0;
	v3 =	vor.u32 $0x180, v0;
	s9 =	sshrl.u32 s7, $0x3;
	[smem:$0x7F5] =	sst s1;
	s24 =	smax.u32 s8, $0x1  }
0x29: {  	s12 =	simm.s32 $0x7A1400;
	v4 =	vor.u32 $0x200, v0;
	v5 =	vor.u32 $0x280, v0;
	v6 =	vor.u32 $0x300, v0;
	s3 =	sadd.s32 s3, s9;
	[smem:$0x7F7] =	sst s24  }
0x2a: {  	s13 =	simm.s32 $0x400;
	v7 =	vor.u32 $0x380, v0;
	v8 =	vor.u32 $0x400, v0;
	v9 =	vor.u32 $0x480, v0;
	s4 =	sadd.s32 s4, s9;
	[smem:$0x7F2] =	sst s3  }
0x2b: {  	s15 =	simm.s32 $0x1;
	v10 =	vor.u32 $0x500, v0;
	v11 =	vor.u32 $0x580, v0;
	v12 =	vor.u32 $0x600, v0;
	s0 =	sadd.s32 s0, s9;
	[smem:$0x7F3] =	sst s4  }
0x2c: {  	v13 =	vor.u32 $0x680, v0;
	v14 =	vor.u32 $0x700, v0;
	v15 =	vor.u32 $0x780, v0;
	s1 =	simm.s32 $0x3;
	[smem:$0x7F6] =	sst s0;
	s4 =	simm.s32 $0x0  }
.LBB2_1:
0x2d: {  	s0 =	sld [smem:$0x7F2];
	_ =	sdelay $0x1  }
0x2e: {  	[smem:$0x7F1] =	sst s4  }
0x2f: {  	[tilespmem:s2], [sflag:$0x3] =	stream.linear.gather [hbm4b:s0+s2], $0x200, $0x38;
	[tilespmem:$0x14600] =	vst v63  }
0x30: {  	_ =	swait.ge [sflag:s1], $0x200  }
0x31: {  	s5 =	sld [smem:$0x7F3]  }
0x32: {  	[sflag:s1] =	ssyncset.done $0x0  }
0x33: {  	s10 =	simm.s32 $0x200;
	[sflag:s1] =	ssyncadd.s32 $0xFFFFFE00  }
0x34: {  	[tilespmem:s10], [sflag:$0x3] =	stream.linear.gather [hbm4b:s5+s2], $0x200, $0x38;
	[tilespmem:$0x14600] =	vst v63  }
0x35: {  	_ =	swait.ge [sflag:s1], $0x200  }
0x36: {  	[sflag:s1] =	ssyncset.done $0x0  }
0x37: {  	[sflag:s1] =	ssyncadd.s32 $0xFFFFFE00  }
0x38: {  	v16 =	vld [tilespmem:s2+$0x0];
	_ =	sdelay $0x1  }
0x39: {  	v17 =	vld [tilespmem:s10+$0x0];
	_ =	sdelay $0x2  }
0x3a: {  	(v2sf) =	vpush v16, $0x0  }
0x3b: {  	(v2sf) =	vpush v16, $0x1  }
0x3c: {  	(v2sf) =	vpush v17, $0x0;
	_ =	sdelay $0x1  }
0x3d: {  	(v2sf) =	vpush v16, $0x2  }
0x3e: {  	(v2sf) =	vpush v17, $0x3  }
0x3f: {  	(v2sf) =	vpush v17, $0x1;
	_ =	sdelay $0x1  }
0x40: {  	(v2sf) =	vpush v17, $0x2;
	_ =	sdelay $0x1  }
0x41: {  	(v2sf) =	vpush v16, $0x4  }
0x42: {  	s14 =	rddreg [dreg:$0x9]  }
0x43: {  	s16 =	rddreg [dreg:$0xa];
	(v2sf) =	vpush v16, $0x3  }
0x44: {  	s17 =	rddreg [dreg:$0xb]  }
0x45: {  	s22 =	rddreg [dreg:$0xc]  }
0x46: {  	s9 =	simm.s32 $0x8400;
	s25 =	rddreg [dreg:$0xd];
	s6 =	spop (v2sf)  }
0x47: {  	s26 =	rddreg [dreg:$0xe];
	s0 =	sand.u32 $0xFFFFF80, s6;
	s7 =	spop (v2sf)  }
0x48: {  	s6 =	rddreg [dreg:$0x8];
	s0 =	sadd.s32 s18, s0;
	s3 =	spop (v2sf)  }
0x49: {  	(v2sf) =	vpush v17, $0x4;
	[tilespmem:s13], [sflag:$0x1] =	stream.strided.gather [hbm4b:s0+s13], $0x800, s12, s13, $0x38;
	[tilespmem:$0x14600] =	vst v63  }
0x4a: {  	s1 =	sand.u32 $0xFFFFF80, s7;
	s0 =	sld [smem:$0x7FC];
	s8 =	spop (v2sf)  }
0x4b: {  	(v2sf) =	vpush v16, $0x5;
	s3 =	sand.u32 $0xFFFFF80, s3;
	s1 =	sadd.s32 s18, s1;
	s5 =	spop (v2sf)  }
0x4c: {  	s3 =	sadd.s32 s19, s3;
	s4 =	sand.u32 $0xFFFFF80, s8;
	s7 =	spop (v2sf)  }
0x4d: {  	[tilespmem:s9], [sflag:$0x1] =	stream.strided.gather [hbm4b:s3+s13], $0x800, s12, s13, $0x38;
	[tilespmem:$0x14600] =	vst v63  }
0x4e: {  	(v2sf) =	vpush v17, $0x5;
	s4 =	sadd.s32 s18, s4;
	s11 =	sand.u32 $0xFFFFF80, s7;
	s20 =	spop (v2sf)  }
0x4f: {  	[tilespmem:s6], [sflag:$0x1] =	stream.strided.gather [hbm4b:s1+s13], $0x800, s12, s13, $0x38;
	[tilespmem:$0x14600] =	vst v63  }
0x50: {  	s5 =	sand.u32 $0xFFFFF80, s5;
	s3 =	sadd.s32 s19, s11;
	s21 =	spop (v2sf)  }
0x51: {  	[tilespmem:s14], [sflag:$0x1] =	stream.strided.gather [hbm4b:s3+s13], $0x800, s12, s13, $0x38;
	[tilespmem:$0x14600] =	vst v63  }
0x52: {  	s6 =	sand.u32 $0xFFFFF80, s20;
	(v2sf) =	vpush v16, $0x6;
	s20 =	rddreg [dreg:$0x11];
	s8 =	spop (v2sf)  }
0x53: {  	(v2sf) =	vpush v17, $0x6;
	[tilespmem:s16], [sflag:$0x1] =	stream.strided.gather [hbm4b:s4+s13], $0x800, s12, s13, $0x38;
	[tilespmem:$0x14600] =	vst v63  }
0x54: {  	s23 =	sadd.s32 s19, s6;
	s24 =	sand.u32 $0xFFFFF80, s8;
	s8 =	rddreg [dreg:$0xf]  }
0x55: {  	(v2sf) =	vpush v16, $0x7;
	[tilespmem:s17], [sflag:$0x1] =	stream.strided.gather [hbm4b:s23+s13], $0x800, s12, s13, $0x38;
	[tilespmem:$0x14600] =	vst v63  }
0x56: {  	s5 =	sadd.s32 s19, s5;
	s3 =	sadd.s32 s18, s24;
	s24 =	rddreg [dreg:$0x13]  }
0x57: {  	(v2sf) =	vpush v17, $0x7;
	[tilespmem:s22], [sflag:$0x1] =	stream.strided.gather [hbm4b:s3+s13], $0x800, s12, s13, $0x38;
	[tilespmem:$0x14600] =	vst v63  }
0x58: {  	s11 =	sand.u32 $0xFFFFF80, s21;
	s4 =	sld [smem:$0x7FB];
	s30 =	spop (v2sf)  }
0x59: {  	[tilespmem:s25], [sflag:$0x1] =	stream.strided.gather [hbm4b:s5+s13], $0x800, s12, s13, $0x38;
	[tilespmem:$0x14600] =	vst v63  }
0x5a: {  	s6 =	sadd.s32 s18, s11;
	s17 =	rddreg [dreg:$0x10];
	s14 =	spop (v2sf)  }
0x5b: {  	s22 =	rddreg [dreg:$0x12];
	(v2sf) =	vpush v16, $0x8;
	s3 =	sand.u32 $0xFFFFF80, s30;
	s7 =	sand.u32 $0xFFFFF80, s14  }
0x5c: {  	(v2sf) =	vpush v17, $0x8;
	[tilespmem:s26], [sflag:$0x1] =	stream.strided.gather [hbm4b:s6+s13], $0x800, s12, s13, $0x38;
	[tilespmem:$0x14600] =	vst v63  }
0x5d: {  	s16 =	spop (v2sf);
	s3 =	sadd.s32 s19, s3;
	s14 =	rddreg [dreg:$0x15]  }
0x5e: {  	(v2sf) =	vpush v16, $0x9;
	[tilespmem:s8], [sflag:$0x1] =	stream.strided.gather [hbm4b:s3+s13], $0x800, s12, s13, $0x38;
	[tilespmem:$0x14600] =	vst v63  }
0x5f: {  	s1 =	sand.u32 $0xFFFFF80, s16;
	s21 =	sadd.s32 s18, s7;
	(v2sf) =	vpush v17, $0x9;
	s8 =	rddreg [dreg:$0x14]  }
0x60: {  	[tilespmem:s17], [sflag:$0x1] =	stream.strided.gather [hbm4b:s21+s13], $0x800, s12, s13, $0x38;
	[tilespmem:$0x14600] =	vst v63  }
0x61: {  	s1 =	sadd.s32 s19, s1;
	s23 =	spop (v2sf);
	s17 =	rddreg [dreg:$0x16]  }
0x62: {  	s25 =	sand.u32 $0xFFFFF80, s23;
	s26 =	spop (v2sf);
	s23 =	rddreg [dreg:$0x17]  }
0x63: {  	(v2sf) =	vpush v16, $0xA;
	[tilespmem:s20], [sflag:$0x1] =	stream.strided.gather [hbm4b:s1+s13], $0x800, s12, s13, $0x38;
	[tilespmem:$0x14600] =	vst v63  }
0x64: {  	(v2sf) =	vpush v17, $0xA;
	s6 =	sand.u32 $0xFFFFF80, s26;
	s30 =	spop (v2sf);
	s3 =	sadd.s32 s18, s25  }
0x65: {  	[tilespmem:s22], [sflag:$0x1] =	stream.strided.gather [hbm4b:s3+s13], $0x800, s12, s13, $0x38;
	[tilespmem:$0x14600] =	vst v63  }
0x66: {  	s11 =	sand.u32 $0xFFFFF80, s30;
	s6 =	sadd.s32 s19, s6;
	s16 =	spop (v2sf);
	(v2sf) =	vpush v16, $0xB  }
0x67: {  	[tilespmem:s24], [sflag:$0x1] =	stream.strided.gather [hbm4b:s6+s13], $0x800, s12, s13, $0x38;
	[tilespmem:$0x14600] =	vst v63  }
0x68: {  	s25 =	rddreg [dreg:$0x18];
	s5 =	sadd.s32 s18, s11;
	s20 =	sand.u32 $0xFFFFF80, s16  }
0x69: {  	[tilespmem:s8], [sflag:$0x1] =	stream.strided.gather [hbm4b:s5+s13], $0x800, s12, s13, $0x38;
	[tilespmem:$0x14600] =	vst v63  }
0x6a: {  	s30 =	rddreg [dreg:$0x19];
	(v2sf) =	vpush v17, $0xB;
	s21 =	spop (v2sf);
	s5 =	sadd.s32 s19, s20  }
0x6b: {  	s20 =	rddreg [dreg:$0x1a];
	s6 =	sand.u32 $0xFFFFF80, s21;
	s22 =	spop (v2sf)  }
0x6c: {  	(v2sf) =	vpush v16, $0xC;
	[tilespmem:s14], [sflag:$0x1] =	stream.strided.gather [hbm4b:s5+s13], $0x800, s12, s13, $0x38;
	[tilespmem:$0x14600] =	vst v63  }
0x6d: {  	s21 =	rddreg [dreg:$0x1b];
	s24 =	sand.u32 $0xFFFFF80, s22;
	s26 =	spop (v2sf)  }
0x6e: {  	(v2sf) =	vpush v17, $0xC;
	s6 =	sadd.s32 s18, s6;
	s5 =	sadd.s32 s19, s24;
	s11 =	spop (v2sf)  }
0x6f: {  	[tilespmem:s17], [sflag:$0x1] =	stream.strided.gather [hbm4b:s6+s13], $0x800, s12, s13, $0x38;
	[tilespmem:$0x14600] =	vst v63  }
0x70: {  	s8 =	sand.u32 $0xFFFFF80, s26;
	s26 =	rddreg [dreg:$0x1d];
	s6 =	sand.u32 $0xFFFFF80, s11  }
0x71: {  	(v2sf) =	vpush v16, $0xD;
	[tilespmem:s23], [sflag:$0x1] =	stream.strided.gather [hbm4b:s5+s13], $0x800, s12, s13, $0x38;
	[tilespmem:$0x14600] =	vst v63  }
0x72: {  	s17 =	sadd.s32 s19, s6;
	s14 =	spop (v2sf);
	s23 =	rddreg [dreg:$0x1c]  }
0x73: {  	(v2sf) =	vpush v17, $0xD;
	s5 =	sadd.s32 s18, s8;
	s8 =	rddreg [dreg:$0x1e];
	s22 =	spop (v2sf)  }
0x74: {  	[tilespmem:s25], [sflag:$0x1] =	stream.strided.gather [hbm4b:s5+s13], $0x800, s12, s13, $0x38;
	[tilespmem:$0x14600] =	vst v63  }
0x75: {  	s16 =	sand.u32 $0xFFFFF80, s14;
	(v2sf) =	vpush v16, $0xE;
	s5 =	sand.u32 $0xFFFFF80, s22;
	s24 =	spop (v2sf)  }
0x76: {  	[tilespmem:s30], [sflag:$0x1] =	stream.strided.gather [hbm4b:s17+s13], $0x800, s12, s13, $0x38;
	[tilespmem:$0x14600] =	vst v63  }
0x77: {  	s3 =	sadd.s32 s18, s16;
	(v2sf) =	vpush v17, $0xE;
	s5 =	sadd.s32 s19, s5;
	s6 =	sand.u32 $0xFFFFF80, s24  }
0x78: {  	[tilespmem:s20], [sflag:$0x1] =	stream.strided.gather [hbm4b:s3+s13], $0x800, s12, s13, $0x38;
	[tilespmem:$0x14600] =	vst v63  }
0x79: {  	s25 =	spop (v2sf);
	(v2sf) =	vpush v16, $0xF;
	s17 =	rddreg [dreg:$0x1f];
	s6 =	sadd.s32 s18, s6  }
0x7a: {  	[tilespmem:s21], [sflag:$0x1] =	stream.strided.gather [hbm4b:s5+s13], $0x800, s12, s13, $0x38;
	[tilespmem:$0x14600] =	vst v63  }
0x7b: {  	s11 =	sand.u32 $0xFFFFF80, s25;
	s25 =	sld [smem:$0x7FA];
	s30 =	spop (v2sf);
	(v2sf) =	vpush v17, $0xF  }
0x7c: {  	[tilespmem:s23], [sflag:$0x1] =	stream.strided.gather [hbm4b:s6+s13], $0x800, s12, s13, $0x38;
	[tilespmem:$0x14600] =	vst v63  }
0x7d: {  	s21 =	sld [smem:$0x7F8];
	s14 =	spop (v2sf)  }
0x7e: {  	s6 =	sadd.s32 s19, s11;
	s5 =	sand.u32 $0xFFFFF80, s30;
	s23 =	sld [smem:$0x7F9]  }
0x7f: {  	[tilespmem:s26], [sflag:$0x1] =	stream.strided.gather [hbm4b:s6+s13], $0x800, s12, s13, $0x38;
	[tilespmem:$0x14600] =	vst v63  }
0x80: {  	s7 =	sand.u32 $0xFFFFF80, s14;
	s16 =	sadd.s32 s18, s5;
	s20 =	spop (v2sf)  }
0x81: {  	[tilespmem:s8], [sflag:$0x1] =	stream.strided.gather [hbm4b:s16+s13], $0x800, s12, s13, $0x38;
	[tilespmem:$0x14600] =	vst v63  }
0x82: {  	s22 =	sadd.s32 s19, s7;
	s6 =	sand.u32 $0xFFFFF80, s20;
	s24 =	spop (v2sf)  }
0x83: {  	[tilespmem:s17], [sflag:$0x1] =	stream.strided.gather [hbm4b:s22+s13], $0x800, s12, s13, $0x38;
	[tilespmem:$0x14600] =	vst v63  }
0x84: {  	s6 =	sadd.s32 s18, s6;
	s5 =	sand.u32 $0xFFFFF80, s24;
	s26 =	spop (v2sf)  }
0x85: {  	[tilespmem:s21], [sflag:$0x1] =	stream.strided.gather [hbm4b:s6+s13], $0x800, s12, s13, $0x38;
	[tilespmem:$0x14600] =	vst v63  }
0x86: {  	s5 =	sadd.s32 s19, s5;
	s6 =	sand.u32 $0xFFFFF80, s26;
	s30 =	spop (v2sf)  }
0x87: {  	[tilespmem:s23], [sflag:$0x1] =	stream.strided.gather [hbm4b:s5+s13], $0x800, s12, s13, $0x38;
	[tilespmem:$0x14600] =	vst v63  }
0x88: {  	s6 =	sadd.s32 s18, s6;
	s7 =	sand.u32 $0xFFFFF80, s30;
	s8 =	spop (v2sf)  }
0x89: {  	[tilespmem:s25], [sflag:$0x1] =	stream.strided.gather [hbm4b:s6+s13], $0x800, s12, s13, $0x38;
	[tilespmem:$0x14600] =	vst v63  }
0x8a: {  	s11 =	sadd.s32 s19, s7;
	s14 =	sand.u32 $0xFFFFF80, s8;
	s16 =	spop (v2sf)  }
0x8b: {  	[tilespmem:s4], [sflag:$0x1] =	stream.strided.gather [hbm4b:s11+s13], $0x800, s12, s13, $0x38;
	[tilespmem:$0x14600] =	vst v63  }
0x8c: {  	s21 =	sld [smem:$0x7FD];
	s17 =	sadd.s32 s18, s14;
	s20 =	sand.u32 $0xFFFFF80, s16  }
0x8d: {  	[tilespmem:s0], [sflag:$0x1] =	stream.strided.gather [hbm4b:s17+s13], $0x800, s12, s13, $0x38;
	[tilespmem:$0x14600] =	vst v63  }
0x8e: {  	s22 =	sadd.s32 s19, s20  }
0x8f: {  	[tilespmem:s21], [sflag:$0x1] =	stream.strided.gather [hbm4b:s22+s13], $0x800, s12, s13, $0x38;
	[tilespmem:$0x14600] =	vst v63  }
0x90: {  	_ =	swait.ge [sflag:s15], $0x800  }
0x91: {  	[sflag:s15] =	ssyncset.done $0x0  }
0x92: {  	[sflag:s15] =	ssyncadd.s32 $0xFFFFF800  }
0x93: {  	_ =	swait.ge [sflag:s15], $0x800  }
0x94: {  	[sflag:s15] =	ssyncset.done $0x0  }
0x95: {  	[sflag:s15] =	ssyncadd.s32 $0xFFFFF800  }
0x96: {  	_ =	swait.ge [sflag:s15], $0x800  }
0x97: {  	[sflag:s15] =	ssyncset.done $0x0  }
0x98: {  	[sflag:s15] =	ssyncadd.s32 $0xFFFFF800  }
0x99: {  	_ =	swait.ge [sflag:s15], $0x800  }
0x9a: {  	[sflag:s15] =	ssyncset.done $0x0  }
0x9b: {  	[sflag:s15] =	ssyncadd.s32 $0xFFFFF800  }
0x9c: {  	_ =	swait.ge [sflag:s15], $0x800  }
0x9d: {  	[sflag:s15] =	ssyncset.done $0x0  }
0x9e: {  	[sflag:s15] =	ssyncadd.s32 $0xFFFFF800  }
0x9f: {  	_ =	swait.ge [sflag:s15], $0x800  }
0xa0: {  	[sflag:s15] =	ssyncset.done $0x0  }
0xa1: {  	[sflag:s15] =	ssyncadd.s32 $0xFFFFF800  }
0xa2: {  	_ =	swait.ge [sflag:s15], $0x800  }
0xa3: {  	[sflag:s15] =	ssyncset.done $0x0  }
0xa4: {  	[sflag:s15] =	ssyncadd.s32 $0xFFFFF800  }
0xa5: {  	_ =	swait.ge [sflag:s15], $0x800  }
0xa6: {  	[sflag:s15] =	ssyncset.done $0x0  }
0xa7: {  	[sflag:s15] =	ssyncadd.s32 $0xFFFFF800  }
0xa8: {  	_ =	swait.ge [sflag:s15], $0x800  }
0xa9: {  	[sflag:s15] =	ssyncset.done $0x0  }
0xaa: {  	[sflag:s15] =	ssyncadd.s32 $0xFFFFF800  }
0xab: {  	_ =	swait.ge [sflag:s15], $0x800  }
0xac: {  	[sflag:s15] =	ssyncset.done $0x0  }
0xad: {  	[sflag:s15] =	ssyncadd.s32 $0xFFFFF800  }
0xae: {  	_ =	swait.ge [sflag:s15], $0x800  }
0xaf: {  	[sflag:s15] =	ssyncset.done $0x0  }
0xb0: {  	[sflag:s15] =	ssyncadd.s32 $0xFFFFF800  }
0xb1: {  	_ =	swait.ge [sflag:s15], $0x800  }
0xb2: {  	[sflag:s15] =	ssyncset.done $0x0  }
0xb3: {  	[sflag:s15] =	ssyncadd.s32 $0xFFFFF800  }
0xb4: {  	_ =	swait.ge [sflag:s15], $0x800  }
0xb5: {  	[sflag:s15] =	ssyncset.done $0x0  }
0xb6: {  	[sflag:s15] =	ssyncadd.s32 $0xFFFFF800  }
0xb7: {  	_ =	swait.ge [sflag:s15], $0x800  }
0xb8: {  	[sflag:s15] =	ssyncset.done $0x0  }
0xb9: {  	[sflag:s15] =	ssyncadd.s32 $0xFFFFF800  }
0xba: {  	_ =	swait.ge [sflag:s15], $0x800  }
0xbb: {  	[sflag:s15] =	ssyncset.done $0x0  }
0xbc: {  	[sflag:s15] =	ssyncadd.s32 $0xFFFFF800  }
0xbd: {  	_ =	swait.ge [sflag:s15], $0x800  }
0xbe: {  	[sflag:s15] =	ssyncset.done $0x0  }
0xbf: {  	[sflag:s15] =	ssyncadd.s32 $0xFFFFF800  }
0xc0: {  	_ =	swait.ge [sflag:s15], $0x800  }
0xc1: {  	[sflag:s15] =	ssyncset.done $0x0  }
0xc2: {  	[sflag:s15] =	ssyncadd.s32 $0xFFFFF800  }
0xc3: {  	_ =	swait.ge [sflag:s15], $0x800  }
0xc4: {  	[sflag:s15] =	ssyncset.done $0x0  }
0xc5: {  	[sflag:s15] =	ssyncadd.s32 $0xFFFFF800  }
0xc6: {  	_ =	swait.ge [sflag:s15], $0x800  }
0xc7: {  	[sflag:s15] =	ssyncset.done $0x0  }
0xc8: {  	[sflag:s15] =	ssyncadd.s32 $0xFFFFF800  }
0xc9: {  	_ =	swait.ge [sflag:s15], $0x800  }
0xca: {  	[sflag:s15] =	ssyncset.done $0x0  }
0xcb: {  	[sflag:s15] =	ssyncadd.s32 $0xFFFFF800  }
0xcc: {  	_ =	swait.ge [sflag:s15], $0x800  }
0xcd: {  	[sflag:s15] =	ssyncset.done $0x0  }
0xce: {  	[sflag:s15] =	ssyncadd.s32 $0xFFFFF800  }
0xcf: {  	_ =	swait.ge [sflag:s15], $0x800  }
0xd0: {  	[sflag:s15] =	ssyncset.done $0x0  }
0xd1: {  	[sflag:s15] =	ssyncadd.s32 $0xFFFFF800  }
0xd2: {  	_ =	swait.ge [sflag:s15], $0x800  }
0xd3: {  	[sflag:s15] =	ssyncset.done $0x0  }
0xd4: {  	[sflag:s15] =	ssyncadd.s32 $0xFFFFF800  }
0xd5: {  	_ =	swait.ge [sflag:s15], $0x800  }
0xd6: {  	[sflag:s15] =	ssyncset.done $0x0  }
0xd7: {  	[sflag:s15] =	ssyncadd.s32 $0xFFFFF800  }
0xd8: {  	_ =	swait.ge [sflag:s15], $0x800  }
0xd9: {  	[sflag:s15] =	ssyncset.done $0x0  }
0xda: {  	[sflag:s15] =	ssyncadd.s32 $0xFFFFF800  }
0xdb: {  	_ =	swait.ge [sflag:s15], $0x800  }
0xdc: {  	[sflag:s15] =	ssyncset.done $0x0  }
0xdd: {  	[sflag:s15] =	ssyncadd.s32 $0xFFFFF800  }
0xde: {  	_ =	swait.ge [sflag:s15], $0x800  }
0xdf: {  	[sflag:s15] =	ssyncset.done $0x0  }
0xe0: {  	[sflag:s15] =	ssyncadd.s32 $0xFFFFF800  }
0xe1: {  	_ =	swait.ge [sflag:s15], $0x800  }
0xe2: {  	[sflag:s15] =	ssyncset.done $0x0  }
0xe3: {  	[sflag:s15] =	ssyncadd.s32 $0xFFFFF800  }
0xe4: {  	_ =	swait.ge [sflag:s15], $0x800  }
0xe5: {  	[sflag:s15] =	ssyncset.done $0x0  }
0xe6: {  	[sflag:s15] =	ssyncadd.s32 $0xFFFFF800  }
0xe7: {  	_ =	swait.ge [sflag:s15], $0x800  }
0xe8: {  	[sflag:s15] =	ssyncset.done $0x0  }
0xe9: {  	[sflag:s15] =	ssyncadd.s32 $0xFFFFF800  }
0xea: {  	v16 =	vand.u32 $0x7F, v16;
	_ =	swait.ge [sflag:s15], $0x800  }
0xeb: {  	v18 =	vor.u32 v0, v16;
	v17 =	vand.u32 $0x7F, v17;
	[sflag:s15] =	ssyncset.done $0x0  }
0xec: {  	v19 =	vor.u32 v0, v17;
	[sflag:s15] =	ssyncadd.s32 $0xFFFFF800  }
0xed: {  	_ =	swait.ge [sflag:s15], $0x800  }
0xee: {  	[sflag:s15] =	ssyncset.done $0x0  }
0xef: {  	[sflag:s15] =	ssyncadd.s32 $0xFFFFF800  }
0xf0: {  	v18 =	vld.idx.msk [tilespmem:v18+s13+$0x0], $0xffff  }
0xf1: {  	v19 =	vld.idx.msk [tilespmem:v19+s9+$0x0], $0xffff  }
0xf2: {  	v20 =	vor.u32 v1, v16  }
0xf3: {  	v21 =	vor.u32 v1, v17;
	s24 =	sand.u32 $0xC00, s2;
	s23 =	sand.u32 $0x70, s2  }
0xf4: {  	s31 =	sor.u32 s23, s24  }
0xf5: {  	[tilespmem:s31+$0x10400] =	vst v18  }
0xf6: {  	[tilespmem:s31+$0x12400] =	vst v19  }
0xf7: {  	v20 =	vld.idx.msk [tilespmem:v20+s13+$0x0], $0xffff  }
0xf8: {  	v21 =	vld.idx.msk [tilespmem:v21+s9+$0x0], $0xffff  }
0xf9: {  	v22 =	vor.u32 v2, v16  }
0xfa: {  	v23 =	vor.u32 v2, v17;
	_ =	sdelay $0x1  }
0xfb: {  	[tilespmem:s31+$0x10480] =	vst v20  }
0xfc: {  	[tilespmem:s31+$0x12480] =	vst v21  }
0xfd: {  	v22 =	vld.idx.msk [tilespmem:v22+s13+$0x0], $0xffff  }
0xfe: {  	v23 =	vld.idx.msk [tilespmem:v23+s9+$0x0], $0xffff  }
0xff: {  	v24 =	vor.u32 v3, v16  }
0x100: {  	v25 =	vor.u32 v3, v17;
	_ =	sdelay $0x1  }
0x101: {  	[tilespmem:s31+$0x10500] =	vst v22  }
0x102: {  	[tilespmem:s31+$0x12500] =	vst v23  }
0x103: {  	v24 =	vld.idx.msk [tilespmem:v24+s13+$0x0], $0xffff  }
0x104: {  	v25 =	vld.idx.msk [tilespmem:v25+s9+$0x0], $0xffff  }
0x105: {  	v26 =	vor.u32 v4, v16;
	s25 =	sand.u32 $0xFFFFFC00, s2  }
0x106: {  	v27 =	vor.u32 v4, v17;
	s26 =	sadd.s32 $0x0, s25  }
0x107: {  	s0 =	sor.u32 $0x180, s26  }
0x108: {  	[tilespmem:s0+$0x10400] =	vst v24  }
0x109: {  	[tilespmem:s0+$0x12400] =	vst v25  }
0x10a: {  	v26 =	vld.idx.msk [tilespmem:v26+s13+$0x0], $0xffff  }
0x10b: {  	v27 =	vld.idx.msk [tilespmem:v27+s9+$0x0], $0xffff  }
0x10c: {  	v28 =	vor.u32 v5, v16  }
0x10d: {  	v29 =	vor.u32 v5, v17;
	_ =	sdelay $0x1  }
0x10e: {  	[tilespmem:s31+$0x10600] =	vst v26  }
0x10f: {  	[tilespmem:s31+$0x12600] =	vst v27  }
0x110: {  	v28 =	vld.idx.msk [tilespmem:v28+s13+$0x0], $0xffff  }
0x111: {  	v29 =	vld.idx.msk [tilespmem:v29+s9+$0x0], $0xffff  }
0x112: {  	v30 =	vor.u32 v6, v16  }
0x113: {  	v31 =	vor.u32 v6, v17;
	_ =	sdelay $0x1  }
0x114: {  	[tilespmem:s31+$0x10680] =	vst v28  }
0x115: {  	[tilespmem:s31+$0x12680] =	vst v29  }
0x116: {  	v30 =	vld.idx.msk [tilespmem:v30+s13+$0x0], $0xffff  }
0x117: {  	v31 =	vld.idx.msk [tilespmem:v31+s9+$0x0], $0xffff  }
0x118: {  	v32 =	vor.u32 v7, v16  }
0x119: {  	v33 =	vor.u32 v7, v17;
	_ =	sdelay $0x1  }
0x11a: {  	[tilespmem:s31+$0x10700] =	vst v30  }
0x11b: {  	[tilespmem:s31+$0x12700] =	vst v31  }
0x11c: {  	v32 =	vld.idx.msk [tilespmem:v32+s13+$0x0], $0xffff  }
0x11d: {  	v33 =	vld.idx.msk [tilespmem:v33+s9+$0x0], $0xffff  }
0x11e: {  	v34 =	vor.u32 v8, v16  }
0x11f: {  	v35 =	vor.u32 v8, v17;
	s0 =	sor.u32 s2, s2  }
0x120: {  	s30 =	sor.u32 $0x380, s0  }
0x121: {  	[tilespmem:s30+$0x10400] =	vst v32  }
0x122: {  	[tilespmem:s30+$0x12400] =	vst v33  }
0x123: {  	v34 =	vld.idx.msk [tilespmem:v34+s13+$0x0], $0xffff  }
0x124: {  	v35 =	vld.idx.msk [tilespmem:v35+s9+$0x0], $0xffff  }
0x125: {  	v36 =	vor.u32 v9, v16  }
0x126: {  	v37 =	vor.u32 v9, v17;
	_ =	sdelay $0x1  }
0x127: {  	[tilespmem:s31+$0x11400] =	vst v34  }
0x128: {  	[tilespmem:s31+$0x13400] =	vst v35  }
0x129: {  	v36 =	vld.idx.msk [tilespmem:v36+s13+$0x0], $0xffff  }
0x12a: {  	v37 =	vld.idx.msk [tilespmem:v37+s9+$0x0], $0xffff  }
0x12b: {  	v38 =	vor.u32 v10, v16  }
0x12c: {  	v39 =	vor.u32 v10, v17;
	_ =	sdelay $0x1  }
0x12d: {  	[tilespmem:s31+$0x11480] =	vst v36  }
0x12e: {  	[tilespmem:s31+$0x13480] =	vst v37  }
0x12f: {  	v38 =	vld.idx.msk [tilespmem:v38+s13+$0x0], $0xffff  }
0x130: {  	v39 =	vld.idx.msk [tilespmem:v39+s9+$0x0], $0xffff  }
0x131: {  	v40 =	vor.u32 v11, v16  }
0x132: {  	v41 =	vor.u32 v11, v17;
	_ =	sdelay $0x1  }
0x133: {  	[tilespmem:s31+$0x11500] =	vst v38  }
0x134: {  	[tilespmem:s31+$0x13500] =	vst v39  }
0x135: {  	v40 =	vld.idx.msk [tilespmem:v40+s13+$0x0], $0xffff  }
0x136: {  	v41 =	vld.idx.msk [tilespmem:v41+s9+$0x0], $0xffff  }
0x137: {  	v42 =	vor.u32 v12, v16  }
0x138: {  	v43 =	vor.u32 v12, v17  }
0x139: {  	s1 =	sor.u32 $0x1180, s26;
	v18 =	vmul.f32 v19, v18;
	v19 =	vmul.f32 v21, v20  }
0x13a: {  	[tilespmem:s1+$0x10400] =	vst v40  }
0x13b: {  	v18 =	vadd.f32 v19, v18;
	v19 =	vmul.f32 v23, v22;
	[tilespmem:s1+$0x12400] =	vst v41  }
0x13c: {  	v22 =	vld.idx.msk [tilespmem:v42+s13+$0x0], $0xffff  }
0x13d: {  	v18 =	vadd.f32 v19, v18;
	v19 =	vmul.f32 v25, v24;
	v23 =	vld.idx.msk [tilespmem:v43+s9+$0x0], $0xffff  }
0x13e: {  	v20 =	vor.u32 v13, v16  }
0x13f: {  	v21 =	vor.u32 v13, v17;
	v18 =	vadd.f32 v19, v18;
	v19 =	vmul.f32 v27, v26;
	_ =	sdelay $0x1  }
0x140: {  	v18 =	vadd.f32 v19, v18;
	v19 =	vmul.f32 v29, v28;
	[tilespmem:s31+$0x11600] =	vst v22  }
0x141: {  	[tilespmem:s31+$0x13600] =	vst v23  }
0x142: {  	v18 =	vadd.f32 v19, v18;
	v24 =	vmul.f32 v31, v30;
	v26 =	vld.idx.msk [tilespmem:v20+s13+$0x0], $0xffff  }
0x143: {  	v27 =	vld.idx.msk [tilespmem:v21+s9+$0x0], $0xffff  }
0x144: {  	v18 =	vadd.f32 v24, v18;
	v24 =	vor.u32 v14, v16  }
0x145: {  	v19 =	vmul.f32 v33, v32;
	_ =	sdelay $0x1  }
0x146: {  	v18 =	vadd.f32 v19, v18;
	v19 =	vmul.f32 v37, v36;
	v20 =	vmul.f32 v35, v34;
	[tilespmem:s31+$0x11680] =	vst v26  }
0x147: {  	s28 =	simm.s32 $0x0;
	s3 =	simm.s32 $0x0;
	v25 =	vor.u32 v14, v17;
	v22 =	vmul.f32 v23, v22;
	v21 =	vmul.f32 v41, v40;
	[tilespmem:s31+$0x13680] =	vst v27  }
0x148: {  	s25 =	simm.s32 $0x10;
	s2 =	simm.s32 $0x14400;
	s1 =	simm.s32 $0x14410;
	v18 =	vadd.f32 v20, v18;
	v20 =	vmul.f32 v39, v38;
	v23 =	vmul.f32 v27, v26;
	v24 =	vld.idx.msk [tilespmem:v24+s13+$0x0], $0xffff  }
.LBB2_2:
0x149: {  	_ =	sdelay $0x3  }
0x14a: {  	v25 =	vld.idx.msk [tilespmem:v25+s29+$0x0], $0xffff  }
0x14b: {  	v16 =	vor.u32 v15, v16  }
0x14c: {  	v18 =	vadd.f32 v19, v18;
	v17 =	vor.u32 v15, v17;
	_ =	sdelay $0x1  }
0x14d: {  	v18 =	vadd.f32 v20, v18;
	[tilespmem:s31+$0x11700] =	vst v24  }
0x14e: {  	[tilespmem:s31+$0x13700] =	vst v25  }
0x14f: {  	v18 =	vadd.f32 v21, v18;
	v16 =	vld.idx.msk [tilespmem:v16+s13+$0x0], $0xffff  }
0x150: {  	v17 =	vld.idx.msk [tilespmem:v17+s29+$0x0], $0xffff  }
0x151: {  	[smem:$0x7F0] =	sst s1;
	v18 =	vadd.f32 v22, v18  }
0x152: {  	s23 =	sld [smem:$0x7FC]  }
0x153: {  	s24 =	sld [smem:$0x7FB];
	v19 =	vmul.f32 v25, v24;
	v18 =	vadd.f32 v23, v18  }
0x154: {  	s0 =	sor.u32 $0x1380, s0;
	s26 =	sld [smem:$0x7FA]  }
0x155: {  	s30 =	sld [smem:$0x7F9];
	v18 =	vadd.f32 v19, v18;
	[tilespmem:s0+$0x10400] =	vst v16;
	v16 =	vmul.f32 v17, v16  }
0x156: {  	s22 =	smov.u32 s1;
	s1 =	sld [smem:$0x7F8]  }
0x157: {  	s8 =	rddreg [dreg:$0x19];
	v16 =	vadd.f32 v16, v18  }
0x158: {  	s9 =	rddreg [dreg:$0x18];
	[tilespmem:s0+$0x12400] =	vst v17  }
0x159: {  	s3 =	sadd.s32 $0x10, s3;
	s16 =	rddreg [dreg:$0x16];
	[tilespmem:s2+$0x0] =	vst v16  }
0x15a: {  	s17 =	rddreg [dreg:$0x15];
	v19 =	vld [tilespmem:s3+$0x0]  }
0x15b: {  	s10 =	sadd.s32 $0x10, s10;
	s21 =	rddreg [dreg:$0x14]  }
0x15c: {  	s11 =	rddreg [dreg:$0x12];
	v18 =	vld [tilespmem:s10+$0x0]  }
0x15d: {  	s4 =	smov.u32 s25;
	[smem:$0x7E8] =	sst s3  }
0x15e: {  	[smem:$0x7EF] =	sst s4  }
0x15f: {  	[smem:$0x7EE] =	sst s22;
	(v2sf) =	vpush v19, $0x0  }
0x160: {  	s4 =	rddreg [dreg:$0x1c];
	(v2sf) =	vpush v19, $0x1  }
0x161: {  	s22 =	rddreg [dreg:$0x11];
	(v2sf) =	vpush v18, $0x0  }
0x162: {  	[smem:$0x7E5] =	sst s4  }
0x163: {  	s4 =	rddreg [dreg:$0x17];
	(v2sf) =	vpush v19, $0x2  }
0x164: {  	[smem:$0x7ED] =	sst s23;
	(v2sf) =	vpush v18, $0x3  }
0x165: {  	[smem:$0x7EC] =	sst s24;
	(v2sf) =	vpush v18, $0x1  }
0x166: {  	[smem:$0x7EB] =	sst s26  }
0x167: {  	[smem:$0x7EA] =	sst s30;
	(v2sf) =	vpush v18, $0x2  }
0x168: {  	[smem:$0x7E9] =	sst s1  }
0x169: {  	s24 =	rddreg [dreg:$0xf];
	(v2sf) =	vpush v19, $0x4  }
0x16a: {  	s23 =	rddreg [dreg:$0xe]  }
0x16b: {  	s1 =	rddreg [dreg:$0xc];
	(v2sf) =	vpush v19, $0x3  }
0x16c: {  	s30 =	rddreg [dreg:$0xa]  }
0x16d: {  	s31 =	rddreg [dreg:$0x1b]  }
0x16e: {  	s2 =	rddreg [dreg:$0x1e];
	s14 =	spop (v2sf)  }
0x16f: {  	[smem:$0x7E7] =	sst s2;
	(v2sf) =	vpush v18, $0x4;
	s14 =	sand.u32 $0xFFFFF80, s14;
	s5 =	spop (v2sf)  }
0x170: {  	s3 =	rddreg [dreg:$0x1d];
	s14 =	sadd.s32 s18, s14;
	s26 =	spop (v2sf)  }
0x171: {  	(v2sf) =	vpush v19, $0x5;
	[tilespmem:s13], [sflag:$0x1] =	stream.strided.gather [hbm4b:s14+s13], $0x800, s12, s13, $0x38;
	[tilespmem:$0x14600] =	vst v63  }
0x172: {  	s2 =	rddreg [dreg:$0xb];
	s0 =	sand.u32 $0xFFFFF80, s5;
	(v2sf) =	vpush v18, $0x5;
	s5 =	spop (v2sf)  }
0x173: {  	s6 =	sand.u32 $0xFFFFF80, s26;
	s26 =	rddreg [dreg:$0x8];
	s7 =	spop (v2sf)  }
0x174: {  	s0 =	sadd.s32 s18, s0;
	s14 =	sadd.s32 s19, s6;
	s20 =	spop (v2sf)  }
0x175: {  	[tilespmem:s29], [sflag:$0x1] =	stream.strided.gather [hbm4b:s14+s13], $0x800, s12, s13, $0x38;
	[tilespmem:$0x14600] =	vst v63  }
0x176: {  	s6 =	sand.u32 $0xFFFFF80, s5;
	(v2sf) =	vpush v19, $0x6;
	s14 =	sand.u32 $0xFFFFF80, s20;
	s5 =	spop (v2sf)  }
0x177: {  	[tilespmem:s26], [sflag:$0x1] =	stream.strided.gather [hbm4b:s0+s13], $0x800, s12, s13, $0x38;
	[tilespmem:$0x14600] =	vst v63  }
0x178: {  	s20 =	rddreg [dreg:$0x9];
	(v2sf) =	vpush v18, $0x6;
	s14 =	sadd.s32 s19, s14;
	s26 =	spop (v2sf)  }
0x179: {  	[tilespmem:s20], [sflag:$0x1] =	stream.strided.gather [hbm4b:s14+s13], $0x800, s12, s13, $0x38;
	[tilespmem:$0x14600] =	vst v63  }
0x17a: {  	s6 =	sadd.s32 s18, s6;
	s5 =	sand.u32 $0xFFFFF80, s5;
	(v2sf) =	vpush v19, $0x7;
	s20 =	spop (v2sf)  }
0x17b: {  	[tilespmem:s30], [sflag:$0x1] =	stream.strided.gather [hbm4b:s6+s13], $0x800, s12, s13, $0x38;
	[tilespmem:$0x14600] =	vst v63  }
0x17c: {  	s14 =	sand.u32 $0xFFFFF80, s26;
	(v2sf) =	vpush v18, $0x7;
	s26 =	sadd.s32 s19, s5;
	s30 =	sand.u32 $0xFFFFF80, s20  }
0x17d: {  	[tilespmem:s2], [sflag:$0x1] =	stream.strided.gather [hbm4b:s26+s13], $0x800, s12, s13, $0x38;
	[tilespmem:$0x14600] =	vst v63  }
0x17e: {  	[smem:$0x7E6] =	sst s3;
	s6 =	spop (v2sf);
	(v2sf) =	vpush v19, $0x8;
	s5 =	sadd.s32 s18, s30  }
0x17f: {  	[tilespmem:s1], [sflag:$0x1] =	stream.strided.gather [hbm4b:s5+s13], $0x800, s12, s13, $0x38;
	[tilespmem:$0x14600] =	vst v63  }
0x180: {  	s3 =	rddreg [dreg:$0x13];
	s7 =	sand.u32 $0xFFFFF80, s7;
	s26 =	spop (v2sf);
	(v2sf) =	vpush v18, $0x8  }
0x181: {  	s20 =	rddreg [dreg:$0xd];
	s30 =	sadd.s32 s19, s7;
	s7 =	spop (v2sf)  }
0x182: {  	[tilespmem:s20], [sflag:$0x1] =	stream.strided.gather [hbm4b:s30+s13], $0x800, s12, s13, $0x38;
	(v2sf) =	vpush v19, $0x9;
	[tilespmem:$0x14600] =	vst v63  }
0x183: {  	s14 =	sadd.s32 s18, s14;
	s1 =	sand.u32 $0xFFFFF80, s26;
	s20 =	sand.u32 $0xFFFFF80, s6  }
0x184: {  	(v2sf) =	vpush v18, $0x9;
	[tilespmem:s23], [sflag:$0x1] =	stream.strided.gather [hbm4b:s14+s13], $0x800, s12, s13, $0x38;
	[tilespmem:$0x14600] =	vst v63  }
0x185: {  	s30 =	rddreg [dreg:$0x10];
	s26 =	sadd.s32 s19, s20;
	s6 =	spop (v2sf)  }
0x186: {  	[tilespmem:s24], [sflag:$0x1] =	stream.strided.gather [hbm4b:s26+s13], $0x800, s12, s13, $0x38;
	[tilespmem:$0x14600] =	vst v63  }
0x187: {  	s5 =	sand.u32 $0xFFFFF80, s7;
	s7 =	sadd.s32 s18, s1;
	(v2sf) =	vpush v19, $0xA;
	s23 =	spop (v2sf)  }
0x188: {  	(v2sf) =	vpush v18, $0xA;
	[tilespmem:s30], [sflag:$0x1] =	stream.strided.gather [hbm4b:s7+s13], $0x800, s12, s13, $0x38;
	[tilespmem:$0x14600] =	vst v63  }
0x189: {  	s20 =	sand.u32 $0xFFFFF80, s6;
	s24 =	sadd.s32 s19, s5;
	s30 =	spop (v2sf)  }
0x18a: {  	(v2sf) =	vpush v19, $0xB;
	[tilespmem:s22], [sflag:$0x1] =	stream.strided.gather [hbm4b:s24+s13], $0x800, s12, s13, $0x38;
	[tilespmem:$0x14600] =	vst v63  }
0x18b: {  	s26 =	sand.u32 $0xFFFFF80, s23;
	s6 =	sadd.s32 s18, s20;
	s14 =	spop (v2sf)  }
0x18c: {  	(v2sf) =	vpush v18, $0xB;
	[tilespmem:s11], [sflag:$0x1] =	stream.strided.gather [hbm4b:s6+s13], $0x800, s12, s13, $0x38;
	[tilespmem:$0x14600] =	vst v63  }
0x18d: {  	s20 =	sadd.s32 s19, s26;
	s7 =	sand.u32 $0xFFFFF80, s30;
	s23 =	spop (v2sf)  }
0x18e: {  	[tilespmem:s3], [sflag:$0x1] =	stream.strided.gather [hbm4b:s20+s13], $0x800, s12, s13, $0x38;
	[tilespmem:$0x14600] =	vst v63  }
0x18f: {  	s22 =	sand.u32 $0xFFFFF80, s14;
	s24 =	sadd.s32 s18, s7;
	s30 =	spop (v2sf)  }
0x190: {  	(v2sf) =	vpush v19, $0xC;
	[tilespmem:s21], [sflag:$0x1] =	stream.strided.gather [hbm4b:s24+s13], $0x800, s12, s13, $0x38;
	[tilespmem:$0x14600] =	vst v63  }
0x191: {  	s2 =	sadd.s32 s19, s22;
	s26 =	sand.u32 $0xFFFFF80, s23;
	s6 =	spop (v2sf)  }
0x192: {  	(v2sf) =	vpush v18, $0xC;
	[tilespmem:s17], [sflag:$0x1] =	stream.strided.gather [hbm4b:s2+s13], $0x800, s12, s13, $0x38;
	[tilespmem:$0x14600] =	vst v63  }
0x193: {  	s7 =	sadd.s32 s18, s26;
	s26 =	rddreg [dreg:$0x1a];
	s14 =	spop (v2sf)  }
0x194: {  	s5 =	sand.u32 $0xFFFFF80, s30;
	s11 =	sand.u32 $0xFFFFF80, s6;
	s17 =	sand.u32 $0xFFFFF80, s14  }
0x195: {  	(v2sf) =	vpush v19, $0xD;
	[tilespmem:s16], [sflag:$0x1] =	stream.strided.gather [hbm4b:s7+s13], $0x800, s12, s13, $0x38;
	[tilespmem:$0x14600] =	vst v63  }
0x196: {  	s21 =	sadd.s32 s18, s11;
	s16 =	sadd.s32 s19, s5;
	s20 =	spop (v2sf)  }
0x197: {  	(v2sf) =	vpush v18, $0xD;
	s24 =	sadd.s32 s19, s17;
	s17 =	sld [smem:$0x7E5];
	s23 =	spop (v2sf)  }
0x198: {  	[tilespmem:s4], [sflag:$0x1] =	stream.strided.gather [hbm4b:s16+s13], $0x800, s12, s13, $0x38;
	[tilespmem:$0x14600] =	vst v63  }
0x199: {  	s5 =	sld [smem:$0x7E7];
	s22 =	sand.u32 $0xFFFFF80, s20;
	s30 =	spop (v2sf)  }
0x19a: {  	[tilespmem:s9], [sflag:$0x1] =	stream.strided.gather [hbm4b:s21+s13], $0x800, s12, s13, $0x38;
	[tilespmem:$0x14600] =	vst v63  }
0x19b: {  	(v2sf) =	vpush v19, $0xE;
	s1 =	sadd.s32 s18, s22;
	s4 =	sand.u32 $0xFFFFF80, s23;
	s6 =	spop (v2sf)  }
0x19c: {  	[tilespmem:s8], [sflag:$0x1] =	stream.strided.gather [hbm4b:s24+s13], $0x800, s12, s13, $0x38;
	[tilespmem:$0x14600] =	vst v63  }
0x19d: {  	s23 =	sld [smem:$0x7E6];
	(v2sf) =	vpush v18, $0xE;
	s7 =	sadd.s32 s19, s4;
	s14 =	sand.u32 $0xFFFFF80, s6  }
0x19e: {  	[tilespmem:s26], [sflag:$0x1] =	stream.strided.gather [hbm4b:s1+s13], $0x800, s12, s13, $0x38;
	[tilespmem:$0x14600] =	vst v63  }
0x19f: {  	(v2sf) =	vpush v19, $0xF;
	s8 =	sand.u32 $0xFFFFF80, s30;
	s9 =	spop (v2sf);
	s20 =	sadd.s32 s19, s14  }
0x1a0: {  	[tilespmem:s31], [sflag:$0x1] =	stream.strided.gather [hbm4b:s7+s13], $0x800, s12, s13, $0x38;
	[tilespmem:$0x14600] =	vst v63  }
0x1a1: {  	(v2sf) =	vpush v18, $0xF;
	s11 =	sadd.s32 s18, s8;
	s21 =	sand.u32 $0xFFFFF80, s9;
	s16 =	spop (v2sf)  }
0x1a2: {  	[tilespmem:s17], [sflag:$0x1] =	stream.strided.gather [hbm4b:s11+s13], $0x800, s12, s13, $0x38;
	[tilespmem:$0x14600] =	vst v63  }
0x1a3: {  	s24 =	sadd.s32 s18, s21;
	s26 =	rddreg [dreg:$0x1f];
	s22 =	sand.u32 $0xFFFFF80, s16  }
0x1a4: {  	s16 =	sld [smem:$0x7E9];
	s30 =	spop (v2sf);
	s6 =	sadd.s32 s19, s22  }
0x1a5: {  	[tilespmem:s23], [sflag:$0x1] =	stream.strided.gather [hbm4b:s20+s13], $0x800, s12, s13, $0x38;
	[tilespmem:$0x14600] =	vst v63  }
0x1a6: {  	s22 =	sld [smem:$0x7EA];
	s7 =	sand.u32 $0xFFFFF80, s30;
	s8 =	spop (v2sf)  }
0x1a7: {  	[tilespmem:s5], [sflag:$0x1] =	stream.strided.gather [hbm4b:s24+s13], $0x800, s12, s13, $0x38;
	[tilespmem:$0x14600] =	vst v63  }
0x1a8: {  	s30 =	sld [smem:$0x7EB];
	s9 =	sadd.s32 s18, s7;
	s11 =	sand.u32 $0xFFFFF80, s8  }
0x1a9: {  	[tilespmem:s26], [sflag:$0x1] =	stream.strided.gather [hbm4b:s6+s13], $0x800, s12, s13, $0x38;
	[tilespmem:$0x14600] =	vst v63  }
0x1aa: {  	s7 =	sld [smem:$0x7EC];
	s14 =	spop (v2sf);
	s17 =	sadd.s32 s19, s11  }
0x1ab: {  	[tilespmem:s16], [sflag:$0x1] =	stream.strided.gather [hbm4b:s9+s13], $0x800, s12, s13, $0x38;
	[tilespmem:$0x14600] =	vst v63  }
0x1ac: {  	s20 =	sand.u32 $0xFFFFF80, s14;
	s14 =	sld [smem:$0x7ED];
	s21 =	spop (v2sf)  }
0x1ad: {  	[tilespmem:s22], [sflag:$0x1] =	stream.strided.gather [hbm4b:s17+s13], $0x800, s12, s13, $0x38;
	[tilespmem:$0x14600] =	vst v63  }
0x1ae: {  	s23 =	sadd.s32 s18, s20;
	s24 =	sand.u32 $0xFFFFF80, s21;
	s26 =	spop (v2sf)  }
0x1af: {  	[tilespmem:s30], [sflag:$0x1] =	stream.strided.gather [hbm4b:s23+s13], $0x800, s12, s13, $0x38;
	[tilespmem:$0x14600] =	vst v63  }
0x1b0: {  	s4 =	sadd.s32 s19, s24;
	s5 =	sand.u32 $0xFFFFF80, s26;
	s6 =	spop (v2sf)  }
0x1b1: {  	[tilespmem:s7], [sflag:$0x1] =	stream.strided.gather [hbm4b:s4+s13], $0x800, s12, s13, $0x38;
	[tilespmem:$0x14600] =	vst v63  }
0x1b2: {  	s11 =	sld [smem:$0x7FD];
	s8 =	sadd.s32 s18, s5;
	s9 =	sand.u32 $0xFFFFF80, s6  }
0x1b3: {  	[tilespmem:s14], [sflag:$0x1] =	stream.strided.gather [hbm4b:s8+s13], $0x800, s12, s13, $0x38;
	[tilespmem:$0x14600] =	vst v63  }
0x1b4: {  	s3 =	sld [smem:$0x7E8];
	s16 =	sadd.s32 s19, s9  }
0x1b5: {  	[tilespmem:s11], [sflag:$0x1] =	stream.strided.gather [hbm4b:s16+s13], $0x800, s12, s13, $0x38;
	[tilespmem:$0x14600] =	vst v63  }
0x1b6: {  	s2 =	sld [smem:$0x7EE];
	_ =	swait.ge [sflag:s15], $0x800  }
0x1b7: {  	[sflag:s15] =	ssyncset.done $0x0  }
0x1b8: {  	[sflag:s15] =	ssyncadd.s32 $0xFFFFF800  }
0x1b9: {  	_ =	swait.ge [sflag:s15], $0x800  }
0x1ba: {  	[sflag:s15] =	ssyncset.done $0x0  }
0x1bb: {  	[sflag:s15] =	ssyncadd.s32 $0xFFFFF800  }
0x1bc: {  	_ =	swait.ge [sflag:s15], $0x800  }
0x1bd: {  	[sflag:s15] =	ssyncset.done $0x0  }
0x1be: {  	[sflag:s15] =	ssyncadd.s32 $0xFFFFF800  }
0x1bf: {  	_ =	swait.ge [sflag:s15], $0x800  }
0x1c0: {  	[sflag:s15] =	ssyncset.done $0x0  }
0x1c1: {  	[sflag:s15] =	ssyncadd.s32 $0xFFFFF800  }
0x1c2: {  	_ =	swait.ge [sflag:s15], $0x800  }
0x1c3: {  	[sflag:s15] =	ssyncset.done $0x0  }
0x1c4: {  	[sflag:s15] =	ssyncadd.s32 $0xFFFFF800  }
0x1c5: {  	_ =	swait.ge [sflag:s15], $0x800  }
0x1c6: {  	[sflag:s15] =	ssyncset.done $0x0  }
0x1c7: {  	[sflag:s15] =	ssyncadd.s32 $0xFFFFF800  }
0x1c8: {  	_ =	swait.ge [sflag:s15], $0x800  }
0x1c9: {  	[sflag:s15] =	ssyncset.done $0x0  }
0x1ca: {  	[sflag:s15] =	ssyncadd.s32 $0xFFFFF800  }
0x1cb: {  	_ =	swait.ge [sflag:s15], $0x800  }
0x1cc: {  	[sflag:s15] =	ssyncset.done $0x0  }
0x1cd: {  	[sflag:s15] =	ssyncadd.s32 $0xFFFFF800  }
0x1ce: {  	_ =	swait.ge [sflag:s15], $0x800  }
0x1cf: {  	[sflag:s15] =	ssyncset.done $0x0  }
0x1d0: {  	[sflag:s15] =	ssyncadd.s32 $0xFFFFF800  }
0x1d1: {  	_ =	swait.ge [sflag:s15], $0x800  }
0x1d2: {  	[sflag:s15] =	ssyncset.done $0x0  }
0x1d3: {  	[sflag:s15] =	ssyncadd.s32 $0xFFFFF800  }
0x1d4: {  	_ =	swait.ge [sflag:s15], $0x800  }
0x1d5: {  	[sflag:s15] =	ssyncset.done $0x0  }
0x1d6: {  	[sflag:s15] =	ssyncadd.s32 $0xFFFFF800  }
0x1d7: {  	_ =	swait.ge [sflag:s15], $0x800  }
0x1d8: {  	[sflag:s15] =	ssyncset.done $0x0  }
0x1d9: {  	[sflag:s15] =	ssyncadd.s32 $0xFFFFF800  }
0x1da: {  	_ =	swait.ge [sflag:s15], $0x800  }
0x1db: {  	[sflag:s15] =	ssyncset.done $0x0  }
0x1dc: {  	[sflag:s15] =	ssyncadd.s32 $0xFFFFF800  }
0x1dd: {  	_ =	swait.ge [sflag:s15], $0x800  }
0x1de: {  	[sflag:s15] =	ssyncset.done $0x0  }
0x1df: {  	[sflag:s15] =	ssyncadd.s32 $0xFFFFF800  }
0x1e0: {  	_ =	swait.ge [sflag:s15], $0x800  }
0x1e1: {  	[sflag:s15] =	ssyncset.done $0x0  }
0x1e2: {  	[sflag:s15] =	ssyncadd.s32 $0xFFFFF800  }
0x1e3: {  	_ =	swait.ge [sflag:s15], $0x800  }
0x1e4: {  	[sflag:s15] =	ssyncset.done $0x0  }
0x1e5: {  	[sflag:s15] =	ssyncadd.s32 $0xFFFFF800  }
0x1e6: {  	_ =	swait.ge [sflag:s15], $0x800  }
0x1e7: {  	[sflag:s15] =	ssyncset.done $0x0  }
0x1e8: {  	[sflag:s15] =	ssyncadd.s32 $0xFFFFF800  }
0x1e9: {  	_ =	swait.ge [sflag:s15], $0x800  }
0x1ea: {  	[sflag:s15] =	ssyncset.done $0x0  }
0x1eb: {  	[sflag:s15] =	ssyncadd.s32 $0xFFFFF800  }
0x1ec: {  	_ =	swait.ge [sflag:s15], $0x800  }
0x1ed: {  	[sflag:s15] =	ssyncset.done $0x0  }
0x1ee: {  	[sflag:s15] =	ssyncadd.s32 $0xFFFFF800  }
0x1ef: {  	_ =	swait.ge [sflag:s15], $0x800  }
0x1f0: {  	[sflag:s15] =	ssyncset.done $0x0  }
0x1f1: {  	[sflag:s15] =	ssyncadd.s32 $0xFFFFF800  }
0x1f2: {  	_ =	swait.ge [sflag:s15], $0x800  }
0x1f3: {  	[sflag:s15] =	ssyncset.done $0x0  }
0x1f4: {  	[sflag:s15] =	ssyncadd.s32 $0xFFFFF800  }
0x1f5: {  	_ =	swait.ge [sflag:s15], $0x800  }
0x1f6: {  	[sflag:s15] =	ssyncset.done $0x0  }
0x1f7: {  	[sflag:s15] =	ssyncadd.s32 $0xFFFFF800  }
0x1f8: {  	_ =	swait.ge [sflag:s15], $0x800  }
0x1f9: {  	[sflag:s15] =	ssyncset.done $0x0  }
0x1fa: {  	[sflag:s15] =	ssyncadd.s32 $0xFFFFF800  }
0x1fb: {  	_ =	swait.ge [sflag:s15], $0x800  }
0x1fc: {  	[sflag:s15] =	ssyncset.done $0x0  }
0x1fd: {  	[sflag:s15] =	ssyncadd.s32 $0xFFFFF800  }
0x1fe: {  	_ =	swait.ge [sflag:s15], $0x800  }
0x1ff: {  	[sflag:s15] =	ssyncset.done $0x0  }
0x200: {  	[sflag:s15] =	ssyncadd.s32 $0xFFFFF800  }
0x201: {  	_ =	swait.ge [sflag:s15], $0x800  }
0x202: {  	[sflag:s15] =	ssyncset.done $0x0  }
0x203: {  	[sflag:s15] =	ssyncadd.s32 $0xFFFFF800  }
0x204: {  	_ =	swait.ge [sflag:s15], $0x800  }
0x205: {  	[sflag:s15] =	ssyncset.done $0x0  }
0x206: {  	[sflag:s15] =	ssyncadd.s32 $0xFFFFF800  }
0x207: {  	_ =	swait.ge [sflag:s15], $0x800  }
0x208: {  	[sflag:s15] =	ssyncset.done $0x0  }
0x209: {  	[sflag:s15] =	ssyncadd.s32 $0xFFFFF800  }
0x20a: {  	_ =	swait.ge [sflag:s15], $0x800  }
0x20b: {  	[sflag:s15] =	ssyncset.done $0x0  }
0x20c: {  	[sflag:s15] =	ssyncadd.s32 $0xFFFFF800  }
0x20d: {  	_ =	swait.ge [sflag:s15], $0x800  }
0x20e: {  	[sflag:s15] =	ssyncset.done $0x0  }
0x20f: {  	[sflag:s15] =	ssyncadd.s32 $0xFFFFF800  }
0x210: {  	v16 =	vand.u32 $0x7F, v19;
	_ =	swait.ge [sflag:s15], $0x800  }
0x211: {  	v17 =	vand.u32 $0x7F, v18;
	v18 =	vor.u32 v0, v16;
	[sflag:s15] =	ssyncset.done $0x0  }
0x212: {  	v19 =	vor.u32 v0, v17;
	[sflag:s15] =	ssyncadd.s32 $0xFFFFF800  }
0x213: {  	_ =	swait.ge [sflag:s15], $0x800  }
0x214: {  	[sflag:s15] =	ssyncset.done $0x0  }
0x215: {  	[sflag:s15] =	ssyncadd.s32 $0xFFFFF800  }
0x216: {  	s17 =	sld [smem:$0x7EF];
	v18 =	vld.idx.msk [tilespmem:v18+s13+$0x0], $0xffff  }
0x217: {  	v19 =	vld.idx.msk [tilespmem:v19+s29+$0x0], $0xffff  }
0x218: {  	s28 =	sadd.s32 $0x80, s28;
	v20 =	vor.u32 v1, v16  }
0x219: {  	v21 =	vor.u32 v1, v17;
	s21 =	sand.u32 $0xC00, s28;
	s20 =	sand.u32 $0x70, s17  }
0x21a: {  	s31 =	sor.u32 s20, s21  }
0x21b: {  	[tilespmem:s31+$0x10400] =	vst v18  }
0x21c: {  	[tilespmem:s31+$0x12400] =	vst v19  }
0x21d: {  	v18 =	vmul.f32 v19, v18;
	v19 =	vld.idx.msk [tilespmem:v20+s13+$0x0], $0xffff  }
0x21e: {  	v20 =	vld.idx.msk [tilespmem:v21+s29+$0x0], $0xffff  }
0x21f: {  	v21 =	vor.u32 v2, v16  }
0x220: {  	v22 =	vor.u32 v2, v17;
	_ =	sdelay $0x1  }
0x221: {  	[tilespmem:s31+$0x10480] =	vst v19  }
0x222: {  	[tilespmem:s31+$0x12480] =	vst v20  }
0x223: {  	v19 =	vmul.f32 v20, v19;
	v20 =	vld.idx.msk [tilespmem:v21+s13+$0x0], $0xffff  }
0x224: {  	v21 =	vld.idx.msk [tilespmem:v22+s29+$0x0], $0xffff  }
0x225: {  	v22 =	vor.u32 v3, v16  }
0x226: {  	v23 =	vor.u32 v3, v17;
	_ =	sdelay $0x1  }
0x227: {  	[tilespmem:s31+$0x10500] =	vst v20  }
0x228: {  	v18 =	vadd.f32 v19, v18;
	[tilespmem:s31+$0x12500] =	vst v21;
	v19 =	vmul.f32 v21, v20  }
0x229: {  	v20 =	vld.idx.msk [tilespmem:v22+s13+$0x0], $0xffff  }
0x22a: {  	v18 =	vadd.f32 v19, v18;
	v19 =	vld.idx.msk [tilespmem:v23+s29+$0x0], $0xffff  }
0x22b: {  	s22 =	sand.u32 $0xFFFFFC00, s28;
	v21 =	vor.u32 v4, v16  }
0x22c: {  	s23 =	sadd.s32 s22, s17;
	v22 =	vor.u32 v4, v17  }
0x22d: {  	s0 =	sor.u32 $0x180, s23  }
0x22e: {  	[tilespmem:s0+$0x10400] =	vst v20  }
0x22f: {  	[tilespmem:s0+$0x12400] =	vst v19;
	v19 =	vmul.f32 v19, v20  }
0x230: {  	v20 =	vld.idx.msk [tilespmem:v21+s13+$0x0], $0xffff  }
0x231: {  	v18 =	vadd.f32 v19, v18;
	v19 =	vld.idx.msk [tilespmem:v22+s29+$0x0], $0xffff  }
0x232: {  	v21 =	vor.u32 v5, v16  }
0x233: {  	v22 =	vor.u32 v5, v17;
	_ =	sdelay $0x1  }
0x234: {  	[tilespmem:s31+$0x10600] =	vst v20  }
0x235: {  	[tilespmem:s31+$0x12600] =	vst v19;
	v19 =	vmul.f32 v19, v20  }
0x236: {  	v20 =	vld.idx.msk [tilespmem:v21+s13+$0x0], $0xffff  }
0x237: {  	v18 =	vadd.f32 v19, v18;
	v19 =	vld.idx.msk [tilespmem:v22+s29+$0x0], $0xffff  }
0x238: {  	v21 =	vor.u32 v6, v16  }
0x239: {  	v22 =	vor.u32 v6, v17;
	_ =	sdelay $0x1  }
0x23a: {  	[tilespmem:s31+$0x10680] =	vst v20  }
0x23b: {  	[tilespmem:s31+$0x12680] =	vst v19  }
0x23c: {  	v19 =	vmul.f32 v19, v20;
	v20 =	vld.idx.msk [tilespmem:v21+s13+$0x0], $0xffff  }
0x23d: {  	v21 =	vld.idx.msk [tilespmem:v22+s29+$0x0], $0xffff  }
0x23e: {  	v22 =	vor.u32 v7, v16  }
0x23f: {  	v23 =	vor.u32 v7, v17;
	_ =	sdelay $0x1  }
0x240: {  	[tilespmem:s31+$0x10700] =	vst v20  }
0x241: {  	[tilespmem:s31+$0x12700] =	vst v21  }
0x242: {  	v20 =	vmul.f32 v21, v20;
	v21 =	vld.idx.msk [tilespmem:v22+s13+$0x0], $0xffff  }
0x243: {  	v22 =	vld.idx.msk [tilespmem:v23+s29+$0x0], $0xffff  }
0x244: {  	v23 =	vor.u32 v8, v16  }
0x245: {  	v24 =	vor.u32 v8, v17;
	s0 =	sor.u32 s17, s28  }
0x246: {  	s24 =	sor.u32 $0x380, s0  }
0x247: {  	[tilespmem:s24+$0x10400] =	vst v21  }
0x248: {  	[tilespmem:s24+$0x12400] =	vst v22  }
0x249: {  	v21 =	vmul.f32 v22, v21;
	v22 =	vld.idx.msk [tilespmem:v23+s13+$0x0], $0xffff  }
0x24a: {  	v23 =	vld.idx.msk [tilespmem:v24+s29+$0x0], $0xffff  }
0x24b: {  	v18 =	vadd.f32 v19, v18;
	v19 =	vor.u32 v9, v16  }
0x24c: {  	v24 =	vor.u32 v9, v17  }
0x24d: {  	v18 =	vadd.f32 v20, v18  }
0x24e: {  	[tilespmem:s31+$0x11400] =	vst v22  }
0x24f: {  	v18 =	vadd.f32 v21, v18;
	[tilespmem:s31+$0x13400] =	vst v23;
	v20 =	vmul.f32 v23, v22  }
0x250: {  	v19 =	vld.idx.msk [tilespmem:v19+s13+$0x0], $0xffff  }
0x251: {  	v18 =	vadd.f32 v20, v18;
	v20 =	vld.idx.msk [tilespmem:v24+s29+$0x0], $0xffff  }
0x252: {  	v21 =	vor.u32 v10, v16  }
0x253: {  	v22 =	vor.u32 v10, v17;
	_ =	sdelay $0x1  }
0x254: {  	[tilespmem:s31+$0x11480] =	vst v19  }
0x255: {  	[tilespmem:s31+$0x13480] =	vst v20  }
0x256: {  	v19 =	vmul.f32 v20, v19;
	v20 =	vld.idx.msk [tilespmem:v21+s13+$0x0], $0xffff  }
0x257: {  	v21 =	vld.idx.msk [tilespmem:v22+s29+$0x0], $0xffff  }
0x258: {  	v22 =	vor.u32 v11, v16  }
0x259: {  	v23 =	vor.u32 v11, v17;
	_ =	sdelay $0x1  }
0x25a: {  	[tilespmem:s31+$0x11500] =	vst v20  }
0x25b: {  	[tilespmem:s31+$0x13500] =	vst v21  }
0x25c: {  	v20 =	vmul.f32 v21, v20;
	v21 =	vld.idx.msk [tilespmem:v22+s13+$0x0], $0xffff  }
0x25d: {  	v22 =	vld.idx.msk [tilespmem:v23+s29+$0x0], $0xffff  }
0x25e: {  	v23 =	vor.u32 v12, v16  }
0x25f: {  	v24 =	vor.u32 v12, v17  }
0x260: {  	s26 =	sor.u32 $0x1180, s23  }
0x261: {  	[tilespmem:s26+$0x10400] =	vst v21  }
0x262: {  	[tilespmem:s26+$0x12400] =	vst v22  }
0x263: {  	v21 =	vmul.f32 v22, v21;
	v22 =	vld.idx.msk [tilespmem:v23+s13+$0x0], $0xffff  }
0x264: {  	v23 =	vld.idx.msk [tilespmem:v24+s29+$0x0], $0xffff  }
0x265: {  	v24 =	vor.u32 v13, v16  }
0x266: {  	v25 =	vor.u32 v13, v17;
	_ =	sdelay $0x1  }
0x267: {  	[tilespmem:s31+$0x11600] =	vst v22  }
0x268: {  	[tilespmem:s31+$0x13600] =	vst v23  }
0x269: {  	v22 =	vmul.f32 v23, v22;
	v23 =	vld.idx.msk [tilespmem:v24+s13+$0x0], $0xffff  }
0x26a: {  	v24 =	vld.idx.msk [tilespmem:v25+s29+$0x0], $0xffff  }
0x26b: {  	p0 =	sne.s32 s25, $0x1F0;
	v26 =	vor.u32 v14, v16  }
.Ltmp0:
0x26c: {  	_ = 	snop;
	(pc) =	sbr.rel @p0 .LBB2_2-.Ltmp0, $4  }
0x26d: {  	s30 =	sld [smem:$0x7F0]  }
0x26e: {  	[tilespmem:s31+$0x11680] =	vst v23  }
0x26f: {  	[tilespmem:s31+$0x13680] =	vst v24  }
0x270: {  	s25 =	sadd.s32 $0x10, s25;
	s1 =	sadd.s32 $0x10, s30;
	v25 =	vor.u32 v14, v17;
	v23 =	vmul.f32 v24, v23;
	v24 =	vld.idx.msk [tilespmem:v26+s13+$0x0], $0xffff  }
0x271: {  	_ =	sdelay $0x2  }
0x272: {  	s1 =	simm.s32 $0x8400  }
0x273: {  	v25 =	vld.idx.msk [tilespmem:v25+s1+$0x0], $0xffff  }
0x274: {  	v16 =	vor.u32 v15, v16  }
0x275: {  	v18 =	vadd.f32 v19, v18;
	v17 =	vor.u32 v15, v17;
	_ =	sdelay $0x1  }
0x276: {  	v18 =	vadd.f32 v20, v18;
	[tilespmem:s31+$0x11700] =	vst v24  }
0x277: {  	[tilespmem:s31+$0x13700] =	vst v25  }
0x278: {  	v18 =	vadd.f32 v21, v18;
	v16 =	vld.idx.msk [tilespmem:v16+s13+$0x0], $0xffff  }
0x279: {  	v17 =	vld.idx.msk [tilespmem:v17+s1+$0x0], $0xffff  }
0x27a: {  	v18 =	vadd.f32 v22, v18;
	_ =	sdelay $0x1  }
0x27b: {  	v62 =	vmul.f32 v25, v24;
	v18 =	vadd.f32 v23, v18;
	_ =	sdelay $0x1  }
0x27c: {  	v18 =	vadd.f32 v62, v18;
	v63 =	vmul.f32 v17, v16  }
0x27d: {  	s0 =	sor.u32 $0x1380, s0  }
0x27e: {  	s21 =	sld [smem:$0x7F4];
	[tilespmem:s0+$0x10400] =	vst v16;
	v16 =	vadd.f32 v63, v18  }
0x27f: {  	s22 =	simm.s32 $0x1000;
	[tilespmem:s0+$0x12400] =	vst v17  }
0x280: {  	s23 =	simm.s32 $0x20000;
	s3 =	simm.s32 $0x10400;
	s24 =	sld [smem:$0x7F5];
	[tilespmem:s2+$0x0] =	vst v16  }
0x281: {  	[hbm4b:s21+s22] =	stream.strided.scatter [tilespmem:s3], [sflag:$0x2], $0x2000, s23, s22, $0x38;
	[tilespmem:$0x14600] =	vst v63  }
0x282: {  	s25 =	simm.s32 $0x12400;
	s26 =	sld [smem:$0x7F6]  }
0x283: {  	[hbm4b:s24+s22] =	stream.strided.scatter [tilespmem:s25], [sflag:$0x2], $0x2000, s23, s22, $0x38;
	[tilespmem:$0x14600] =	vst v63  }
0x284: {  	s28 =	simm.s32 $0x14400;
	s1 =	simm.s32 $0x3;
	s2 =	simm.s32 $0x0  }
0x285: {  	[hbm4b:s26+s2] =	stream.linear.scatter [tilespmem:s28], [sflag:$0x3], $0x200, $0x38;
	[tilespmem:$0x14600] =	vst v63  }
0x286: {  	_ =	swait.ge [sflag:s1], $0x200  }
0x287: {  	[sflag:s1] =	ssyncset.done $0x0  }
0x288: {  	s30 =	simm.s32 $0x2;
	[sflag:s1] =	ssyncadd.s32 $0xFFFFFE00  }
0x289: {  	_ =	swait.ge [sflag:s30], $0x2000  }
0x28a: {  	[sflag:s30] =	ssyncset.done $0x0  }
0x28b: {  	[sflag:s30] =	ssyncadd.s32 $0xFFFFE000  }
0x28c: {  	_ =	swait.ge [sflag:s30], $0x2000  }
0x28d: {  	s4 =	sld [smem:$0x7F1]  }
0x28e: {  	s31 =	sld [smem:$0x7F7];
	_ =	sdelay $0x1  }
0x28f: {  	s4 =	sadd.s32 $0x1, s4  }
0x290: {  	p0 =	sne.s32 s4, s31  }
.Ltmp1:
0x291: {  	_ = 	snop;
	(pc) =	sbr.rel @p0 .LBB2_1-.Ltmp1, $3  }
0x292: {  	_ =	sdelay $0x1  }
0x293: {  	[sflag:s30] =	ssyncset.done $0x0  }
0x294: {  	[sflag:s30] =	ssyncadd.s32 $0xFFFFE000  }
0x295: {  	_ =	sfence.sel $0x180000  }
0x296: {  	[bflag:$0x0] =	sbarrier.arrive $0xFFFF  }
0x297: {  	_ =	strace $0x90000047  }
0x298: {  	s0 =	stileid.u32;
	[bflag:$0x2] =	sbarrier.arrive $0xFFFF  }
0x299: {  	p0 =	sne.s32 s0, $0x0;
	s0 =	rddreg [dreg:$0x7]  }
0x29a: {  	s0 =	sadd.s32 @!p0 $0x100000, s0  }
0x29b: {  	[sflag:s0] =	ssyncadd.tile.s32 @!p0 $0x1;
	_ =	shalt  }
.Lfunc_end2:
_tile_overlayer_lowered:
.L_overlay_start_2:
0x29c: {  	(tag) =	ssettag $0x2  }
0x29d: {  	s0 =	rddreg [dreg:$0x0];
	s2 =	stileid.u32  }
0x29e: {  	s1 =	rddreg [dreg:$0x1];
	p0 =	sne.s32 s2, $0x0  }
0x29f: {  	s3 =	rddreg [dreg:$0x2];
	[bflag:$0x3] =	sbarrier.arrive $0xFFFF;
	s2 =	simm.s32 @!p0 $0x1C03  }
0x2a0: {  	[timem:s3], [sflag:s2] =	dma.local @!p0 [hbm:s0], s1  }
0x2a1: {  	s0 =	simm.s32 @!p0 $0x3  }
0x2a2: {  	_ =	swait.ge @!p0 [sflag:s0], s1  }
0x2a3: {  	s1 =	ssub.s32 @!p0 $0x0, s1;
	[sflag:s0] =	ssyncset.done @!p0 $0x0  }
0x2a4: {  	[sflag:s0] =	ssyncadd.s32 @!p0 s1  }
0x2a5: {  	[bflag:$0x3] =	sbarrier.arrive $0xFFFF  }
0x2a6: {  	_ =	shalt  }

</sc_bundles>
